<compile_context>
chip_gen: v7x
topology: tpu7x:2x2x1
jax: 0.10.2.dev20260603
libtpu: 0.0.44.dev20260713+nightly
codegen_flags: <defaults>
</compile_context>

<pallas_src>
import functools

import jax
import jax.numpy as jnp
from jax import lax
from jax.experimental import pallas as pl
from jax.experimental.pallas import tpu as pltpu
from jax.experimental.pallas import tpu_sc as plsc

D_MODEL = 128
FRAG_DIM = 64
ATOM_DIM = 64
LANES = 16
NB_SPMEM = 4


@functools.lru_cache(maxsize=None)
def _build(B, F, A):
    R = F * A
    NC, NS = 2, 16
    NW = NC * NS
    BPW = B // NW
    NCH = 10
    CF = F // NCH
    CR = CF * A
    SR = R // NS

    mesh = plsc.VectorSubcoreMesh(core_axis_name="c", subcore_axis_name="s")

    @functools.partial(
        pl.kernel,
        out_type=[
            jax.ShapeDtypeStruct((B, R, D_MODEL), jnp.float32),
        ],
        mesh=mesh,
        scratch_types=[
            pltpu.VMEM((F, FRAG_DIM), jnp.float32),
            pltpu.VMEM((A, ATOM_DIM), jnp.float32),
            pltpu.VMEM((CR, D_MODEL), jnp.float32),
            pltpu.VMEM((CR, D_MODEL), jnp.float32),
            pltpu.VMEM_SHARED((R, D_MODEL), jnp.float32),
            pltpu.SemaphoreType.DMA,
            pltpu.SemaphoreType.DMA,
            pltpu.SemaphoreType.DMA,
        ],
    )
    def sc_kernel(pe_frag_hbm, pe_atom_hbm, atom_out_hbm,
                  pf_v, pa_v, ch0_v, ch1_v, pat_sh,
                  sem0, sem1, ssem):
        cid = lax.axis_index("c")
        sid = lax.axis_index("s")
        wid = sid * NC + cid
        b0 = wid * BPW

        pltpu.sync_copy(pe_frag_hbm, pf_v)
        pltpu.sync_copy(pe_atom_hbm, pa_v)

        bufs = (ch0_v, ch1_v)
        sems = (sem0, sem1)

        def atom_half(buf):
            def body(r, carry):
                a = lax.rem(r, A)
                for j in range(ATOM_DIM // LANES):
                    buf[r, pl.ds(FRAG_DIM + j * LANES, LANES)] = pa_v[a, pl.ds(j * LANES, LANES)]
                return carry

            lax.fori_loop(0, CR, body, 0)

        def frag_half(buf, f0):
            def grp(g, carry):
                vs = [pf_v[f0 + g, pl.ds(j * LANES, LANES)]
                      for j in range(FRAG_DIM // LANES)]

                def inner(a, c2):
                    r = g * A + a
                    for j in range(FRAG_DIM // LANES):
                        buf[r, pl.ds(j * LANES, LANES)] = vs[j]
                    return c2

                lax.fori_loop(0, A, inner, 0)
                return carry

            lax.fori_loop(0, CF, grp, 0)

        def fire_chunk(buf, ci, sem):
            return [
                pltpu.async_copy(
                    buf, atom_out_hbm.at[b0 + i, pl.ds(ci * CR, CR), :], sem)
                for i in range(NB_SPMEM, BPW)
            ]

        r0 = sid * SR

        def pat_row(r, carry):
            f = lax.div(r0 + r, A)
            a = lax.rem(r0 + r, A)
            for j in range(FRAG_DIM // LANES):
                ch1_v[r, pl.ds(j * LANES, LANES)] = pf_v[f, pl.ds(j * LANES, LANES)]
            for j in range(ATOM_DIM // LANES):
                ch1_v[r, pl.ds(FRAG_DIM + j * LANES, LANES)] = pa_v[a, pl.ds(j * LANES, LANES)]
            return carry

        lax.fori_loop(0, SR, pat_row, 0)
        pltpu.sync_copy(ch1_v.at[pl.ds(0, SR), :], pat_sh.at[pl.ds(r0, SR), :])
        plsc.subcore_barrier()

        sp_descs = [
            pltpu.async_copy(pat_sh, atom_out_hbm.at[b0 + i], ssem)
            for i in range(NB_SPMEM)
        ]

        atom_half(ch0_v)
        frag_half(ch0_v, 0)
        pending = [fire_chunk(ch0_v, 0, sem0), []]
        atom_half(ch1_v)
        for ci in range(1, NCH):
            k = ci % 2
            buf = bufs[k]
            for d in pending[k]:
                d.wait()
            frag_half(buf, ci * CF)
            pending[k] = fire_chunk(buf, ci, sems[k])

        for k in (0, 1):
            for d in pending[k]:
                d.wait()
        for d in sp_descs:
            d.wait()

    def fo_body(pf_ref, out_ref):
        fp = pf_ref[...]
        pad = jnp.zeros((F, ATOM_DIM), jnp.float32)
        out_ref[0] = jnp.concatenate([fp, pad], axis=-1)

    fo_call = pl.pallas_call(
        fo_body,
        grid=(B,),
        in_specs=[pl.BlockSpec((F, FRAG_DIM), lambda b: (0, 0))],
        out_specs=pl.BlockSpec((1, F, D_MODEL), lambda b: (b, 0, 0)),
        out_shape=jax.ShapeDtypeStruct((B, F, D_MODEL), jnp.float32),
    )

    def run(pe_frag, pe_atom):
        res = sc_kernel(pe_frag, pe_atom)
        atom_full = res[0] if isinstance(res, (list, tuple)) else res
        frag_out = fo_call(pe_frag)
        return frag_out, atom_full

    return run


def kernel(fragment_features, atom_features, pe_frag, pe_atom):
    B, F = fragment_features.shape[:2]
    A = atom_features.shape[1] // F
    fn = _build(B, F, A)
    frag_out, atom_full = fn(pe_frag, pe_atom)
    return (frag_out, atom_full)

# --- scband reference (transcript-rebuilt; emitter-appended) ---
"""Pipeline reference for scband-hierarchical-positional-embedding-58016418234792 (READ-ONLY COPY).

The authoritative reference and input builder live on the scoring server;
editing this copy changes nothing except your own understanding.
"""

import math
import jax, jax.numpy as jnp
import numpy as np

D_MODEL = 128
MAX_FRAGMENTS = 50
MAX_ATOMS = 64
FRAG_DIM = D_MODEL // 2
ATOM_DIM = D_MODEL - FRAG_DIM


def make_pe(max_len, d_model):
    position = np.arange(0, max_len, dtype=np.float64)[:, None]
    div_term = np.exp(np.arange(0, d_model, 2, dtype=np.float64) * -(math.log(10000.0) / d_model))
    pe = np.zeros((max_len, d_model), dtype=np.float64)
    n_even = math.ceil(d_model / 2)
    n_odd = d_model - n_even
    pe[:, 0::2] = np.sin(position * div_term[:n_even])
    pe[:, 1::2] = np.cos(position * div_term[:n_odd])
    return jnp.asarray(pe, dtype=jnp.float32)


def setup_inputs(seed: int = 0) -> dict:
    key = jax.random.key(seed)
    k1, k2 = jax.random.split(key)
    fragment_features = jax.random.normal(k1, (256, MAX_FRAGMENTS, D_MODEL), dtype=jnp.float32)
    atom_features = jax.random.normal(k2, (256, MAX_FRAGMENTS * MAX_ATOMS, D_MODEL), dtype=jnp.float32)
    pe_frag = make_pe(MAX_FRAGMENTS, FRAG_DIM)
    pe_atom = make_pe(MAX_ATOMS, ATOM_DIM)
    return {"fragment_features": fragment_features, "atom_features": atom_features, "pe_frag": pe_frag, "pe_atom": pe_atom}


def reference(fragment_features, atom_features, pe_frag, pe_atom):
    batch_size, n_fragments = fragment_features.shape[:2]
    frag_dim = pe_frag.shape[1]
    atom_dim = pe_atom.shape[1]
    max_atoms = atom_features.shape[1] // n_fragments
    # fragment positional embeddings: gather from sinusoidal table
    fragment_indices = jnp.broadcast_to(jnp.arange(n_fragments), (batch_size, n_fragments))
    frag_pe = jnp.take(pe_frag, fragment_indices, axis=0)  # [B, n_frag, frag_dim]
    padding = jnp.zeros((batch_size, n_fragments, atom_dim), dtype=frag_pe.dtype)
    frag_out = jnp.concatenate([frag_pe, padding], axis=-1)
    # atom positional embeddings
    atom_indices = jnp.broadcast_to(jnp.arange(max_atoms), (batch_size, n_fragments, max_atoms))
    atom_indices = atom_indices.reshape(batch_size, -1)
    atom_pe = jnp.take(pe_atom, atom_indices, axis=0)  # [B, n_frag*max_atoms, atom_dim]
    frag_pe_expanded = jnp.broadcast_to(frag_pe[:, :, None, :], (batch_size, n_fragments, max_atoms, frag_dim))
    frag_pe_expanded = frag_pe_expanded.reshape(batch_size, -1, frag_dim)
    atom_full_pe = jnp.concatenate([frag_pe_expanded, atom_pe], axis=-1)
    return (frag_out, atom_full_pe)

if __name__ == "__main__":
    import jax
    _d = setup_inputs()
    print(jax.jit(kernel)(*tuple(_d.values())))

</pallas_src>

<mosaic_0001>
#map = affine_map<(d0, d1) -> (0, 0)>
#map1 = affine_map<(d0, d1) -> (0, 0, 0)>
module attributes {stable_mosaic.version = 14 : i64} {
  func.func @sc_kernel(%arg0: i32, %arg1: i32, %arg2: memref<50x64xf32, #tpu.memory_space<hbm>>, %arg3: memref<64x64xf32, #tpu.memory_space<hbm>>, %arg4: memref<256x3200x128xf32, #tpu.memory_space<hbm>>, %arg5: memref<50x64xf32, #tpu.memory_space<vmem>>, %arg6: memref<64x64xf32, #tpu.memory_space<vmem>>, %arg7: memref<320x128xf32, #tpu.memory_space<vmem>>, %arg8: memref<320x128xf32, #tpu.memory_space<vmem>>, %arg9: memref<3200x128xf32, #tpu.memory_space<vmem_shared>>, %arg10: memref<!tpu.dma_semaphore, #tpu.memory_space<semaphore_mem>>, %arg11: memref<!tpu.dma_semaphore, #tpu.memory_space<semaphore_mem>>, %arg12: memref<!tpu.dma_semaphore, #tpu.memory_space<semaphore_mem>>) attributes {dimension_semantics = [#tpu.dimension_semantics<core_parallel>, #tpu.dimension_semantics<subcore_parallel>], iteration_bounds = array<i64: 2, 16>, scalar_prefetch = 0 : i64, scratch_operands = 8 : i64, tpu.core_type = #tpu.core_type<sc_vector_subcore>, window_params = [{transform_indices = #map}, {transform_indices = #map}, {transform_indices = #map1}]} {
    %mul3A = arith.constant 2 : i32
    %mul3A_0 = arith.muli %arg1, %mul3A : i32
    %add3A = arith.addi %mul3A_0, %arg0 : i32
    %mul3A_1 = arith.constant 8 : i32
    %mul3A_2 = arith.muli %add3A, %mul3A_1 : i32
    "tpu.region"() ({
      %run_scoped3A = tpu.sem_alloc : memref<!tpu.dma_semaphore, #tpu.memory_space<semaphore_mem>>
      tpu.enqueue_dma source(%arg2 : memref<50x64xf32, #tpu.memory_space<hbm>>) target(%arg5 : memref<50x64xf32, #tpu.memory_space<vmem>>) target_semaphore(%run_scoped3A : memref<!tpu.dma_semaphore, #tpu.memory_space<semaphore_mem>>)
      tpu.wait_dma2 semaphore(%run_scoped3A : memref<!tpu.dma_semaphore, #tpu.memory_space<semaphore_mem>>) src(%arg2 : memref<50x64xf32, #tpu.memory_space<hbm>>) dst(%arg5 : memref<50x64xf32, #tpu.memory_space<vmem>>)
      tpu.yield
    }) : () -> ()
    "tpu.region"() ({
      %run_scoped3A = tpu.sem_alloc : memref<!tpu.dma_semaphore, #tpu.memory_space<semaphore_mem>>
      tpu.enqueue_dma source(%arg3 : memref<64x64xf32, #tpu.memory_space<hbm>>) target(%arg6 : memref<64x64xf32, #tpu.memory_space<vmem>>) target_semaphore(%run_scoped3A : memref<!tpu.dma_semaphore, #tpu.memory_space<semaphore_mem>>)
      tpu.wait_dma2 semaphore(%run_scoped3A : memref<!tpu.dma_semaphore, #tpu.memory_space<semaphore_mem>>) src(%arg3 : memref<64x64xf32, #tpu.memory_space<hbm>>) dst(%arg6 : memref<64x64xf32, #tpu.memory_space<vmem>>)
      tpu.yield
    }) : () -> ()
    %mul3A_3 = arith.constant 200 : i32
    %mul3A_4 = arith.muli %arg1, %mul3A_3 : i32
    %scan3A = arith.constant 0 : i32
    %scan3A_5 = arith.constant 0 : i32
    %scan3A_6 = arith.constant 200 : i32
    %scan3A_7 = arith.addi %scan3A_5, %scan3A_6 : i32
    %scan3A_8 = arith.constant 1 : i32
    scf.for %scan3A_840 = %scan3A_5 to %scan3A_7 step %scan3A_8  : i32 {
      %add3A_841 = arith.addi %mul3A_4, %scan3A_840 : i32
      %div3A = arith.constant 64 : i32
      %div3A_842 = arith.divsi %add3A_841, %div3A : i32
      %add3A_843 = arith.addi %mul3A_4, %scan3A_840 : i32
      %rem3A = arith.constant 64 : i32
      %rem3A_844 = arith.remsi %add3A_843, %rem3A : i32
      %get3A = arith.index_cast %div3A_842 : i32 to index
      %get3A_845 = arith.constant 0 : index
      %get3A_846 = tpu.vector_load %arg5[%get3A, %get3A_845] {strides = array<i32>} : memref<50x64xf32, #tpu.memory_space<vmem>>, vector<1x16xf32>,
      %get3A_847 = vector.shape_cast %get3A_846 : vector<1x16xf32> to vector<16xf32>
      %swap3A = arith.index_cast %scan3A_840 : i32 to index
      %swap3A_848 = arith.constant 0 : index
      %swap3A_849 = tpu.vector_load %arg8[%swap3A, %swap3A_848] {strides = array<i32>} : memref<320x128xf32, #tpu.memory_space<vmem>>, vector<1x16xf32>,
      %swap3A_850 = vector.shape_cast %swap3A_849 : vector<1x16xf32> to vector<16xf32>
      %swap3A_851 = vector.shape_cast %get3A_847 : vector<16xf32> to vector<1x16xf32>
      tpu.vector_store %arg8[%swap3A, %swap3A_848], %swap3A_851 {strides = array<i32>} : memref<320x128xf32, #tpu.memory_space<vmem>>, vector<1x16xf32>,
      %get3A_852 = arith.index_cast %div3A_842 : i32 to index
      %get3A_853 = arith.constant 16 : index
      %get3A_854 = tpu.vector_load %arg5[%get3A_852, %get3A_853] {strides = array<i32>} : memref<50x64xf32, #tpu.memory_space<vmem>>, vector<1x16xf32>,
      %get3A_855 = vector.shape_cast %get3A_854 : vector<1x16xf32> to vector<16xf32>
      %swap3A_856 = arith.index_cast %scan3A_840 : i32 to index
      %swap3A_857 = arith.constant 16 : index
      %swap3A_858 = tpu.vector_load %arg8[%swap3A_856, %swap3A_857] {strides = array<i32>} : memref<320x128xf32, #tpu.memory_space<vmem>>, vector<1x16xf32>,
      %swap3A_859 = vector.shape_cast %swap3A_858 : vector<1x16xf32> to vector<16xf32>
      %swap3A_860 = vector.shape_cast %get3A_855 : vector<16xf32> to vector<1x16xf32>
      tpu.vector_store %arg8[%swap3A_856, %swap3A_857], %swap3A_860 {strides = array<i32>} : memref<320x128xf32, #tpu.memory_space<vmem>>, vector<1x16xf32>,
      %get3A_861 = arith.index_cast %div3A_842 : i32 to index
      %get3A_862 = arith.constant 32 : index
      %get3A_863 = tpu.vector_load %arg5[%get3A_861, %get3A_862] {strides = array<i32>} : memref<50x64xf32, #tpu.memory_space<vmem>>, vector<1x16xf32>,
      %get3A_864 = vector.shape_cast %get3A_863 : vector<1x16xf32> to vector<16xf32>
      %swap3A_865 = arith.index_cast %scan3A_840 : i32 to index
      %swap3A_866 = arith.constant 32 : index
      %swap3A_867 = tpu.vector_load %arg8[%swap3A_865, %swap3A_866] {strides = array<i32>} : memref<320x128xf32, #tpu.memory_space<vmem>>, vector<1x16xf32>,
      %swap3A_868 = vector.shape_cast %swap3A_867 : vector<1x16xf32> to vector<16xf32>
      %swap3A_869 = vector.shape_cast %get3A_864 : vector<16xf32> to vector<1x16xf32>
      tpu.vector_store %arg8[%swap3A_865, %swap3A_866], %swap3A_869 {strides = array<i32>} : memref<320x128xf32, #tpu.memory_space<vmem>>, vector<1x16xf32>,
      %get3A_870 = arith.index_cast %div3A_842 : i32 to index
      %get3A_871 = arith.constant 48 : index
      %get3A_872 = tpu.vector_load %arg5[%get3A_870, %get3A_871] {strides = array<i32>} : memref<50x64xf32, #tpu.memory_space<vmem>>, vector<1x16xf32>,
      %get3A_873 = vector.shape_cast %get3A_872 : vector<1x16xf32> to vector<16xf32>
      %swap3A_874 = arith.index_cast %scan3A_840 : i32 to index
      %swap3A_875 = arith.constant 48 : index
      %swap3A_876 = tpu.vector_load %arg8[%swap3A_874, %swap3A_875] {strides = array<i32>} : memref<320x128xf32, #tpu.memory_space<vmem>>, vector<1x16xf32>,
      %swap3A_877 = vector.shape_cast %swap3A_876 : vector<1x16xf32> to vector<16xf32>
      %swap3A_878 = vector.shape_cast %get3A_873 : vector<16xf32> to vector<1x16xf32>
      tpu.vector_store %arg8[%swap3A_874, %swap3A_875], %swap3A_878 {strides = array<i32>} : memref<320x128xf32, #tpu.memory_space<vmem>>, vector<1x16xf32>,
      %get3A_879 = arith.index_cast %rem3A_844 : i32 to index
      %get3A_880 = arith.constant 0 : index
      %get3A_881 = tpu.vector_load %arg6[%get3A_879, %get3A_880] {strides = array<i32>} : memref<64x64xf32, #tpu.memory_space<vmem>>, vector<1x16xf32>,
      %get3A_882 = vector.shape_cast %get3A_881 : vector<1x16xf32> to vector<16xf32>
      %swap3A_883 = arith.index_cast %scan3A_840 : i32 to index
      %swap3A_884 = arith.constant 64 : index
      %swap3A_885 = tpu.vector_load %arg8[%swap3A_883, %swap3A_884] {strides = array<i32>} : memref<320x128xf32, #tpu.memory_space<vmem>>, vector<1x16xf32>,
      %swap3A_886 = vector.shape_cast %swap3A_885 : vector<1x16xf32> to vector<16xf32>
      %swap3A_887 = vector.shape_cast %get3A_882 : vector<16xf32> to vector<1x16xf32>
      tpu.vector_store %arg8[%swap3A_883, %swap3A_884], %swap3A_887 {strides = array<i32>} : memref<320x128xf32, #tpu.memory_space<vmem>>, vector<1x16xf32>,
      %get3A_888 = arith.index_cast %rem3A_844 : i32 to index
      %get3A_889 = arith.constant 16 : index
      %get3A_890 = tpu.vector_load %arg6[%get3A_888, %get3A_889] {strides = array<i32>} : memref<64x64xf32, #tpu.memory_space<vmem>>, vector<1x16xf32>,
      %get3A_891 = vector.shape_cast %get3A_890 : vector<1x16xf32> to vector<16xf32>
      %swap3A_892 = arith.index_cast %scan3A_840 : i32 to index
      %swap3A_893 = arith.constant 80 : index
      %swap3A_894 = tpu.vector_load %arg8[%swap3A_892, %swap3A_893] {strides = array<i32>} : memref<320x128xf32, #tpu.memory_space<vmem>>, vector<1x16xf32>,
      %swap3A_895 = vector.shape_cast %swap3A_894 : vector<1x16xf32> to vector<16xf32>
      %swap3A_896 = vector.shape_cast %get3A_891 : vector<16xf32> to vector<1x16xf32>
      tpu.vector_store %arg8[%swap3A_892, %swap3A_893], %swap3A_896 {strides = array<i32>} : memref<320x128xf32, #tpu.memory_space<vmem>>, vector<1x16xf32>,
      %get3A_897 = arith.index_cast %rem3A_844 : i32 to index
      %get3A_898 = arith.constant 32 : index
      %get3A_899 = tpu.vector_load %arg6[%get3A_897, %get3A_898] {strides = array<i32>} : memref<64x64xf32, #tpu.memory_space<vmem>>, vector<1x16xf32>,
      %get3A_900 = vector.shape_cast %get3A_899 : vector<1x16xf32> to vector<16xf32>
      %swap3A_901 = arith.index_cast %scan3A_840 : i32 to index
      %swap3A_902 = arith.constant 96 : index
      %swap3A_903 = tpu.vector_load %arg8[%swap3A_901, %swap3A_902] {strides = array<i32>} : memref<320x128xf32, #tpu.memory_space<vmem>>, vector<1x16xf32>,
      %swap3A_904 = vector.shape_cast %swap3A_903 : vector<1x16xf32> to vector<16xf32>
      %swap3A_905 = vector.shape_cast %get3A_900 : vector<16xf32> to vector<1x16xf32>
      tpu.vector_store %arg8[%swap3A_901, %swap3A_902], %swap3A_905 {strides = array<i32>} : memref<320x128xf32, #tpu.memory_space<vmem>>, vector<1x16xf32>,
      %get3A_906 = arith.index_cast %rem3A_844 : i32 to index
      %get3A_907 = arith.constant 48 : index
      %get3A_908 = tpu.vector_load %arg6[%get3A_906, %get3A_907] {strides = array<i32>} : memref<64x64xf32, #tpu.memory_space<vmem>>, vector<1x16xf32>,
      %get3A_909 = vector.shape_cast %get3A_908 : vector<1x16xf32> to vector<16xf32>
      %swap3A_910 = arith.index_cast %scan3A_840 : i32 to index
      %swap3A_911 = arith.constant 112 : index
      %swap3A_912 = tpu.vector_load %arg8[%swap3A_910, %swap3A_911] {strides = array<i32>} : memref<320x128xf32, #tpu.memory_space<vmem>>, vector<1x16xf32>,
      %swap3A_913 = vector.shape_cast %swap3A_912 : vector<1x16xf32> to vector<16xf32>
      %swap3A_914 = vector.shape_cast %get3A_909 : vector<16xf32> to vector<1x16xf32>
      tpu.vector_store %arg8[%swap3A_910, %swap3A_911], %swap3A_914 {strides = array<i32>} : memref<320x128xf32, #tpu.memory_space<vmem>>, vector<1x16xf32>,
    }
    %scan3A_9 = arith.constant 200 : i32
    "tpu.region"() ({
      %run_scoped3A = tpu.sem_alloc : memref<!tpu.dma_semaphore, #tpu.memory_space<semaphore_mem>>
      %dma_start3A_840 = arith.constant 0 : i32
      %dma_start3A_841 = arith.constant 0 : i32
      %dma_start3A_842 = tpu.memref_slice %arg8[%dma_start3A_840, %dma_start3A_841] : memref<320x128xf32, #tpu.memory_space<vmem>> -> memref<200x128xf32, #tpu.memory_space<vmem>>
      %dma_start3A_843 = arith.constant 0 : i32
      %dma_start3A_844 = tpu.memref_slice %arg9[%mul3A_4, %dma_start3A_843] : memref<3200x128xf32, #tpu.memory_space<vmem_shared>> -> memref<200x128xf32, #tpu.memory_space<vmem_shared>>
      %dma_start3A_845 = arith.constant 0 : i32
      %dma_start3A_846 = tpu.memref_slice %arg9[%mul3A_4, %dma_start3A_845] : memref<3200x128xf32, #tpu.memory_space<vmem_shared>> -> memref<200x128xf32, #tpu.memory_space<vmem_shared>>
      %dma_start3A_847 = arith.constant 0 : i32
      %dma_start3A_848 = arith.constant 0 : i32
      %dma_start3A_849 = tpu.memref_slice %arg8[%dma_start3A_847, %dma_start3A_848] : memref<320x128xf32, #tpu.memory_space<vmem>> -> memref<200x128xf32, #tpu.memory_space<vmem>>
      tpu.enqueue_dma source(%dma_start3A_849 : memref<200x128xf32, #tpu.memory_space<vmem>>) target(%dma_start3A_846 : memref<200x128xf32, #tpu.memory_space<vmem_shared>>) target_semaphore(%run_scoped3A : memref<!tpu.dma_semaphore, #tpu.memory_space<semaphore_mem>>)
      %dma_wait3A_850 = arith.constant 0 : i32
      %dma_wait3A_851 = arith.constant 0 : i32
      %dma_wait3A_852 = tpu.memref_slice %arg8[%dma_wait3A_850, %dma_wait3A_851] : memref<320x128xf32, #tpu.memory_space<vmem>> -> memref<200x128xf32, #tpu.memory_space<vmem>>
      %dma_wait3A_853 = arith.constant 0 : i32
      %dma_wait3A_854 = tpu.memref_slice %arg9[%mul3A_4, %dma_wait3A_853] : memref<3200x128xf32, #tpu.memory_space<vmem_shared>> -> memref<200x128xf32, #tpu.memory_space<vmem_shared>>
      %dma_wait3A_855 = arith.constant 0 : i32
      %dma_wait3A_856 = tpu.memref_slice %arg9[%mul3A_4, %dma_wait3A_855] : memref<3200x128xf32, #tpu.memory_space<vmem_shared>> -> memref<200x128xf32, #tpu.memory_space<vmem_shared>>
      %dma_wait3A_857 = arith.constant 0 : i32
      %dma_wait3A_858 = arith.constant 0 : i32
      %dma_wait3A_859 = tpu.memref_slice %arg8[%dma_wait3A_857, %dma_wait3A_858] : memref<320x128xf32, #tpu.memory_space<vmem>> -> memref<200x128xf32, #tpu.memory_space<vmem>>
      tpu.wait_dma2 semaphore(%run_scoped3A : memref<!tpu.dma_semaphore, #tpu.memory_space<semaphore_mem>>) src(%dma_wait3A_859 : memref<200x128xf32, #tpu.memory_space<vmem>>) dst(%dma_wait3A_856 : memref<200x128xf32, #tpu.memory_space<vmem_shared>>)
      tpu.yield
    }) : () -> ()
    %barrier3A = arith.constant 0 : index
    tpu.barrier barrier_id(%barrier3A)
    %add3A_10 = arith.constant 0 : i32
    %add3A_11 = arith.addi %mul3A_2, %add3A_10 : i32
    %dma_start3A = arith.constant 0 : i32
    %dma_start3A_12 = arith.constant 0 : i32
    %dma_start3A_13 = tpu.memref_slice %arg4[%add3A_11, %dma_start3A, %dma_start3A_12] : memref<256x3200x128xf32, #tpu.memory_space<hbm>> -> memref<1x3200x128xf32, #tpu.memory_space<hbm>>
    %dma_start3A_14 = tpu.memref_squeeze %dma_start3A_13 : memref<1x3200x128xf32, #tpu.memory_space<hbm>> -> memref<3200x128xf32, #tpu.memory_space<hbm>>
    tpu.enqueue_dma source(%arg9 : memref<3200x128xf32, #tpu.memory_space<vmem_shared>>) target(%dma_start3A_14 : memref<3200x128xf32, #tpu.memory_space<hbm>>) target_semaphore(%arg12 : memref<!tpu.dma_semaphore, #tpu.memory_space<semaphore_mem>>)
    %add3A_15 = arith.constant 1 : i32
    %add3A_16 = arith.addi %mul3A_2, %add3A_15 : i32
    %dma_start3A_17 = arith.constant 0 : i32
    %dma_start3A_18 = arith.constant 0 : i32
    %dma_start3A_19 = tpu.memref_slice %arg4[%add3A_16, %dma_start3A_17, %dma_start3A_18] : memref<256x3200x128xf32, #tpu.memory_space<hbm>> -> memref<1x3200x128xf32, #tpu.memory_space<hbm>>
    %dma_start3A_20 = tpu.memref_squeeze %dma_start3A_19 : memref<1x3200x128xf32, #tpu.memory_space<hbm>> -> memref<3200x128xf32, #tpu.memory_space<hbm>>
    tpu.enqueue_dma source(%arg9 : memref<3200x128xf32, #tpu.memory_space<vmem_shared>>) target(%dma_start3A_20 : memref<3200x128xf32, #tpu.memory_space<hbm>>) target_semaphore(%arg12 : memref<!tpu.dma_semaphore, #tpu.memory_space<semaphore_mem>>)
    %add3A_21 = arith.constant 2 : i32
    %add3A_22 = arith.addi %mul3A_2, %add3A_21 : i32
    %dma_start3A_23 = arith.constant 0 : i32
    %dma_start3A_24 = arith.constant 0 : i32
    %dma_start3A_25 = tpu.memref_slice %arg4[%add3A_22, %dma_start3A_23, %dma_start3A_24] : memref<256x3200x128xf32, #tpu.memory_space<hbm>> -> memref<1x3200x128xf32, #tpu.memory_space<hbm>>
    %dma_start3A_26 = tpu.memref_squeeze %dma_start3A_25 : memref<1x3200x128xf32, #tpu.memory_space<hbm>> -> memref<3200x128xf32, #tpu.memory_space<hbm>>
    tpu.enqueue_dma source(%arg9 : memref<3200x128xf32, #tpu.memory_space<vmem_shared>>) target(%dma_start3A_26 : memref<3200x128xf32, #tpu.memory_space<hbm>>) target_semaphore(%arg12 : memref<!tpu.dma_semaphore, #tpu.memory_space<semaphore_mem>>)
    %add3A_27 = arith.constant 3 : i32
    %add3A_28 = arith.addi %mul3A_2, %add3A_27 : i32
    %dma_start3A_29 = arith.constant 0 : i32
    %dma_start3A_30 = arith.constant 0 : i32
    %dma_start3A_31 = tpu.memref_slice %arg4[%add3A_28, %dma_start3A_29, %dma_start3A_30] : memref<256x3200x128xf32, #tpu.memory_space<hbm>> -> memref<1x3200x128xf32, #tpu.memory_space<hbm>>
    %dma_start3A_32 = tpu.memref_squeeze %dma_start3A_31 : memref<1x3200x128xf32, #tpu.memory_space<hbm>> -> memref<3200x128xf32, #tpu.memory_space<hbm>>
    tpu.enqueue_dma source(%arg9 : memref<3200x128xf32, #tpu.memory_space<vmem_shared>>) target(%dma_start3A_32 : memref<3200x128xf32, #tpu.memory_space<hbm>>) target_semaphore(%arg12 : memref<!tpu.dma_semaphore, #tpu.memory_space<semaphore_mem>>)
    %scan3A_33 = arith.constant 0 : i32
    %scan3A_34 = arith.constant 0 : i32
    %scan3A_35 = arith.constant 320 : i32
    %scan3A_36 = arith.addi %scan3A_34, %scan3A_35 : i32
    %scan3A_37 = arith.constant 1 : i32
    scf.for %scan3A_840 = %scan3A_34 to %scan3A_36 step %scan3A_37  : i32 {
      %rem3A = arith.constant 64 : i32
      %rem3A_841 = arith.remsi %scan3A_840, %rem3A : i32
      %get3A = arith.index_cast %rem3A_841 : i32 to index
      %get3A_842 = arith.constant 0 : index
      %get3A_843 = tpu.vector_load %arg6[%get3A, %get3A_842] {strides = array<i32>} : memref<64x64xf32, #tpu.memory_space<vmem>>, vector<1x16xf32>,
      %get3A_844 = vector.shape_cast %get3A_843 : vector<1x16xf32> to vector<16xf32>
      %swap3A = arith.index_cast %scan3A_840 : i32 to index
      %swap3A_845 = arith.constant 64 : index
      %swap3A_846 = tpu.vector_load %arg7[%swap3A, %swap3A_845] {strides = array<i32>} : memref<320x128xf32, #tpu.memory_space<vmem>>, vector<1x16xf32>,
      %swap3A_847 = vector.shape_cast %swap3A_846 : vector<1x16xf32> to vector<16xf32>
      %swap3A_848 = vector.shape_cast %get3A_844 : vector<16xf32> to vector<1x16xf32>
      tpu.vector_store %arg7[%swap3A, %swap3A_845], %swap3A_848 {strides = array<i32>} : memref<320x128xf32, #tpu.memory_space<vmem>>, vector<1x16xf32>,
      %get3A_849 = arith.index_cast %rem3A_841 : i32 to index
      %get3A_850 = arith.constant 16 : index
      %get3A_851 = tpu.vector_load %arg6[%get3A_849, %get3A_850] {strides = array<i32>} : memref<64x64xf32, #tpu.memory_space<vmem>>, vector<1x16xf32>,
      %get3A_852 = vector.shape_cast %get3A_851 : vector<1x16xf32> to vector<16xf32>
      %swap3A_853 = arith.index_cast %scan3A_840 : i32 to index
      %swap3A_854 = arith.constant 80 : index
      %swap3A_855 = tpu.vector_load %arg7[%swap3A_853, %swap3A_854] {strides = array<i32>} : memref<320x128xf32, #tpu.memory_space<vmem>>, vector<1x16xf32>,
      %swap3A_856 = vector.shape_cast %swap3A_855 : vector<1x16xf32> to vector<16xf32>
      %swap3A_857 = vector.shape_cast %get3A_852 : vector<16xf32> to vector<1x16xf32>
      tpu.vector_store %arg7[%swap3A_853, %swap3A_854], %swap3A_857 {strides = array<i32>} : memref<320x128xf32, #tpu.memory_space<vmem>>, vector<1x16xf32>,
      %get3A_858 = arith.index_cast %rem3A_841 : i32 to index
      %get3A_859 = arith.constant 32 : index
      %get3A_860 = tpu.vector_load %arg6[%get3A_858, %get3A_859] {strides = array<i32>} : memref<64x64xf32, #tpu.memory_space<vmem>>, vector<1x16xf32>,
      %get3A_861 = vector.shape_cast %get3A_860 : vector<1x16xf32> to vector<16xf32>
      %swap3A_862 = arith.index_cast %scan3A_840 : i32 to index
      %swap3A_863 = arith.constant 96 : index
      %swap3A_864 = tpu.vector_load %arg7[%swap3A_862, %swap3A_863] {strides = array<i32>} : memref<320x128xf32, #tpu.memory_space<vmem>>, vector<1x16xf32>,
      %swap3A_865 = vector.shape_cast %swap3A_864 : vector<1x16xf32> to vector<16xf32>
      %swap3A_866 = vector.shape_cast %get3A_861 : vector<16xf32> to vector<1x16xf32>
      tpu.vector_store %arg7[%swap3A_862, %swap3A_863], %swap3A_866 {strides = array<i32>} : memref<320x128xf32, #tpu.memory_space<vmem>>, vector<1x16xf32>,
      %get3A_867 = arith.index_cast %rem3A_841 : i32 to index
      %get3A_868 = arith.constant 48 : index
      %get3A_869 = tpu.vector_load %arg6[%get3A_867, %get3A_868] {strides = array<i32>} : memref<64x64xf32, #tpu.memory_space<vmem>>, vector<1x16xf32>,
      %get3A_870 = vector.shape_cast %get3A_869 : vector<1x16xf32> to vector<16xf32>
      %swap3A_871 = arith.index_cast %scan3A_840 : i32 to index
      %swap3A_872 = arith.constant 112 : index
      %swap3A_873 = tpu.vector_load %arg7[%swap3A_871, %swap3A_872] {strides = array<i32>} : memref<320x128xf32, #tpu.memory_space<vmem>>, vector<1x16xf32>,
      %swap3A_874 = vector.shape_cast %swap3A_873 : vector<1x16xf32> to vector<16xf32>
      %swap3A_875 = vector.shape_cast %get3A_870 : vector<16xf32> to vector<1x16xf32>
      tpu.vector_store %arg7[%swap3A_871, %swap3A_872], %swap3A_875 {strides = array<i32>} : memref<320x128xf32, #tpu.memory_space<vmem>>, vector<1x16xf32>,
    }
    %scan3A_38 = arith.constant 320 : i32
    %scan3A_39 = arith.constant 0 : i32
    %scan3A_40 = arith.constant 0 : i32
    %scan3A_41 = arith.constant 5 : i32
    %scan3A_42 = arith.addi %scan3A_40, %scan3A_41 : i32
    %scan3A_43 = arith.constant 1 : i32
    scf.for %scan3A_840 = %scan3A_40 to %scan3A_42 step %scan3A_43  : i32 {
      %add3A_841 = arith.constant 0 : i32
      %add3A_842 = arith.addi %add3A_841, %scan3A_840 : i32
      %get3A = arith.index_cast %add3A_842 : i32 to index
      %get3A_843 = arith.constant 0 : index
      %get3A_844 = tpu.vector_load %arg5[%get3A, %get3A_843] {strides = array<i32>} : memref<50x64xf32, #tpu.memory_space<vmem>>, vector<1x16xf32>,
      %get3A_845 = vector.shape_cast %get3A_844 : vector<1x16xf32> to vector<16xf32>
      %add3A_846 = arith.constant 0 : i32
      %add3A_847 = arith.addi %add3A_846, %scan3A_840 : i32
      %get3A_848 = arith.index_cast %add3A_847 : i32 to index
      %get3A_849 = arith.constant 16 : index
      %get3A_850 = tpu.vector_load %arg5[%get3A_848, %get3A_849] {strides = array<i32>} : memref<50x64xf32, #tpu.memory_space<vmem>>, vector<1x16xf32>,
      %get3A_851 = vector.shape_cast %get3A_850 : vector<1x16xf32> to vector<16xf32>
      %add3A_852 = arith.constant 0 : i32
      %add3A_853 = arith.addi %add3A_852, %scan3A_840 : i32
      %get3A_854 = arith.index_cast %add3A_853 : i32 to index
      %get3A_855 = arith.constant 32 : index
      %get3A_856 = tpu.vector_load %arg5[%get3A_854, %get3A_855] {strides = array<i32>} : memref<50x64xf32, #tpu.memory_space<vmem>>, vector<1x16xf32>,
      %get3A_857 = vector.shape_cast %get3A_856 : vector<1x16xf32> to vector<16xf32>
      %add3A_858 = arith.constant 0 : i32
      %add3A_859 = arith.addi %add3A_858, %scan3A_840 : i32
      %get3A_860 = arith.index_cast %add3A_859 : i32 to index
      %get3A_861 = arith.constant 48 : index
      %get3A_862 = tpu.vector_load %arg5[%get3A_860, %get3A_861] {strides = array<i32>} : memref<50x64xf32, #tpu.memory_space<vmem>>, vector<1x16xf32>,
      %get3A_863 = vector.shape_cast %get3A_862 : vector<1x16xf32> to vector<16xf32>
      %scan3A_864 = arith.constant 0 : i32
      %scan3A_865 = arith.constant 0 : i32
      %scan3A_866 = arith.constant 64 : i32
      %scan3A_867 = arith.addi %scan3A_865, %scan3A_866 : i32
      %scan3A_868 = arith.constant 1 : i32
      scf.for %scan3A_870 = %scan3A_865 to %scan3A_867 step %scan3A_868  : i32 {
        %mul3A_871 = arith.constant 64 : i32
        %mul3A_872 = arith.muli %scan3A_840, %mul3A_871 : i32
        %add3A_873 = arith.addi %mul3A_872, %scan3A_870 : i32
        %swap3A = arith.index_cast %add3A_873 : i32 to index
        %swap3A_874 = arith.constant 0 : index
        %swap3A_875 = tpu.vector_load %arg7[%swap3A, %swap3A_874] {strides = array<i32>} : memref<320x128xf32, #tpu.memory_space<vmem>>, vector<1x16xf32>,
        %swap3A_876 = vector.shape_cast %swap3A_875 : vector<1x16xf32> to vector<16xf32>
        %swap3A_877 = vector.shape_cast %get3A_845 : vector<16xf32> to vector<1x16xf32>
        tpu.vector_store %arg7[%swap3A, %swap3A_874], %swap3A_877 {strides = array<i32>} : memref<320x128xf32, #tpu.memory_space<vmem>>, vector<1x16xf32>,
        %swap3A_878 = arith.index_cast %add3A_873 : i32 to index
        %swap3A_879 = arith.constant 16 : index
        %swap3A_880 = tpu.vector_load %arg7[%swap3A_878, %swap3A_879] {strides = array<i32>} : memref<320x128xf32, #tpu.memory_space<vmem>>, vector<1x16xf32>,
        %swap3A_881 = vector.shape_cast %swap3A_880 : vector<1x16xf32> to vector<16xf32>
        %swap3A_882 = vector.shape_cast %get3A_851 : vector<16xf32> to vector<1x16xf32>
        tpu.vector_store %arg7[%swap3A_878, %swap3A_879], %swap3A_882 {strides = array<i32>} : memref<320x128xf32, #tpu.memory_space<vmem>>, vector<1x16xf32>,
        %swap3A_883 = arith.index_cast %add3A_873 : i32 to index
        %swap3A_884 = arith.constant 32 : index
        %swap3A_885 = tpu.vector_load %arg7[%swap3A_883, %swap3A_884] {strides = array<i32>} : memref<320x128xf32, #tpu.memory_space<vmem>>, vector<1x16xf32>,
        %swap3A_886 = vector.shape_cast %swap3A_885 : vector<1x16xf32> to vector<16xf32>
        %swap3A_887 = vector.shape_cast %get3A_857 : vector<16xf32> to vector<1x16xf32>
        tpu.vector_store %arg7[%swap3A_883, %swap3A_884], %swap3A_887 {strides = array<i32>} : memref<320x128xf32, #tpu.memory_space<vmem>>, vector<1x16xf32>,
        %swap3A_888 = arith.index_cast %add3A_873 : i32 to index
        %swap3A_889 = arith.constant 48 : index
        %swap3A_890 = tpu.vector_load %arg7[%swap3A_888, %swap3A_889] {strides = array<i32>} : memref<320x128xf32, #tpu.memory_space<vmem>>, vector<1x16xf32>,
        %swap3A_891 = vector.shape_cast %swap3A_890 : vector<1x16xf32> to vector<16xf32>
        %swap3A_892 = vector.shape_cast %get3A_863 : vector<16xf32> to vector<1x16xf32>
        tpu.vector_store %arg7[%swap3A_888, %swap3A_889], %swap3A_892 {strides = array<i32>} : memref<320x128xf32, #tpu.memory_space<vmem>>, vector<1x16xf32>,
      }
      %scan3A_869 = arith.constant 64 : i32
    }
    %scan3A_44 = arith.constant 5 : i32
    %add3A_45 = arith.constant 4 : i32
    %add3A_46 = arith.addi %mul3A_2, %add3A_45 : i32
    %dma_start3A_47 = arith.constant 0 : i32
    %dma_start3A_48 = arith.constant 0 : i32
    %dma_start3A_49 = tpu.memref_slice %arg4[%add3A_46, %dma_start3A_47, %dma_start3A_48] : memref<256x3200x128xf32, #tpu.memory_space<hbm>> -> memref<1x320x128xf32, #tpu.memory_space<hbm>>
    %dma_start3A_50 = tpu.memref_squeeze %dma_start3A_49 : memref<1x320x128xf32, #tpu.memory_space<hbm>> -> memref<320x128xf32, #tpu.memory_space<hbm>>
    %dma_start3A_51 = arith.constant 0 : i32
    %dma_start3A_52 = arith.constant 0 : i32
    %dma_start3A_53 = tpu.memref_slice %arg4[%add3A_46, %dma_start3A_51, %dma_start3A_52] : memref<256x3200x128xf32, #tpu.memory_space<hbm>> -> memref<1x320x128xf32, #tpu.memory_space<hbm>>
    %dma_start3A_54 = tpu.memref_squeeze %dma_start3A_53 : memref<1x320x128xf32, #tpu.memory_space<hbm>> -> memref<320x128xf32, #tpu.memory_space<hbm>>
    tpu.enqueue_dma source(%arg7 : memref<320x128xf32, #tpu.memory_space<vmem>>) target(%dma_start3A_54 : memref<320x128xf32, #tpu.memory_space<hbm>>) target_semaphore(%arg10 : memref<!tpu.dma_semaphore, #tpu.memory_space<semaphore_mem>>)
    %add3A_55 = arith.constant 5 : i32
    %add3A_56 = arith.addi %mul3A_2, %add3A_55 : i32
    %dma_start3A_57 = arith.constant 0 : i32
    %dma_start3A_58 = arith.constant 0 : i32
    %dma_start3A_59 = tpu.memref_slice %arg4[%add3A_56, %dma_start3A_57, %dma_start3A_58] : memref<256x3200x128xf32, #tpu.memory_space<hbm>> -> memref<1x320x128xf32, #tpu.memory_space<hbm>>
    %dma_start3A_60 = tpu.memref_squeeze %dma_start3A_59 : memref<1x320x128xf32, #tpu.memory_space<hbm>> -> memref<320x128xf32, #tpu.memory_space<hbm>>
    %dma_start3A_61 = arith.constant 0 : i32
    %dma_start3A_62 = arith.constant 0 : i32
    %dma_start3A_63 = tpu.memref_slice %arg4[%add3A_56, %dma_start3A_61, %dma_start3A_62] : memref<256x3200x128xf32, #tpu.memory_space<hbm>> -> memref<1x320x128xf32, #tpu.memory_space<hbm>>
    %dma_start3A_64 = tpu.memref_squeeze %dma_start3A_63 : memref<1x320x128xf32, #tpu.memory_space<hbm>> -> memref<320x128xf32, #tpu.memory_space<hbm>>
    tpu.enqueue_dma source(%arg7 : memref<320x128xf32, #tpu.memory_space<vmem>>) target(%dma_start3A_64 : memref<320x128xf32, #tpu.memory_space<hbm>>) target_semaphore(%arg10 : memref<!tpu.dma_semaphore, #tpu.memory_space<semaphore_mem>>)
    %add3A_65 = arith.constant 6 : i32
    %add3A_66 = arith.addi %mul3A_2, %add3A_65 : i32
    %dma_start3A_67 = arith.constant 0 : i32
    %dma_start3A_68 = arith.constant 0 : i32
    %dma_start3A_69 = tpu.memref_slice %arg4[%add3A_66, %dma_start3A_67, %dma_start3A_68] : memref<256x3200x128xf32, #tpu.memory_space<hbm>> -> memref<1x320x128xf32, #tpu.memory_space<hbm>>
    %dma_start3A_70 = tpu.memref_squeeze %dma_start3A_69 : memref<1x320x128xf32, #tpu.memory_space<hbm>> -> memref<320x128xf32, #tpu.memory_space<hbm>>
    %dma_start3A_71 = arith.constant 0 : i32
    %dma_start3A_72 = arith.constant 0 : i32
    %dma_start3A_73 = tpu.memref_slice %arg4[%add3A_66, %dma_start3A_71, %dma_start3A_72] : memref<256x3200x128xf32, #tpu.memory_space<hbm>> -> memref<1x320x128xf32, #tpu.memory_space<hbm>>
    %dma_start3A_74 = tpu.memref_squeeze %dma_start3A_73 : memref<1x320x128xf32, #tpu.memory_space<hbm>> -> memref<320x128xf32, #tpu.memory_space<hbm>>
    tpu.enqueue_dma source(%arg7 : memref<320x128xf32, #tpu.memory_space<vmem>>) target(%dma_start3A_74 : memref<320x128xf32, #tpu.memory_space<hbm>>) target_semaphore(%arg10 : memref<!tpu.dma_semaphore, #tpu.memory_space<semaphore_mem>>)
    %add3A_75 = arith.constant 7 : i32
    %add3A_76 = arith.addi %mul3A_2, %add3A_75 : i32
    %dma_start3A_77 = arith.constant 0 : i32
    %dma_start3A_78 = arith.constant 0 : i32
    %dma_start3A_79 = tpu.memref_slice %arg4[%add3A_76, %dma_start3A_77, %dma_start3A_78] : memref<256x3200x128xf32, #tpu.memory_space<hbm>> -> memref<1x320x128xf32, #tpu.memory_space<hbm>>
    %dma_start3A_80 = tpu.memref_squeeze %dma_start3A_79 : memref<1x320x128xf32, #tpu.memory_space<hbm>> -> memref<320x128xf32, #tpu.memory_space<hbm>>
    %dma_start3A_81 = arith.constant 0 : i32
    %dma_start3A_82 = arith.constant 0 : i32
    %dma_start3A_83 = tpu.memref_slice %arg4[%add3A_76, %dma_start3A_81, %dma_start3A_82] : memref<256x3200x128xf32, #tpu.memory_space<hbm>> -> memref<1x320x128xf32, #tpu.memory_space<hbm>>
    %dma_start3A_84 = tpu.memref_squeeze %dma_start3A_83 : memref<1x320x128xf32, #tpu.memory_space<hbm>> -> memref<320x128xf32, #tpu.memory_space<hbm>>
    tpu.enqueue_dma source(%arg7 : memref<320x128xf32, #tpu.memory_space<vmem>>) target(%dma_start3A_84 : memref<320x128xf32, #tpu.memory_space<hbm>>) target_semaphore(%arg10 : memref<!tpu.dma_semaphore, #tpu.memory_space<semaphore_mem>>)
    %scan3A_85 = arith.constant 0 : i32
    %scan3A_86 = arith.constant 0 : i32
    %scan3A_87 = arith.constant 320 : i32
    %scan3A_88 = arith.addi %scan3A_86, %scan3A_87 : i32
    %scan3A_89 = arith.constant 1 : i32
    scf.for %scan3A_840 = %scan3A_86 to %scan3A_88 step %scan3A_89  : i32 {
      %rem3A = arith.constant 64 : i32
      %rem3A_841 = arith.remsi %scan3A_840, %rem3A : i32
      %get3A = arith.index_cast %rem3A_841 : i32 to index
      %get3A_842 = arith.constant 0 : index
      %get3A_843 = tpu.vector_load %arg6[%get3A, %get3A_842] {strides = array<i32>} : memref<64x64xf32, #tpu.memory_space<vmem>>, vector<1x16xf32>,
      %get3A_844 = vector.shape_cast %get3A_843 : vector<1x16xf32> to vector<16xf32>
      %swap3A = arith.index_cast %scan3A_840 : i32 to index
      %swap3A_845 = arith.constant 64 : index
      %swap3A_846 = tpu.vector_load %arg8[%swap3A, %swap3A_845] {strides = array<i32>} : memref<320x128xf32, #tpu.memory_space<vmem>>, vector<1x16xf32>,
      %swap3A_847 = vector.shape_cast %swap3A_846 : vector<1x16xf32> to vector<16xf32>
      %swap3A_848 = vector.shape_cast %get3A_844 : vector<16xf32> to vector<1x16xf32>
      tpu.vector_store %arg8[%swap3A, %swap3A_845], %swap3A_848 {strides = array<i32>} : memref<320x128xf32, #tpu.memory_space<vmem>>, vector<1x16xf32>,
      %get3A_849 = arith.index_cast %rem3A_841 : i32 to index
      %get3A_850 = arith.constant 16 : index
      %get3A_851 = tpu.vector_load %arg6[%get3A_849, %get3A_850] {strides = array<i32>} : memref<64x64xf32, #tpu.memory_space<vmem>>, vector<1x16xf32>,
      %get3A_852 = vector.shape_cast %get3A_851 : vector<1x16xf32> to vector<16xf32>
      %swap3A_853 = arith.index_cast %scan3A_840 : i32 to index
      %swap3A_854 = arith.constant 80 : index
      %swap3A_855 = tpu.vector_load %arg8[%swap3A_853, %swap3A_854] {strides = array<i32>} : memref<320x128xf32, #tpu.memory_space<vmem>>, vector<1x16xf32>,
      %swap3A_856 = vector.shape_cast %swap3A_855 : vector<1x16xf32> to vector<16xf32>
      %swap3A_857 = vector.shape_cast %get3A_852 : vector<16xf32> to vector<1x16xf32>
      tpu.vector_store %arg8[%swap3A_853, %swap3A_854], %swap3A_857 {strides = array<i32>} : memref<320x128xf32, #tpu.memory_space<vmem>>, vector<1x16xf32>,
      %get3A_858 = arith.index_cast %rem3A_841 : i32 to index
      %get3A_859 = arith.constant 32 : index
      %get3A_860 = tpu.vector_load %arg6[%get3A_858, %get3A_859] {strides = array<i32>} : memref<64x64xf32, #tpu.memory_space<vmem>>, vector<1x16xf32>,
      %get3A_861 = vector.shape_cast %get3A_860 : vector<1x16xf32> to vector<16xf32>
      %swap3A_862 = arith.index_cast %scan3A_840 : i32 to index
      %swap3A_863 = arith.constant 96 : index
      %swap3A_864 = tpu.vector_load %arg8[%swap3A_862, %swap3A_863] {strides = array<i32>} : memref<320x128xf32, #tpu.memory_space<vmem>>, vector<1x16xf32>,
      %swap3A_865 = vector.shape_cast %swap3A_864 : vector<1x16xf32> to vector<16xf32>
      %swap3A_866 = vector.shape_cast %get3A_861 : vector<16xf32> to vector<1x16xf32>
      tpu.vector_store %arg8[%swap3A_862, %swap3A_863], %swap3A_866 {strides = array<i32>} : memref<320x128xf32, #tpu.memory_space<vmem>>, vector<1x16xf32>,
      %get3A_867 = arith.index_cast %rem3A_841 : i32 to index
      %get3A_868 = arith.constant 48 : index
      %get3A_869 = tpu.vector_load %arg6[%get3A_867, %get3A_868] {strides = array<i32>} : memref<64x64xf32, #tpu.memory_space<vmem>>, vector<1x16xf32>,
      %get3A_870 = vector.shape_cast %get3A_869 : vector<1x16xf32> to vector<16xf32>
      %swap3A_871 = arith.index_cast %scan3A_840 : i32 to index
      %swap3A_872 = arith.constant 112 : index
      %swap3A_873 = tpu.vector_load %arg8[%swap3A_871, %swap3A_872] {strides = array<i32>} : memref<320x128xf32, #tpu.memory_space<vmem>>, vector<1x16xf32>,
      %swap3A_874 = vector.shape_cast %swap3A_873 : vector<1x16xf32> to vector<16xf32>
      %swap3A_875 = vector.shape_cast %get3A_870 : vector<16xf32> to vector<1x16xf32>
      tpu.vector_store %arg8[%swap3A_871, %swap3A_872], %swap3A_875 {strides = array<i32>} : memref<320x128xf32, #tpu.memory_space<vmem>>, vector<1x16xf32>,
    }
    %scan3A_90 = arith.constant 320 : i32
    %scan3A_91 = arith.constant 0 : i32
    %scan3A_92 = arith.constant 0 : i32
    %scan3A_93 = arith.constant 5 : i32
    %scan3A_94 = arith.addi %scan3A_92, %scan3A_93 : i32
    %scan3A_95 = arith.constant 1 : i32
    scf.for %scan3A_840 = %scan3A_92 to %scan3A_94 step %scan3A_95  : i32 {
      %add3A_841 = arith.constant 5 : i32
      %add3A_842 = arith.addi %add3A_841, %scan3A_840 : i32
      %get3A = arith.index_cast %add3A_842 : i32 to index
      %get3A_843 = arith.constant 0 : index
      %get3A_844 = tpu.vector_load %arg5[%get3A, %get3A_843] {strides = array<i32>} : memref<50x64xf32, #tpu.memory_space<vmem>>, vector<1x16xf32>,
      %get3A_845 = vector.shape_cast %get3A_844 : vector<1x16xf32> to vector<16xf32>
      %add3A_846 = arith.constant 5 : i32
      %add3A_847 = arith.addi %add3A_846, %scan3A_840 : i32
      %get3A_848 = arith.index_cast %add3A_847 : i32 to index
      %get3A_849 = arith.constant 16 : index
      %get3A_850 = tpu.vector_load %arg5[%get3A_848, %get3A_849] {strides = array<i32>} : memref<50x64xf32, #tpu.memory_space<vmem>>, vector<1x16xf32>,
      %get3A_851 = vector.shape_cast %get3A_850 : vector<1x16xf32> to vector<16xf32>
      %add3A_852 = arith.constant 5 : i32
      %add3A_853 = arith.addi %add3A_852, %scan3A_840 : i32
      %get3A_854 = arith.index_cast %add3A_853 : i32 to index
      %get3A_855 = arith.constant 32 : index
      %get3A_856 = tpu.vector_load %arg5[%get3A_854, %get3A_855] {strides = array<i32>} : memref<50x64xf32, #tpu.memory_space<vmem>>, vector<1x16xf32>,
      %get3A_857 = vector.shape_cast %get3A_856 : vector<1x16xf32> to vector<16xf32>
      %add3A_858 = arith.constant 5 : i32
      %add3A_859 = arith.addi %add3A_858, %scan3A_840 : i32
      %get3A_860 = arith.index_cast %add3A_859 : i32 to index
      %get3A_861 = arith.constant 48 : index
      %get3A_862 = tpu.vector_load %arg5[%get3A_860, %get3A_861] {strides = array<i32>} : memref<50x64xf32, #tpu.memory_space<vmem>>, vector<1x16xf32>,
      %get3A_863 = vector.shape_cast %get3A_862 : vector<1x16xf32> to vector<16xf32>
      %scan3A_864 = arith.constant 0 : i32
      %scan3A_865 = arith.constant 0 : i32
      %scan3A_866 = arith.constant 64 : i32
      %scan3A_867 = arith.addi %scan3A_865, %scan3A_866 : i32
      %scan3A_868 = arith.constant 1 : i32
      scf.for %scan3A_870 = %scan3A_865 to %scan3A_867 step %scan3A_868  : i32 {
        %mul3A_871 = arith.constant 64 : i32
        %mul3A_872 = arith.muli %scan3A_840, %mul3A_871 : i32
        %add3A_873 = arith.addi %mul3A_872, %scan3A_870 : i32
        %swap3A = arith.index_cast %add3A_873 : i32 to index
        %swap3A_874 = arith.constant 0 : index
        %swap3A_875 = tpu.vector_load %arg8[%swap3A, %swap3A_874] {strides = array<i32>} : memref<320x128xf32, #tpu.memory_space<vmem>>, vector<1x16xf32>,
        %swap3A_876 = vector.shape_cast %swap3A_875 : vector<1x16xf32> to vector<16xf32>
        %swap3A_877 = vector.shape_cast %get3A_845 : vector<16xf32> to vector<1x16xf32>
        tpu.vector_store %arg8[%swap3A, %swap3A_874], %swap3A_877 {strides = array<i32>} : memref<320x128xf32, #tpu.memory_space<vmem>>, vector<1x16xf32>,
        %swap3A_878 = arith.index_cast %add3A_873 : i32 to index
        %swap3A_879 = arith.constant 16 : index
        %swap3A_880 = tpu.vector_load %arg8[%swap3A_878, %swap3A_879] {strides = array<i32>} : memref<320x128xf32, #tpu.memory_space<vmem>>, vector<1x16xf32>,
        %swap3A_881 = vector.shape_cast %swap3A_880 : vector<1x16xf32> to vector<16xf32>
        %swap3A_882 = vector.shape_cast %get3A_851 : vector<16xf32> to vector<1x16xf32>
        tpu.vector_store %arg8[%swap3A_878, %swap3A_879], %swap3A_882 {strides = array<i32>} : memref<320x128xf32, #tpu.memory_space<vmem>>, vector<1x16xf32>,
        %swap3A_883 = arith.index_cast %add3A_873 : i32 to index
        %swap3A_884 = arith.constant 32 : index
        %swap3A_885 = tpu.vector_load %arg8[%swap3A_883, %swap3A_884] {strides = array<i32>} : memref<320x128xf32, #tpu.memory_space<vmem>>, vector<1x16xf32>,
        %swap3A_886 = vector.shape_cast %swap3A_885 : vector<1x16xf32> to vector<16xf32>
        %swap3A_887 = vector.shape_cast %get3A_857 : vector<16xf32> to vector<1x16xf32>
        tpu.vector_store %arg8[%swap3A_883, %swap3A_884], %swap3A_887 {strides = array<i32>} : memref<320x128xf32, #tpu.memory_space<vmem>>, vector<1x16xf32>,
        %swap3A_888 = arith.index_cast %add3A_873 : i32 to index
        %swap3A_889 = arith.constant 48 : index
        %swap3A_890 = tpu.vector_load %arg8[%swap3A_888, %swap3A_889] {strides = array<i32>} : memref<320x128xf32, #tpu.memory_space<vmem>>, vector<1x16xf32>,
        %swap3A_891 = vector.shape_cast %swap3A_890 : vector<1x16xf32> to vector<16xf32>
        %swap3A_892 = vector.shape_cast %get3A_863 : vector<16xf32> to vector<1x16xf32>
        tpu.vector_store %arg8[%swap3A_888, %swap3A_889], %swap3A_892 {strides = array<i32>} : memref<320x128xf32, #tpu.memory_space<vmem>>, vector<1x16xf32>,
      }
      %scan3A_869 = arith.constant 64 : i32
    }
    %scan3A_96 = arith.constant 5 : i32
    %add3A_97 = arith.constant 4 : i32
    %add3A_98 = arith.addi %mul3A_2, %add3A_97 : i32
    %dma_start3A_99 = arith.constant 320 : i32
    %dma_start3A_100 = arith.constant 0 : i32
    %dma_start3A_101 = tpu.memref_slice %arg4[%add3A_98, %dma_start3A_99, %dma_start3A_100] : memref<256x3200x128xf32, #tpu.memory_space<hbm>> -> memref<1x320x128xf32, #tpu.memory_space<hbm>>
    %dma_start3A_102 = tpu.memref_squeeze %dma_start3A_101 : memref<1x320x128xf32, #tpu.memory_space<hbm>> -> memref<320x128xf32, #tpu.memory_space<hbm>>
    %dma_start3A_103 = arith.constant 320 : i32
    %dma_start3A_104 = arith.constant 0 : i32
    %dma_start3A_105 = tpu.memref_slice %arg4[%add3A_98, %dma_start3A_103, %dma_start3A_104] : memref<256x3200x128xf32, #tpu.memory_space<hbm>> -> memref<1x320x128xf32, #tpu.memory_space<hbm>>
    %dma_start3A_106 = tpu.memref_squeeze %dma_start3A_105 : memref<1x320x128xf32, #tpu.memory_space<hbm>> -> memref<320x128xf32, #tpu.memory_space<hbm>>
    tpu.enqueue_dma source(%arg8 : memref<320x128xf32, #tpu.memory_space<vmem>>) target(%dma_start3A_106 : memref<320x128xf32, #tpu.memory_space<hbm>>) target_semaphore(%arg11 : memref<!tpu.dma_semaphore, #tpu.memory_space<semaphore_mem>>)
    %add3A_107 = arith.constant 5 : i32
    %add3A_108 = arith.addi %mul3A_2, %add3A_107 : i32
    %dma_start3A_109 = arith.constant 320 : i32
    %dma_start3A_110 = arith.constant 0 : i32
    %dma_start3A_111 = tpu.memref_slice %arg4[%add3A_108, %dma_start3A_109, %dma_start3A_110] : memref<256x3200x128xf32, #tpu.memory_space<hbm>> -> memref<1x320x128xf32, #tpu.memory_space<hbm>>
    %dma_start3A_112 = tpu.memref_squeeze %dma_start3A_111 : memref<1x320x128xf32, #tpu.memory_space<hbm>> -> memref<320x128xf32, #tpu.memory_space<hbm>>
    %dma_start3A_113 = arith.constant 320 : i32
    %dma_start3A_114 = arith.constant 0 : i32
    %dma_start3A_115 = tpu.memref_slice %arg4[%add3A_108, %dma_start3A_113, %dma_start3A_114] : memref<256x3200x128xf32, #tpu.memory_space<hbm>> -> memref<1x320x128xf32, #tpu.memory_space<hbm>>
    %dma_start3A_116 = tpu.memref_squeeze %dma_start3A_115 : memref<1x320x128xf32, #tpu.memory_space<hbm>> -> memref<320x128xf32, #tpu.memory_space<hbm>>
    tpu.enqueue_dma source(%arg8 : memref<320x128xf32, #tpu.memory_space<vmem>>) target(%dma_start3A_116 : memref<320x128xf32, #tpu.memory_space<hbm>>) target_semaphore(%arg11 : memref<!tpu.dma_semaphore, #tpu.memory_space<semaphore_mem>>)
    %add3A_117 = arith.constant 6 : i32
    %add3A_118 = arith.addi %mul3A_2, %add3A_117 : i32
    %dma_start3A_119 = arith.constant 320 : i32
    %dma_start3A_120 = arith.constant 0 : i32
    %dma_start3A_121 = tpu.memref_slice %arg4[%add3A_118, %dma_start3A_119, %dma_start3A_120] : memref<256x3200x128xf32, #tpu.memory_space<hbm>> -> memref<1x320x128xf32, #tpu.memory_space<hbm>>
    %dma_start3A_122 = tpu.memref_squeeze %dma_start3A_121 : memref<1x320x128xf32, #tpu.memory_space<hbm>> -> memref<320x128xf32, #tpu.memory_space<hbm>>
    %dma_start3A_123 = arith.constant 320 : i32
    %dma_start3A_124 = arith.constant 0 : i32
    %dma_start3A_125 = tpu.memref_slice %arg4[%add3A_118, %dma_start3A_123, %dma_start3A_124] : memref<256x3200x128xf32, #tpu.memory_space<hbm>> -> memref<1x320x128xf32, #tpu.memory_space<hbm>>
    %dma_start3A_126 = tpu.memref_squeeze %dma_start3A_125 : memref<1x320x128xf32, #tpu.memory_space<hbm>> -> memref<320x128xf32, #tpu.memory_space<hbm>>
    tpu.enqueue_dma source(%arg8 : memref<320x128xf32, #tpu.memory_space<vmem>>) target(%dma_start3A_126 : memref<320x128xf32, #tpu.memory_space<hbm>>) target_semaphore(%arg11 : memref<!tpu.dma_semaphore, #tpu.memory_space<semaphore_mem>>)
    %add3A_127 = arith.constant 7 : i32
    %add3A_128 = arith.addi %mul3A_2, %add3A_127 : i32
    %dma_start3A_129 = arith.constant 320 : i32
    %dma_start3A_130 = arith.constant 0 : i32
    %dma_start3A_131 = tpu.memref_slice %arg4[%add3A_128, %dma_start3A_129, %dma_start3A_130] : memref<256x3200x128xf32, #tpu.memory_space<hbm>> -> memref<1x320x128xf32, #tpu.memory_space<hbm>>
    %dma_start3A_132 = tpu.memref_squeeze %dma_start3A_131 : memref<1x320x128xf32, #tpu.memory_space<hbm>> -> memref<320x128xf32, #tpu.memory_space<hbm>>
    %dma_start3A_133 = arith.constant 320 : i32
    %dma_start3A_134 = arith.constant 0 : i32
    %dma_start3A_135 = tpu.memref_slice %arg4[%add3A_128, %dma_start3A_133, %dma_start3A_134] : memref<256x3200x128xf32, #tpu.memory_space<hbm>> -> memref<1x320x128xf32, #tpu.memory_space<hbm>>
    %dma_start3A_136 = tpu.memref_squeeze %dma_start3A_135 : memref<1x320x128xf32, #tpu.memory_space<hbm>> -> memref<320x128xf32, #tpu.memory_space<hbm>>
    tpu.enqueue_dma source(%arg8 : memref<320x128xf32, #tpu.memory_space<vmem>>) target(%dma_start3A_136 : memref<320x128xf32, #tpu.memory_space<hbm>>) target_semaphore(%arg11 : memref<!tpu.dma_semaphore, #tpu.memory_space<semaphore_mem>>)
    %dma_wait3A = arith.constant 0 : i32
    %dma_wait3A_137 = arith.constant 0 : i32
    %dma_wait3A_138 = tpu.memref_slice %arg4[%add3A_46, %dma_wait3A, %dma_wait3A_137] : memref<256x3200x128xf32, #tpu.memory_space<hbm>> -> memref<1x320x128xf32, #tpu.memory_space<hbm>>
    %dma_wait3A_139 = tpu.memref_squeeze %dma_wait3A_138 : memref<1x320x128xf32, #tpu.memory_space<hbm>> -> memref<320x128xf32, #tpu.memory_space<hbm>>
    %dma_wait3A_140 = arith.constant 0 : i32
    %dma_wait3A_141 = arith.constant 0 : i32
    %dma_wait3A_142 = tpu.memref_slice %arg4[%add3A_46, %dma_wait3A_140, %dma_wait3A_141] : memref<256x3200x128xf32, #tpu.memory_space<hbm>> -> memref<1x320x128xf32, #tpu.memory_space<hbm>>
    %dma_wait3A_143 = tpu.memref_squeeze %dma_wait3A_142 : memref<1x320x128xf32, #tpu.memory_space<hbm>> -> memref<320x128xf32, #tpu.memory_space<hbm>>
    tpu.wait_dma2 semaphore(%arg10 : memref<!tpu.dma_semaphore, #tpu.memory_space<semaphore_mem>>) src(%arg7 : memref<320x128xf32, #tpu.memory_space<vmem>>) dst(%dma_wait3A_143 : memref<320x128xf32, #tpu.memory_space<hbm>>)
    %dma_wait3A_144 = arith.constant 0 : i32
    %dma_wait3A_145 = arith.constant 0 : i32
    %dma_wait3A_146 = tpu.memref_slice %arg4[%add3A_56, %dma_wait3A_144, %dma_wait3A_145] : memref<256x3200x128xf32, #tpu.memory_space<hbm>> -> memref<1x320x128xf32, #tpu.memory_space<hbm>>
    %dma_wait3A_147 = tpu.memref_squeeze %dma_wait3A_146 : memref<1x320x128xf32, #tpu.memory_space<hbm>> -> memref<320x128xf32, #tpu.memory_space<hbm>>
    %dma_wait3A_148 = arith.constant 0 : i32
    %dma_wait3A_149 = arith.constant 0 : i32
    %dma_wait3A_150 = tpu.memref_slice %arg4[%add3A_56, %dma_wait3A_148, %dma_wait3A_149] : memref<256x3200x128xf32, #tpu.memory_space<hbm>> -> memref<1x320x128xf32, #tpu.memory_space<hbm>>
    %dma_wait3A_151 = tpu.memref_squeeze %dma_wait3A_150 : memref<1x320x128xf32, #tpu.memory_space<hbm>> -> memref<320x128xf32, #tpu.memory_space<hbm>>
    tpu.wait_dma2 semaphore(%arg10 : memref<!tpu.dma_semaphore, #tpu.memory_space<semaphore_mem>>) src(%arg7 : memref<320x128xf32, #tpu.memory_space<vmem>>) dst(%dma_wait3A_151 : memref<320x128xf32, #tpu.memory_space<hbm>>)
    %dma_wait3A_152 = arith.constant 0 : i32
    %dma_wait3A_153 = arith.constant 0 : i32
    %dma_wait3A_154 = tpu.memref_slice %arg4[%add3A_66, %dma_wait3A_152, %dma_wait3A_153] : memref<256x3200x128xf32, #tpu.memory_space<hbm>> -> memref<1x320x128xf32, #tpu.memory_space<hbm>>
    %dma_wait3A_155 = tpu.memref_squeeze %dma_wait3A_154 : memref<1x320x128xf32, #tpu.memory_space<hbm>> -> memref<320x128xf32, #tpu.memory_space<hbm>>
    %dma_wait3A_156 = arith.constant 0 : i32
    %dma_wait3A_157 = arith.constant 0 : i32
    %dma_wait3A_158 = tpu.memref_slice %arg4[%add3A_66, %dma_wait3A_156, %dma_wait3A_157] : memref<256x3200x128xf32, #tpu.memory_space<hbm>> -> memref<1x320x128xf32, #tpu.memory_space<hbm>>
    %dma_wait3A_159 = tpu.memref_squeeze %dma_wait3A_158 : memref<1x320x128xf32, #tpu.memory_space<hbm>> -> memref<320x128xf32, #tpu.memory_space<hbm>>
    tpu.wait_dma2 semaphore(%arg10 : memref<!tpu.dma_semaphore, #tpu.memory_space<semaphore_mem>>) src(%arg7 : memref<320x128xf32, #tpu.memory_space<vmem>>) dst(%dma_wait3A_159 : memref<320x128xf32, #tpu.memory_space<hbm>>)
    %dma_wait3A_160 = arith.constant 0 : i32
    %dma_wait3A_161 = arith.constant 0 : i32
    %dma_wait3A_162 = tpu.memref_slice %arg4[%add3A_76, %dma_wait3A_160, %dma_wait3A_161] : memref<256x3200x128xf32, #tpu.memory_space<hbm>> -> memref<1x320x128xf32, #tpu.memory_space<hbm>>
    %dma_wait3A_163 = tpu.memref_squeeze %dma_wait3A_162 : memref<1x320x128xf32, #tpu.memory_space<hbm>> -> memref<320x128xf32, #tpu.memory_space<hbm>>
    %dma_wait3A_164 = arith.constant 0 : i32
    %dma_wait3A_165 = arith.constant 0 : i32
    %dma_wait3A_166 = tpu.memref_slice %arg4[%add3A_76, %dma_wait3A_164, %dma_wait3A_165] : memref<256x3200x128xf32, #tpu.memory_space<hbm>> -> memref<1x320x128xf32, #tpu.memory_space<hbm>>
    %dma_wait3A_167 = tpu.memref_squeeze %dma_wait3A_166 : memref<1x320x128xf32, #tpu.memory_space<hbm>> -> memref<320x128xf32, #tpu.memory_space<hbm>>
    tpu.wait_dma2 semaphore(%arg10 : memref<!tpu.dma_semaphore, #tpu.memory_space<semaphore_mem>>) src(%arg7 : memref<320x128xf32, #tpu.memory_space<vmem>>) dst(%dma_wait3A_167 : memref<320x128xf32, #tpu.memory_space<hbm>>)
    %scan3A_168 = arith.constant 0 : i32
    %scan3A_169 = arith.constant 0 : i32
    %scan3A_170 = arith.constant 5 : i32
    %scan3A_171 = arith.addi %scan3A_169, %scan3A_170 : i32
    %scan3A_172 = arith.constant 1 : i32
    scf.for %scan3A_840 = %scan3A_169 to %scan3A_171 step %scan3A_172  : i32 {
      %add3A_841 = arith.constant 10 : i32
      %add3A_842 = arith.addi %add3A_841, %scan3A_840 : i32
      %get3A = arith.index_cast %add3A_842 : i32 to index
      %get3A_843 = arith.constant 0 : index
      %get3A_844 = tpu.vector_load %arg5[%get3A, %get3A_843] {strides = array<i32>} : memref<50x64xf32, #tpu.memory_space<vmem>>, vector<1x16xf32>,
      %get3A_845 = vector.shape_cast %get3A_844 : vector<1x16xf32> to vector<16xf32>
      %add3A_846 = arith.constant 10 : i32
      %add3A_847 = arith.addi %add3A_846, %scan3A_840 : i32
      %get3A_848 = arith.index_cast %add3A_847 : i32 to index
      %get3A_849 = arith.constant 16 : index
      %get3A_850 = tpu.vector_load %arg5[%get3A_848, %get3A_849] {strides = array<i32>} : memref<50x64xf32, #tpu.memory_space<vmem>>, vector<1x16xf32>,
      %get3A_851 = vector.shape_cast %get3A_850 : vector<1x16xf32> to vector<16xf32>
      %add3A_852 = arith.constant 10 : i32
      %add3A_853 = arith.addi %add3A_852, %scan3A_840 : i32
      %get3A_854 = arith.index_cast %add3A_853 : i32 to index
      %get3A_855 = arith.constant 32 : index
      %get3A_856 = tpu.vector_load %arg5[%get3A_854, %get3A_855] {strides = array<i32>} : memref<50x64xf32, #tpu.memory_space<vmem>>, vector<1x16xf32>,
      %get3A_857 = vector.shape_cast %get3A_856 : vector<1x16xf32> to vector<16xf32>
      %add3A_858 = arith.constant 10 : i32
      %add3A_859 = arith.addi %add3A_858, %scan3A_840 : i32
      %get3A_860 = arith.index_cast %add3A_859 : i32 to index
      %get3A_861 = arith.constant 48 : index
      %get3A_862 = tpu.vector_load %arg5[%get3A_860, %get3A_861] {strides = array<i32>} : memref<50x64xf32, #tpu.memory_space<vmem>>, vector<1x16xf32>,
      %get3A_863 = vector.shape_cast %get3A_862 : vector<1x16xf32> to vector<16xf32>
      %scan3A_864 = arith.constant 0 : i32
      %scan3A_865 = arith.constant 0 : i32
      %scan3A_866 = arith.constant 64 : i32
      %scan3A_867 = arith.addi %scan3A_865, %scan3A_866 : i32
      %scan3A_868 = arith.constant 1 : i32
      scf.for %scan3A_870 = %scan3A_865 to %scan3A_867 step %scan3A_868  : i32 {
        %mul3A_871 = arith.constant 64 : i32
        %mul3A_872 = arith.muli %scan3A_840, %mul3A_871 : i32
        %add3A_873 = arith.addi %mul3A_872, %scan3A_870 : i32
        %swap3A = arith.index_cast %add3A_873 : i32 to index
        %swap3A_874 = arith.constant 0 : index
        %swap3A_875 = tpu.vector_load %arg7[%swap3A, %swap3A_874] {strides = array<i32>} : memref<320x128xf32, #tpu.memory_space<vmem>>, vector<1x16xf32>,
        %swap3A_876 = vector.shape_cast %swap3A_875 : vector<1x16xf32> to vector<16xf32>
        %swap3A_877 = vector.shape_cast %get3A_845 : vector<16xf32> to vector<1x16xf32>
        tpu.vector_store %arg7[%swap3A, %swap3A_874], %swap3A_877 {strides = array<i32>} : memref<320x128xf32, #tpu.memory_space<vmem>>, vector<1x16xf32>,
        %swap3A_878 = arith.index_cast %add3A_873 : i32 to index
        %swap3A_879 = arith.constant 16 : index
        %swap3A_880 = tpu.vector_load %arg7[%swap3A_878, %swap3A_879] {strides = array<i32>} : memref<320x128xf32, #tpu.memory_space<vmem>>, vector<1x16xf32>,
        %swap3A_881 = vector.shape_cast %swap3A_880 : vector<1x16xf32> to vector<16xf32>
        %swap3A_882 = vector.shape_cast %get3A_851 : vector<16xf32> to vector<1x16xf32>
        tpu.vector_store %arg7[%swap3A_878, %swap3A_879], %swap3A_882 {strides = array<i32>} : memref<320x128xf32, #tpu.memory_space<vmem>>, vector<1x16xf32>,
        %swap3A_883 = arith.index_cast %add3A_873 : i32 to index
        %swap3A_884 = arith.constant 32 : index
        %swap3A_885 = tpu.vector_load %arg7[%swap3A_883, %swap3A_884] {strides = array<i32>} : memref<320x128xf32, #tpu.memory_space<vmem>>, vector<1x16xf32>,
        %swap3A_886 = vector.shape_cast %swap3A_885 : vector<1x16xf32> to vector<16xf32>
        %swap3A_887 = vector.shape_cast %get3A_857 : vector<16xf32> to vector<1x16xf32>
        tpu.vector_store %arg7[%swap3A_883, %swap3A_884], %swap3A_887 {strides = array<i32>} : memref<320x128xf32, #tpu.memory_space<vmem>>, vector<1x16xf32>,
        %swap3A_888 = arith.index_cast %add3A_873 : i32 to index
        %swap3A_889 = arith.constant 48 : index
        %swap3A_890 = tpu.vector_load %arg7[%swap3A_888, %swap3A_889] {strides = array<i32>} : memref<320x128xf32, #tpu.memory_space<vmem>>, vector<1x16xf32>,
        %swap3A_891 = vector.shape_cast %swap3A_890 : vector<1x16xf32> to vector<16xf32>
        %swap3A_892 = vector.shape_cast %get3A_863 : vector<16xf32> to vector<1x16xf32>
        tpu.vector_store %arg7[%swap3A_888, %swap3A_889], %swap3A_892 {strides = array<i32>} : memref<320x128xf32, #tpu.memory_space<vmem>>, vector<1x16xf32>,
      }
      %scan3A_869 = arith.constant 64 : i32
    }
    %scan3A_173 = arith.constant 5 : i32
    %add3A_174 = arith.constant 4 : i32
    %add3A_175 = arith.addi %mul3A_2, %add3A_174 : i32
    %dma_start3A_176 = arith.constant 640 : i32
    %dma_start3A_177 = arith.constant 0 : i32
    %dma_start3A_178 = tpu.memref_slice %arg4[%add3A_175, %dma_start3A_176, %dma_start3A_177] : memref<256x3200x128xf32, #tpu.memory_space<hbm>> -> memref<1x320x128xf32, #tpu.memory_space<hbm>>
    %dma_start3A_179 = tpu.memref_squeeze %dma_start3A_178 : memref<1x320x128xf32, #tpu.memory_space<hbm>> -> memref<320x128xf32, #tpu.memory_space<hbm>>
    %dma_start3A_180 = arith.constant 640 : i32
    %dma_start3A_181 = arith.constant 0 : i32
    %dma_start3A_182 = tpu.memref_slice %arg4[%add3A_175, %dma_start3A_180, %dma_start3A_181] : memref<256x3200x128xf32, #tpu.memory_space<hbm>> -> memref<1x320x128xf32, #tpu.memory_space<hbm>>
    %dma_start3A_183 = tpu.memref_squeeze %dma_start3A_182 : memref<1x320x128xf32, #tpu.memory_space<hbm>> -> memref<320x128xf32, #tpu.memory_space<hbm>>
    tpu.enqueue_dma source(%arg7 : memref<320x128xf32, #tpu.memory_space<vmem>>) target(%dma_start3A_183 : memref<320x128xf32, #tpu.memory_space<hbm>>) target_semaphore(%arg10 : memref<!tpu.dma_semaphore, #tpu.memory_space<semaphore_mem>>)
    %add3A_184 = arith.constant 5 : i32
    %add3A_185 = arith.addi %mul3A_2, %add3A_184 : i32
    %dma_start3A_186 = arith.constant 640 : i32
    %dma_start3A_187 = arith.constant 0 : i32
    %dma_start3A_188 = tpu.memref_slice %arg4[%add3A_185, %dma_start3A_186, %dma_start3A_187] : memref<256x3200x128xf32, #tpu.memory_space<hbm>> -> memref<1x320x128xf32, #tpu.memory_space<hbm>>
    %dma_start3A_189 = tpu.memref_squeeze %dma_start3A_188 : memref<1x320x128xf32, #tpu.memory_space<hbm>> -> memref<320x128xf32, #tpu.memory_space<hbm>>
    %dma_start3A_190 = arith.constant 640 : i32
    %dma_start3A_191 = arith.constant 0 : i32
    %dma_start3A_192 = tpu.memref_slice %arg4[%add3A_185, %dma_start3A_190, %dma_start3A_191] : memref<256x3200x128xf32, #tpu.memory_space<hbm>> -> memref<1x320x128xf32, #tpu.memory_space<hbm>>
    %dma_start3A_193 = tpu.memref_squeeze %dma_start3A_192 : memref<1x320x128xf32, #tpu.memory_space<hbm>> -> memref<320x128xf32, #tpu.memory_space<hbm>>
    tpu.enqueue_dma source(%arg7 : memref<320x128xf32, #tpu.memory_space<vmem>>) target(%dma_start3A_193 : memref<320x128xf32, #tpu.memory_space<hbm>>) target_semaphore(%arg10 : memref<!tpu.dma_semaphore, #tpu.memory_space<semaphore_mem>>)
    %add3A_194 = arith.constant 6 : i32
    %add3A_195 = arith.addi %mul3A_2, %add3A_194 : i32
    %dma_start3A_196 = arith.constant 640 : i32
    %dma_start3A_197 = arith.constant 0 : i32
    %dma_start3A_198 = tpu.memref_slice %arg4[%add3A_195, %dma_start3A_196, %dma_start3A_197] : memref<256x3200x128xf32, #tpu.memory_space<hbm>> -> memref<1x320x128xf32, #tpu.memory_space<hbm>>
    %dma_start3A_199 = tpu.memref_squeeze %dma_start3A_198 : memref<1x320x128xf32, #tpu.memory_space<hbm>> -> memref<320x128xf32, #tpu.memory_space<hbm>>
    %dma_start3A_200 = arith.constant 640 : i32
    %dma_start3A_201 = arith.constant 0 : i32
    %dma_start3A_202 = tpu.memref_slice %arg4[%add3A_195, %dma_start3A_200, %dma_start3A_201] : memref<256x3200x128xf32, #tpu.memory_space<hbm>> -> memref<1x320x128xf32, #tpu.memory_space<hbm>>
    %dma_start3A_203 = tpu.memref_squeeze %dma_start3A_202 : memref<1x320x128xf32, #tpu.memory_space<hbm>> -> memref<320x128xf32, #tpu.memory_space<hbm>>
    tpu.enqueue_dma source(%arg7 : memref<320x128xf32, #tpu.memory_space<vmem>>) target(%dma_start3A_203 : memref<320x128xf32, #tpu.memory_space<hbm>>) target_semaphore(%arg10 : memref<!tpu.dma_semaphore, #tpu.memory_space<semaphore_mem>>)
    %add3A_204 = arith.constant 7 : i32
    %add3A_205 = arith.addi %mul3A_2, %add3A_204 : i32
    %dma_start3A_206 = arith.constant 640 : i32
    %dma_start3A_207 = arith.constant 0 : i32
    %dma_start3A_208 = tpu.memref_slice %arg4[%add3A_205, %dma_start3A_206, %dma_start3A_207] : memref<256x3200x128xf32, #tpu.memory_space<hbm>> -> memref<1x320x128xf32, #tpu.memory_space<hbm>>
    %dma_start3A_209 = tpu.memref_squeeze %dma_start3A_208 : memref<1x320x128xf32, #tpu.memory_space<hbm>> -> memref<320x128xf32, #tpu.memory_space<hbm>>
    %dma_start3A_210 = arith.constant 640 : i32
    %dma_start3A_211 = arith.constant 0 : i32
    %dma_start3A_212 = tpu.memref_slice %arg4[%add3A_205, %dma_start3A_210, %dma_start3A_211] : memref<256x3200x128xf32, #tpu.memory_space<hbm>> -> memref<1x320x128xf32, #tpu.memory_space<hbm>>
    %dma_start3A_213 = tpu.memref_squeeze %dma_start3A_212 : memref<1x320x128xf32, #tpu.memory_space<hbm>> -> memref<320x128xf32, #tpu.memory_space<hbm>>
    tpu.enqueue_dma source(%arg7 : memref<320x128xf32, #tpu.memory_space<vmem>>) target(%dma_start3A_213 : memref<320x128xf32, #tpu.memory_space<hbm>>) target_semaphore(%arg10 : memref<!tpu.dma_semaphore, #tpu.memory_space<semaphore_mem>>)
    %dma_wait3A_214 = arith.constant 320 : i32
    %dma_wait3A_215 = arith.constant 0 : i32
    %dma_wait3A_216 = tpu.memref_slice %arg4[%add3A_98, %dma_wait3A_214, %dma_wait3A_215] : memref<256x3200x128xf32, #tpu.memory_space<hbm>> -> memref<1x320x128xf32, #tpu.memory_space<hbm>>
    %dma_wait3A_217 = tpu.memref_squeeze %dma_wait3A_216 : memref<1x320x128xf32, #tpu.memory_space<hbm>> -> memref<320x128xf32, #tpu.memory_space<hbm>>
    %dma_wait3A_218 = arith.constant 320 : i32
    %dma_wait3A_219 = arith.constant 0 : i32
    %dma_wait3A_220 = tpu.memref_slice %arg4[%add3A_98, %dma_wait3A_218, %dma_wait3A_219] : memref<256x3200x128xf32, #tpu.memory_space<hbm>> -> memref<1x320x128xf32, #tpu.memory_space<hbm>>
    %dma_wait3A_221 = tpu.memref_squeeze %dma_wait3A_220 : memref<1x320x128xf32, #tpu.memory_space<hbm>> -> memref<320x128xf32, #tpu.memory_space<hbm>>
    tpu.wait_dma2 semaphore(%arg11 : memref<!tpu.dma_semaphore, #tpu.memory_space<semaphore_mem>>) src(%arg8 : memref<320x128xf32, #tpu.memory_space<vmem>>) dst(%dma_wait3A_221 : memref<320x128xf32, #tpu.memory_space<hbm>>)
    %dma_wait3A_222 = arith.constant 320 : i32
    %dma_wait3A_223 = arith.constant 0 : i32
    %dma_wait3A_224 = tpu.memref_slice %arg4[%add3A_108, %dma_wait3A_222, %dma_wait3A_223] : memref<256x3200x128xf32, #tpu.memory_space<hbm>> -> memref<1x320x128xf32, #tpu.memory_space<hbm>>
    %dma_wait3A_225 = tpu.memref_squeeze %dma_wait3A_224 : memref<1x320x128xf32, #tpu.memory_space<hbm>> -> memref<320x128xf32, #tpu.memory_space<hbm>>
    %dma_wait3A_226 = arith.constant 320 : i32
    %dma_wait3A_227 = arith.constant 0 : i32
    %dma_wait3A_228 = tpu.memref_slice %arg4[%add3A_108, %dma_wait3A_226, %dma_wait3A_227] : memref<256x3200x128xf32, #tpu.memory_space<hbm>> -> memref<1x320x128xf32, #tpu.memory_space<hbm>>
    %dma_wait3A_229 = tpu.memref_squeeze %dma_wait3A_228 : memref<1x320x128xf32, #tpu.memory_space<hbm>> -> memref<320x128xf32, #tpu.memory_space<hbm>>
    tpu.wait_dma2 semaphore(%arg11 : memref<!tpu.dma_semaphore, #tpu.memory_space<semaphore_mem>>) src(%arg8 : memref<320x128xf32, #tpu.memory_space<vmem>>) dst(%dma_wait3A_229 : memref<320x128xf32, #tpu.memory_space<hbm>>)
    %dma_wait3A_230 = arith.constant 320 : i32
    %dma_wait3A_231 = arith.constant 0 : i32
    %dma_wait3A_232 = tpu.memref_slice %arg4[%add3A_118, %dma_wait3A_230, %dma_wait3A_231] : memref<256x3200x128xf32, #tpu.memory_space<hbm>> -> memref<1x320x128xf32, #tpu.memory_space<hbm>>
    %dma_wait3A_233 = tpu.memref_squeeze %dma_wait3A_232 : memref<1x320x128xf32, #tpu.memory_space<hbm>> -> memref<320x128xf32, #tpu.memory_space<hbm>>
    %dma_wait3A_234 = arith.constant 320 : i32
    %dma_wait3A_235 = arith.constant 0 : i32
    %dma_wait3A_236 = tpu.memref_slice %arg4[%add3A_118, %dma_wait3A_234, %dma_wait3A_235] : memref<256x3200x128xf32, #tpu.memory_space<hbm>> -> memref<1x320x128xf32, #tpu.memory_space<hbm>>
    %dma_wait3A_237 = tpu.memref_squeeze %dma_wait3A_236 : memref<1x320x128xf32, #tpu.memory_space<hbm>> -> memref<320x128xf32, #tpu.memory_space<hbm>>
    tpu.wait_dma2 semaphore(%arg11 : memref<!tpu.dma_semaphore, #tpu.memory_space<semaphore_mem>>) src(%arg8 : memref<320x128xf32, #tpu.memory_space<vmem>>) dst(%dma_wait3A_237 : memref<320x128xf32, #tpu.memory_space<hbm>>)
    %dma_wait3A_238 = arith.constant 320 : i32
    %dma_wait3A_239 = arith.constant 0 : i32
    %dma_wait3A_240 = tpu.memref_slice %arg4[%add3A_128, %dma_wait3A_238, %dma_wait3A_239] : memref<256x3200x128xf32, #tpu.memory_space<hbm>> -> memref<1x320x128xf32, #tpu.memory_space<hbm>>
    %dma_wait3A_241 = tpu.memref_squeeze %dma_wait3A_240 : memref<1x320x128xf32, #tpu.memory_space<hbm>> -> memref<320x128xf32, #tpu.memory_space<hbm>>
    %dma_wait3A_242 = arith.constant 320 : i32
    %dma_wait3A_243 = arith.constant 0 : i32
    %dma_wait3A_244 = tpu.memref_slice %arg4[%add3A_128, %dma_wait3A_242, %dma_wait3A_243] : memref<256x3200x128xf32, #tpu.memory_space<hbm>> -> memref<1x320x128xf32, #tpu.memory_space<hbm>>
    %dma_wait3A_245 = tpu.memref_squeeze %dma_wait3A_244 : memref<1x320x128xf32, #tpu.memory_space<hbm>> -> memref<320x128xf32, #tpu.memory_space<hbm>>
    tpu.wait_dma2 semaphore(%arg11 : memref<!tpu.dma_semaphore, #tpu.memory_space<semaphore_mem>>) src(%arg8 : memref<320x128xf32, #tpu.memory_space<vmem>>) dst(%dma_wait3A_245 : memref<320x128xf32, #tpu.memory_space<hbm>>)
    %scan3A_246 = arith.constant 0 : i32
    %scan3A_247 = arith.constant 0 : i32
    %scan3A_248 = arith.constant 5 : i32
    %scan3A_249 = arith.addi %scan3A_247, %scan3A_248 : i32
    %scan3A_250 = arith.constant 1 : i32
    scf.for %scan3A_840 = %scan3A_247 to %scan3A_249 step %scan3A_250  : i32 {
      %add3A_841 = arith.constant 15 : i32
      %add3A_842 = arith.addi %add3A_841, %scan3A_840 : i32
      %get3A = arith.index_cast %add3A_842 : i32 to index
      %get3A_843 = arith.constant 0 : index
      %get3A_844 = tpu.vector_load %arg5[%get3A, %get3A_843] {strides = array<i32>} : memref<50x64xf32, #tpu.memory_space<vmem>>, vector<1x16xf32>,
      %get3A_845 = vector.shape_cast %get3A_844 : vector<1x16xf32> to vector<16xf32>
      %add3A_846 = arith.constant 15 : i32
      %add3A_847 = arith.addi %add3A_846, %scan3A_840 : i32
      %get3A_848 = arith.index_cast %add3A_847 : i32 to index
      %get3A_849 = arith.constant 16 : index
      %get3A_850 = tpu.vector_load %arg5[%get3A_848, %get3A_849] {strides = array<i32>} : memref<50x64xf32, #tpu.memory_space<vmem>>, vector<1x16xf32>,
      %get3A_851 = vector.shape_cast %get3A_850 : vector<1x16xf32> to vector<16xf32>
      %add3A_852 = arith.constant 15 : i32
      %add3A_853 = arith.addi %add3A_852, %scan3A_840 : i32
      %get3A_854 = arith.index_cast %add3A_853 : i32 to index
      %get3A_855 = arith.constant 32 : index
      %get3A_856 = tpu.vector_load %arg5[%get3A_854, %get3A_855] {strides = array<i32>} : memref<50x64xf32, #tpu.memory_space<vmem>>, vector<1x16xf32>,
      %get3A_857 = vector.shape_cast %get3A_856 : vector<1x16xf32> to vector<16xf32>
      %add3A_858 = arith.constant 15 : i32
      %add3A_859 = arith.addi %add3A_858, %scan3A_840 : i32
      %get3A_860 = arith.index_cast %add3A_859 : i32 to index
      %get3A_861 = arith.constant 48 : index
      %get3A_862 = tpu.vector_load %arg5[%get3A_860, %get3A_861] {strides = array<i32>} : memref<50x64xf32, #tpu.memory_space<vmem>>, vector<1x16xf32>,
      %get3A_863 = vector.shape_cast %get3A_862 : vector<1x16xf32> to vector<16xf32>
      %scan3A_864 = arith.constant 0 : i32
      %scan3A_865 = arith.constant 0 : i32
      %scan3A_866 = arith.constant 64 : i32
      %scan3A_867 = arith.addi %scan3A_865, %scan3A_866 : i32
      %scan3A_868 = arith.constant 1 : i32
      scf.for %scan3A_870 = %scan3A_865 to %scan3A_867 step %scan3A_868  : i32 {
        %mul3A_871 = arith.constant 64 : i32
        %mul3A_872 = arith.muli %scan3A_840, %mul3A_871 : i32
        %add3A_873 = arith.addi %mul3A_872, %scan3A_870 : i32
        %swap3A = arith.index_cast %add3A_873 : i32 to index
        %swap3A_874 = arith.constant 0 : index
        %swap3A_875 = tpu.vector_load %arg8[%swap3A, %swap3A_874] {strides = array<i32>} : memref<320x128xf32, #tpu.memory_space<vmem>>, vector<1x16xf32>,
        %swap3A_876 = vector.shape_cast %swap3A_875 : vector<1x16xf32> to vector<16xf32>
        %swap3A_877 = vector.shape_cast %get3A_845 : vector<16xf32> to vector<1x16xf32>
        tpu.vector_store %arg8[%swap3A, %swap3A_874], %swap3A_877 {strides = array<i32>} : memref<320x128xf32, #tpu.memory_space<vmem>>, vector<1x16xf32>,
        %swap3A_878 = arith.index_cast %add3A_873 : i32 to index
        %swap3A_879 = arith.constant 16 : index
        %swap3A_880 = tpu.vector_load %arg8[%swap3A_878, %swap3A_879] {strides = array<i32>} : memref<320x128xf32, #tpu.memory_space<vmem>>, vector<1x16xf32>,
        %swap3A_881 = vector.shape_cast %swap3A_880 : vector<1x16xf32> to vector<16xf32>
        %swap3A_882 = vector.shape_cast %get3A_851 : vector<16xf32> to vector<1x16xf32>
        tpu.vector_store %arg8[%swap3A_878, %swap3A_879], %swap3A_882 {strides = array<i32>} : memref<320x128xf32, #tpu.memory_space<vmem>>, vector<1x16xf32>,
        %swap3A_883 = arith.index_cast %add3A_873 : i32 to index
        %swap3A_884 = arith.constant 32 : index
        %swap3A_885 = tpu.vector_load %arg8[%swap3A_883, %swap3A_884] {strides = array<i32>} : memref<320x128xf32, #tpu.memory_space<vmem>>, vector<1x16xf32>,
        %swap3A_886 = vector.shape_cast %swap3A_885 : vector<1x16xf32> to vector<16xf32>
        %swap3A_887 = vector.shape_cast %get3A_857 : vector<16xf32> to vector<1x16xf32>
        tpu.vector_store %arg8[%swap3A_883, %swap3A_884], %swap3A_887 {strides = array<i32>} : memref<320x128xf32, #tpu.memory_space<vmem>>, vector<1x16xf32>,
        %swap3A_888 = arith.index_cast %add3A_873 : i32 to index
        %swap3A_889 = arith.constant 48 : index
        %swap3A_890 = tpu.vector_load %arg8[%swap3A_888, %swap3A_889] {strides = array<i32>} : memref<320x128xf32, #tpu.memory_space<vmem>>, vector<1x16xf32>,
        %swap3A_891 = vector.shape_cast %swap3A_890 : vector<1x16xf32> to vector<16xf32>
        %swap3A_892 = vector.shape_cast %get3A_863 : vector<16xf32> to vector<1x16xf32>
        tpu.vector_store %arg8[%swap3A_888, %swap3A_889], %swap3A_892 {strides = array<i32>} : memref<320x128xf32, #tpu.memory_space<vmem>>, vector<1x16xf32>,
      }
      %scan3A_869 = arith.constant 64 : i32
    }
    %scan3A_251 = arith.constant 5 : i32
    %add3A_252 = arith.constant 4 : i32
    %add3A_253 = arith.addi %mul3A_2, %add3A_252 : i32
    %dma_start3A_254 = arith.constant 960 : i32
    %dma_start3A_255 = arith.constant 0 : i32
    %dma_start3A_256 = tpu.memref_slice %arg4[%add3A_253, %dma_start3A_254, %dma_start3A_255] : memref<256x3200x128xf32, #tpu.memory_space<hbm>> -> memref<1x320x128xf32, #tpu.memory_space<hbm>>
    %dma_start3A_257 = tpu.memref_squeeze %dma_start3A_256 : memref<1x320x128xf32, #tpu.memory_space<hbm>> -> memref<320x128xf32, #tpu.memory_space<hbm>>
    %dma_start3A_258 = arith.constant 960 : i32
    %dma_start3A_259 = arith.constant 0 : i32
    %dma_start3A_260 = tpu.memref_slice %arg4[%add3A_253, %dma_start3A_258, %dma_start3A_259] : memref<256x3200x128xf32, #tpu.memory_space<hbm>> -> memref<1x320x128xf32, #tpu.memory_space<hbm>>
    %dma_start3A_261 = tpu.memref_squeeze %dma_start3A_260 : memref<1x320x128xf32, #tpu.memory_space<hbm>> -> memref<320x128xf32, #tpu.memory_space<hbm>>
    tpu.enqueue_dma source(%arg8 : memref<320x128xf32, #tpu.memory_space<vmem>>) target(%dma_start3A_261 : memref<320x128xf32, #tpu.memory_space<hbm>>) target_semaphore(%arg11 : memref<!tpu.dma_semaphore, #tpu.memory_space<semaphore_mem>>)
    %add3A_262 = arith.constant 5 : i32
    %add3A_263 = arith.addi %mul3A_2, %add3A_262 : i32
    %dma_start3A_264 = arith.constant 960 : i32
    %dma_start3A_265 = arith.constant 0 : i32
    %dma_start3A_266 = tpu.memref_slice %arg4[%add3A_263, %dma_start3A_264, %dma_start3A_265] : memref<256x3200x128xf32, #tpu.memory_space<hbm>> -> memref<1x320x128xf32, #tpu.memory_space<hbm>>
    %dma_start3A_267 = tpu.memref_squeeze %dma_start3A_266 : memref<1x320x128xf32, #tpu.memory_space<hbm>> -> memref<320x128xf32, #tpu.memory_space<hbm>>
    %dma_start3A_268 = arith.constant 960 : i32
    %dma_start3A_269 = arith.constant 0 : i32
    %dma_start3A_270 = tpu.memref_slice %arg4[%add3A_263, %dma_start3A_268, %dma_start3A_269] : memref<256x3200x128xf32, #tpu.memory_space<hbm>> -> memref<1x320x128xf32, #tpu.memory_space<hbm>>
    %dma_start3A_271 = tpu.memref_squeeze %dma_start3A_270 : memref<1x320x128xf32, #tpu.memory_space<hbm>> -> memref<320x128xf32, #tpu.memory_space<hbm>>
    tpu.enqueue_dma source(%arg8 : memref<320x128xf32, #tpu.memory_space<vmem>>) target(%dma_start3A_271 : memref<320x128xf32, #tpu.memory_space<hbm>>) target_semaphore(%arg11 : memref<!tpu.dma_semaphore, #tpu.memory_space<semaphore_mem>>)
    %add3A_272 = arith.constant 6 : i32
    %add3A_273 = arith.addi %mul3A_2, %add3A_272 : i32
    %dma_start3A_274 = arith.constant 960 : i32
    %dma_start3A_275 = arith.constant 0 : i32
    %dma_start3A_276 = tpu.memref_slice %arg4[%add3A_273, %dma_start3A_274, %dma_start3A_275] : memref<256x3200x128xf32, #tpu.memory_space<hbm>> -> memref<1x320x128xf32, #tpu.memory_space<hbm>>
    %dma_start3A_277 = tpu.memref_squeeze %dma_start3A_276 : memref<1x320x128xf32, #tpu.memory_space<hbm>> -> memref<320x128xf32, #tpu.memory_space<hbm>>
    %dma_start3A_278 = arith.constant 960 : i32
    %dma_start3A_279 = arith.constant 0 : i32
    %dma_start3A_280 = tpu.memref_slice %arg4[%add3A_273, %dma_start3A_278, %dma_start3A_279] : memref<256x3200x128xf32, #tpu.memory_space<hbm>> -> memref<1x320x128xf32, #tpu.memory_space<hbm>>
    %dma_start3A_281 = tpu.memref_squeeze %dma_start3A_280 : memref<1x320x128xf32, #tpu.memory_space<hbm>> -> memref<320x128xf32, #tpu.memory_space<hbm>>
    tpu.enqueue_dma source(%arg8 : memref<320x128xf32, #tpu.memory_space<vmem>>) target(%dma_start3A_281 : memref<320x128xf32, #tpu.memory_space<hbm>>) target_semaphore(%arg11 : memref<!tpu.dma_semaphore, #tpu.memory_space<semaphore_mem>>)
    %add3A_282 = arith.constant 7 : i32
    %add3A_283 = arith.addi %mul3A_2, %add3A_282 : i32
    %dma_start3A_284 = arith.constant 960 : i32
    %dma_start3A_285 = arith.constant 0 : i32
    %dma_start3A_286 = tpu.memref_slice %arg4[%add3A_283, %dma_start3A_284, %dma_start3A_285] : memref<256x3200x128xf32, #tpu.memory_space<hbm>> -> memref<1x320x128xf32, #tpu.memory_space<hbm>>
    %dma_start3A_287 = tpu.memref_squeeze %dma_start3A_286 : memref<1x320x128xf32, #tpu.memory_space<hbm>> -> memref<320x128xf32, #tpu.memory_space<hbm>>
    %dma_start3A_288 = arith.constant 960 : i32
    %dma_start3A_289 = arith.constant 0 : i32
    %dma_start3A_290 = tpu.memref_slice %arg4[%add3A_283, %dma_start3A_288, %dma_start3A_289] : memref<256x3200x128xf32, #tpu.memory_space<hbm>> -> memref<1x320x128xf32, #tpu.memory_space<hbm>>
    %dma_start3A_291 = tpu.memref_squeeze %dma_start3A_290 : memref<1x320x128xf32, #tpu.memory_space<hbm>> -> memref<320x128xf32, #tpu.memory_space<hbm>>
    tpu.enqueue_dma source(%arg8 : memref<320x128xf32, #tpu.memory_space<vmem>>) target(%dma_start3A_291 : memref<320x128xf32, #tpu.memory_space<hbm>>) target_semaphore(%arg11 : memref<!tpu.dma_semaphore, #tpu.memory_space<semaphore_mem>>)
    %dma_wait3A_292 = arith.constant 640 : i32
    %dma_wait3A_293 = arith.constant 0 : i32
    %dma_wait3A_294 = tpu.memref_slice %arg4[%add3A_175, %dma_wait3A_292, %dma_wait3A_293] : memref<256x3200x128xf32, #tpu.memory_space<hbm>> -> memref<1x320x128xf32, #tpu.memory_space<hbm>>
    %dma_wait3A_295 = tpu.memref_squeeze %dma_wait3A_294 : memref<1x320x128xf32, #tpu.memory_space<hbm>> -> memref<320x128xf32, #tpu.memory_space<hbm>>
    %dma_wait3A_296 = arith.constant 640 : i32
    %dma_wait3A_297 = arith.constant 0 : i32
    %dma_wait3A_298 = tpu.memref_slice %arg4[%add3A_175, %dma_wait3A_296, %dma_wait3A_297] : memref<256x3200x128xf32, #tpu.memory_space<hbm>> -> memref<1x320x128xf32, #tpu.memory_space<hbm>>
    %dma_wait3A_299 = tpu.memref_squeeze %dma_wait3A_298 : memref<1x320x128xf32, #tpu.memory_space<hbm>> -> memref<320x128xf32, #tpu.memory_space<hbm>>
    tpu.wait_dma2 semaphore(%arg10 : memref<!tpu.dma_semaphore, #tpu.memory_space<semaphore_mem>>) src(%arg7 : memref<320x128xf32, #tpu.memory_space<vmem>>) dst(%dma_wait3A_299 : memref<320x128xf32, #tpu.memory_space<hbm>>)
    %dma_wait3A_300 = arith.constant 640 : i32
    %dma_wait3A_301 = arith.constant 0 : i32
    %dma_wait3A_302 = tpu.memref_slice %arg4[%add3A_185, %dma_wait3A_300, %dma_wait3A_301] : memref<256x3200x128xf32, #tpu.memory_space<hbm>> -> memref<1x320x128xf32, #tpu.memory_space<hbm>>
    %dma_wait3A_303 = tpu.memref_squeeze %dma_wait3A_302 : memref<1x320x128xf32, #tpu.memory_space<hbm>> -> memref<320x128xf32, #tpu.memory_space<hbm>>
    %dma_wait3A_304 = arith.constant 640 : i32
    %dma_wait3A_305 = arith.constant 0 : i32
    %dma_wait3A_306 = tpu.memref_slice %arg4[%add3A_185, %dma_wait3A_304, %dma_wait3A_305] : memref<256x3200x128xf32, #tpu.memory_space<hbm>> -> memref<1x320x128xf32, #tpu.memory_space<hbm>>
    %dma_wait3A_307 = tpu.memref_squeeze %dma_wait3A_306 : memref<1x320x128xf32, #tpu.memory_space<hbm>> -> memref<320x128xf32, #tpu.memory_space<hbm>>
    tpu.wait_dma2 semaphore(%arg10 : memref<!tpu.dma_semaphore, #tpu.memory_space<semaphore_mem>>) src(%arg7 : memref<320x128xf32, #tpu.memory_space<vmem>>) dst(%dma_wait3A_307 : memref<320x128xf32, #tpu.memory_space<hbm>>)
    %dma_wait3A_308 = arith.constant 640 : i32
    %dma_wait3A_309 = arith.constant 0 : i32
    %dma_wait3A_310 = tpu.memref_slice %arg4[%add3A_195, %dma_wait3A_308, %dma_wait3A_309] : memref<256x3200x128xf32, #tpu.memory_space<hbm>> -> memref<1x320x128xf32, #tpu.memory_space<hbm>>
    %dma_wait3A_311 = tpu.memref_squeeze %dma_wait3A_310 : memref<1x320x128xf32, #tpu.memory_space<hbm>> -> memref<320x128xf32, #tpu.memory_space<hbm>>
    %dma_wait3A_312 = arith.constant 640 : i32
    %dma_wait3A_313 = arith.constant 0 : i32
    %dma_wait3A_314 = tpu.memref_slice %arg4[%add3A_195, %dma_wait3A_312, %dma_wait3A_313] : memref<256x3200x128xf32, #tpu.memory_space<hbm>> -> memref<1x320x128xf32, #tpu.memory_space<hbm>>
    %dma_wait3A_315 = tpu.memref_squeeze %dma_wait3A_314 : memref<1x320x128xf32, #tpu.memory_space<hbm>> -> memref<320x128xf32, #tpu.memory_space<hbm>>
    tpu.wait_dma2 semaphore(%arg10 : memref<!tpu.dma_semaphore, #tpu.memory_space<semaphore_mem>>) src(%arg7 : memref<320x128xf32, #tpu.memory_space<vmem>>) dst(%dma_wait3A_315 : memref<320x128xf32, #tpu.memory_space<hbm>>)
    %dma_wait3A_316 = arith.constant 640 : i32
    %dma_wait3A_317 = arith.constant 0 : i32
    %dma_wait3A_318 = tpu.memref_slice %arg4[%add3A_205, %dma_wait3A_316, %dma_wait3A_317] : memref<256x3200x128xf32, #tpu.memory_space<hbm>> -> memref<1x320x128xf32, #tpu.memory_space<hbm>>
    %dma_wait3A_319 = tpu.memref_squeeze %dma_wait3A_318 : memref<1x320x128xf32, #tpu.memory_space<hbm>> -> memref<320x128xf32, #tpu.memory_space<hbm>>
    %dma_wait3A_320 = arith.constant 640 : i32
    %dma_wait3A_321 = arith.constant 0 : i32
    %dma_wait3A_322 = tpu.memref_slice %arg4[%add3A_205, %dma_wait3A_320, %dma_wait3A_321] : memref<256x3200x128xf32, #tpu.memory_space<hbm>> -> memref<1x320x128xf32, #tpu.memory_space<hbm>>
    %dma_wait3A_323 = tpu.memref_squeeze %dma_wait3A_322 : memref<1x320x128xf32, #tpu.memory_space<hbm>> -> memref<320x128xf32, #tpu.memory_space<hbm>>
    tpu.wait_dma2 semaphore(%arg10 : memref<!tpu.dma_semaphore, #tpu.memory_space<semaphore_mem>>) src(%arg7 : memref<320x128xf32, #tpu.memory_space<vmem>>) dst(%dma_wait3A_323 : memref<320x128xf32, #tpu.memory_space<hbm>>)
    %scan3A_324 = arith.constant 0 : i32
    %scan3A_325 = arith.constant 0 : i32
    %scan3A_326 = arith.constant 5 : i32
    %scan3A_327 = arith.addi %scan3A_325, %scan3A_326 : i32
    %scan3A_328 = arith.constant 1 : i32
    scf.for %scan3A_840 = %scan3A_325 to %scan3A_327 step %scan3A_328  : i32 {
      %add3A_841 = arith.constant 20 : i32
      %add3A_842 = arith.addi %add3A_841, %scan3A_840 : i32
      %get3A = arith.index_cast %add3A_842 : i32 to index
      %get3A_843 = arith.constant 0 : index
      %get3A_844 = tpu.vector_load %arg5[%get3A, %get3A_843] {strides = array<i32>} : memref<50x64xf32, #tpu.memory_space<vmem>>, vector<1x16xf32>,
      %get3A_845 = vector.shape_cast %get3A_844 : vector<1x16xf32> to vector<16xf32>
      %add3A_846 = arith.constant 20 : i32
      %add3A_847 = arith.addi %add3A_846, %scan3A_840 : i32
      %get3A_848 = arith.index_cast %add3A_847 : i32 to index
      %get3A_849 = arith.constant 16 : index
      %get3A_850 = tpu.vector_load %arg5[%get3A_848, %get3A_849] {strides = array<i32>} : memref<50x64xf32, #tpu.memory_space<vmem>>, vector<1x16xf32>,
      %get3A_851 = vector.shape_cast %get3A_850 : vector<1x16xf32> to vector<16xf32>
      %add3A_852 = arith.constant 20 : i32
      %add3A_853 = arith.addi %add3A_852, %scan3A_840 : i32
      %get3A_854 = arith.index_cast %add3A_853 : i32 to index
      %get3A_855 = arith.constant 32 : index
      %get3A_856 = tpu.vector_load %arg5[%get3A_854, %get3A_855] {strides = array<i32>} : memref<50x64xf32, #tpu.memory_space<vmem>>, vector<1x16xf32>,
      %get3A_857 = vector.shape_cast %get3A_856 : vector<1x16xf32> to vector<16xf32>
      %add3A_858 = arith.constant 20 : i32
      %add3A_859 = arith.addi %add3A_858, %scan3A_840 : i32
      %get3A_860 = arith.index_cast %add3A_859 : i32 to index
      %get3A_861 = arith.constant 48 : index
      %get3A_862 = tpu.vector_load %arg5[%get3A_860, %get3A_861] {strides = array<i32>} : memref<50x64xf32, #tpu.memory_space<vmem>>, vector<1x16xf32>,
      %get3A_863 = vector.shape_cast %get3A_862 : vector<1x16xf32> to vector<16xf32>
      %scan3A_864 = arith.constant 0 : i32
      %scan3A_865 = arith.constant 0 : i32
      %scan3A_866 = arith.constant 64 : i32
      %scan3A_867 = arith.addi %scan3A_865, %scan3A_866 : i32
      %scan3A_868 = arith.constant 1 : i32
      scf.for %scan3A_870 = %scan3A_865 to %scan3A_867 step %scan3A_868  : i32 {
        %mul3A_871 = arith.constant 64 : i32
        %mul3A_872 = arith.muli %scan3A_840, %mul3A_871 : i32
        %add3A_873 = arith.addi %mul3A_872, %scan3A_870 : i32
        %swap3A = arith.index_cast %add3A_873 : i32 to index
        %swap3A_874 = arith.constant 0 : index
        %swap3A_875 = tpu.vector_load %arg7[%swap3A, %swap3A_874] {strides = array<i32>} : memref<320x128xf32, #tpu.memory_space<vmem>>, vector<1x16xf32>,
        %swap3A_876 = vector.shape_cast %swap3A_875 : vector<1x16xf32> to vector<16xf32>
        %swap3A_877 = vector.shape_cast %get3A_845 : vector<16xf32> to vector<1x16xf32>
        tpu.vector_store %arg7[%swap3A, %swap3A_874], %swap3A_877 {strides = array<i32>} : memref<320x128xf32, #tpu.memory_space<vmem>>, vector<1x16xf32>,
        %swap3A_878 = arith.index_cast %add3A_873 : i32 to index
        %swap3A_879 = arith.constant 16 : index
        %swap3A_880 = tpu.vector_load %arg7[%swap3A_878, %swap3A_879] {strides = array<i32>} : memref<320x128xf32, #tpu.memory_space<vmem>>, vector<1x16xf32>,
        %swap3A_881 = vector.shape_cast %swap3A_880 : vector<1x16xf32> to vector<16xf32>
        %swap3A_882 = vector.shape_cast %get3A_851 : vector<16xf32> to vector<1x16xf32>
        tpu.vector_store %arg7[%swap3A_878, %swap3A_879], %swap3A_882 {strides = array<i32>} : memref<320x128xf32, #tpu.memory_space<vmem>>, vector<1x16xf32>,
        %swap3A_883 = arith.index_cast %add3A_873 : i32 to index
        %swap3A_884 = arith.constant 32 : index
        %swap3A_885 = tpu.vector_load %arg7[%swap3A_883, %swap3A_884] {strides = array<i32>} : memref<320x128xf32, #tpu.memory_space<vmem>>, vector<1x16xf32>,
        %swap3A_886 = vector.shape_cast %swap3A_885 : vector<1x16xf32> to vector<16xf32>
        %swap3A_887 = vector.shape_cast %get3A_857 : vector<16xf32> to vector<1x16xf32>
        tpu.vector_store %arg7[%swap3A_883, %swap3A_884], %swap3A_887 {strides = array<i32>} : memref<320x128xf32, #tpu.memory_space<vmem>>, vector<1x16xf32>,
        %swap3A_888 = arith.index_cast %add3A_873 : i32 to index
        %swap3A_889 = arith.constant 48 : index
        %swap3A_890 = tpu.vector_load %arg7[%swap3A_888, %swap3A_889] {strides = array<i32>} : memref<320x128xf32, #tpu.memory_space<vmem>>, vector<1x16xf32>,
        %swap3A_891 = vector.shape_cast %swap3A_890 : vector<1x16xf32> to vector<16xf32>
        %swap3A_892 = vector.shape_cast %get3A_863 : vector<16xf32> to vector<1x16xf32>
        tpu.vector_store %arg7[%swap3A_888, %swap3A_889], %swap3A_892 {strides = array<i32>} : memref<320x128xf32, #tpu.memory_space<vmem>>, vector<1x16xf32>,
      }
      %scan3A_869 = arith.constant 64 : i32
    }
    %scan3A_329 = arith.constant 5 : i32
    %add3A_330 = arith.constant 4 : i32
    %add3A_331 = arith.addi %mul3A_2, %add3A_330 : i32
    %dma_start3A_332 = arith.constant 1280 : i32
    %dma_start3A_333 = arith.constant 0 : i32
    %dma_start3A_334 = tpu.memref_slice %arg4[%add3A_331, %dma_start3A_332, %dma_start3A_333] : memref<256x3200x128xf32, #tpu.memory_space<hbm>> -> memref<1x320x128xf32, #tpu.memory_space<hbm>>
    %dma_start3A_335 = tpu.memref_squeeze %dma_start3A_334 : memref<1x320x128xf32, #tpu.memory_space<hbm>> -> memref<320x128xf32, #tpu.memory_space<hbm>>
    %dma_start3A_336 = arith.constant 1280 : i32
    %dma_start3A_337 = arith.constant 0 : i32
    %dma_start3A_338 = tpu.memref_slice %arg4[%add3A_331, %dma_start3A_336, %dma_start3A_337] : memref<256x3200x128xf32, #tpu.memory_space<hbm>> -> memref<1x320x128xf32, #tpu.memory_space<hbm>>
    %dma_start3A_339 = tpu.memref_squeeze %dma_start3A_338 : memref<1x320x128xf32, #tpu.memory_space<hbm>> -> memref<320x128xf32, #tpu.memory_space<hbm>>
    tpu.enqueue_dma source(%arg7 : memref<320x128xf32, #tpu.memory_space<vmem>>) target(%dma_start3A_339 : memref<320x128xf32, #tpu.memory_space<hbm>>) target_semaphore(%arg10 : memref<!tpu.dma_semaphore, #tpu.memory_space<semaphore_mem>>)
    %add3A_340 = arith.constant 5 : i32
    %add3A_341 = arith.addi %mul3A_2, %add3A_340 : i32
    %dma_start3A_342 = arith.constant 1280 : i32
    %dma_start3A_343 = arith.constant 0 : i32
    %dma_start3A_344 = tpu.memref_slice %arg4[%add3A_341, %dma_start3A_342, %dma_start3A_343] : memref<256x3200x128xf32, #tpu.memory_space<hbm>> -> memref<1x320x128xf32, #tpu.memory_space<hbm>>
    %dma_start3A_345 = tpu.memref_squeeze %dma_start3A_344 : memref<1x320x128xf32, #tpu.memory_space<hbm>> -> memref<320x128xf32, #tpu.memory_space<hbm>>
    %dma_start3A_346 = arith.constant 1280 : i32
    %dma_start3A_347 = arith.constant 0 : i32
    %dma_start3A_348 = tpu.memref_slice %arg4[%add3A_341, %dma_start3A_346, %dma_start3A_347] : memref<256x3200x128xf32, #tpu.memory_space<hbm>> -> memref<1x320x128xf32, #tpu.memory_space<hbm>>
    %dma_start3A_349 = tpu.memref_squeeze %dma_start3A_348 : memref<1x320x128xf32, #tpu.memory_space<hbm>> -> memref<320x128xf32, #tpu.memory_space<hbm>>
    tpu.enqueue_dma source(%arg7 : memref<320x128xf32, #tpu.memory_space<vmem>>) target(%dma_start3A_349 : memref<320x128xf32, #tpu.memory_space<hbm>>) target_semaphore(%arg10 : memref<!tpu.dma_semaphore, #tpu.memory_space<semaphore_mem>>)
    %add3A_350 = arith.constant 6 : i32
    %add3A_351 = arith.addi %mul3A_2, %add3A_350 : i32
    %dma_start3A_352 = arith.constant 1280 : i32
    %dma_start3A_353 = arith.constant 0 : i32
    %dma_start3A_354 = tpu.memref_slice %arg4[%add3A_351, %dma_start3A_352, %dma_start3A_353] : memref<256x3200x128xf32, #tpu.memory_space<hbm>> -> memref<1x320x128xf32, #tpu.memory_space<hbm>>
    %dma_start3A_355 = tpu.memref_squeeze %dma_start3A_354 : memref<1x320x128xf32, #tpu.memory_space<hbm>> -> memref<320x128xf32, #tpu.memory_space<hbm>>
    %dma_start3A_356 = arith.constant 1280 : i32
    %dma_start3A_357 = arith.constant 0 : i32
    %dma_start3A_358 = tpu.memref_slice %arg4[%add3A_351, %dma_start3A_356, %dma_start3A_357] : memref<256x3200x128xf32, #tpu.memory_space<hbm>> -> memref<1x320x128xf32, #tpu.memory_space<hbm>>
    %dma_start3A_359 = tpu.memref_squeeze %dma_start3A_358 : memref<1x320x128xf32, #tpu.memory_space<hbm>> -> memref<320x128xf32, #tpu.memory_space<hbm>>
    tpu.enqueue_dma source(%arg7 : memref<320x128xf32, #tpu.memory_space<vmem>>) target(%dma_start3A_359 : memref<320x128xf32, #tpu.memory_space<hbm>>) target_semaphore(%arg10 : memref<!tpu.dma_semaphore, #tpu.memory_space<semaphore_mem>>)
    %add3A_360 = arith.constant 7 : i32
    %add3A_361 = arith.addi %mul3A_2, %add3A_360 : i32
    %dma_start3A_362 = arith.constant 1280 : i32
    %dma_start3A_363 = arith.constant 0 : i32
    %dma_start3A_364 = tpu.memref_slice %arg4[%add3A_361, %dma_start3A_362, %dma_start3A_363] : memref<256x3200x128xf32, #tpu.memory_space<hbm>> -> memref<1x320x128xf32, #tpu.memory_space<hbm>>
    %dma_start3A_365 = tpu.memref_squeeze %dma_start3A_364 : memref<1x320x128xf32, #tpu.memory_space<hbm>> -> memref<320x128xf32, #tpu.memory_space<hbm>>
    %dma_start3A_366 = arith.constant 1280 : i32
    %dma_start3A_367 = arith.constant 0 : i32
    %dma_start3A_368 = tpu.memref_slice %arg4[%add3A_361, %dma_start3A_366, %dma_start3A_367] : memref<256x3200x128xf32, #tpu.memory_space<hbm>> -> memref<1x320x128xf32, #tpu.memory_space<hbm>>
    %dma_start3A_369 = tpu.memref_squeeze %dma_start3A_368 : memref<1x320x128xf32, #tpu.memory_space<hbm>> -> memref<320x128xf32, #tpu.memory_space<hbm>>
    tpu.enqueue_dma source(%arg7 : memref<320x128xf32, #tpu.memory_space<vmem>>) target(%dma_start3A_369 : memref<320x128xf32, #tpu.memory_space<hbm>>) target_semaphore(%arg10 : memref<!tpu.dma_semaphore, #tpu.memory_space<semaphore_mem>>)
    %dma_wait3A_370 = arith.constant 960 : i32
    %dma_wait3A_371 = arith.constant 0 : i32
    %dma_wait3A_372 = tpu.memref_slice %arg4[%add3A_253, %dma_wait3A_370, %dma_wait3A_371] : memref<256x3200x128xf32, #tpu.memory_space<hbm>> -> memref<1x320x128xf32, #tpu.memory_space<hbm>>
    %dma_wait3A_373 = tpu.memref_squeeze %dma_wait3A_372 : memref<1x320x128xf32, #tpu.memory_space<hbm>> -> memref<320x128xf32, #tpu.memory_space<hbm>>
    %dma_wait3A_374 = arith.constant 960 : i32
    %dma_wait3A_375 = arith.constant 0 : i32
    %dma_wait3A_376 = tpu.memref_slice %arg4[%add3A_253, %dma_wait3A_374, %dma_wait3A_375] : memref<256x3200x128xf32, #tpu.memory_space<hbm>> -> memref<1x320x128xf32, #tpu.memory_space<hbm>>
    %dma_wait3A_377 = tpu.memref_squeeze %dma_wait3A_376 : memref<1x320x128xf32, #tpu.memory_space<hbm>> -> memref<320x128xf32, #tpu.memory_space<hbm>>
    tpu.wait_dma2 semaphore(%arg11 : memref<!tpu.dma_semaphore, #tpu.memory_space<semaphore_mem>>) src(%arg8 : memref<320x128xf32, #tpu.memory_space<vmem>>) dst(%dma_wait3A_377 : memref<320x128xf32, #tpu.memory_space<hbm>>)
    %dma_wait3A_378 = arith.constant 960 : i32
    %dma_wait3A_379 = arith.constant 0 : i32
    %dma_wait3A_380 = tpu.memref_slice %arg4[%add3A_263, %dma_wait3A_378, %dma_wait3A_379] : memref<256x3200x128xf32, #tpu.memory_space<hbm>> -> memref<1x320x128xf32, #tpu.memory_space<hbm>>
    %dma_wait3A_381 = tpu.memref_squeeze %dma_wait3A_380 : memref<1x320x128xf32, #tpu.memory_space<hbm>> -> memref<320x128xf32, #tpu.memory_space<hbm>>
    %dma_wait3A_382 = arith.constant 960 : i32
    %dma_wait3A_383 = arith.constant 0 : i32
    %dma_wait3A_384 = tpu.memref_slice %arg4[%add3A_263, %dma_wait3A_382, %dma_wait3A_383] : memref<256x3200x128xf32, #tpu.memory_space<hbm>> -> memref<1x320x128xf32, #tpu.memory_space<hbm>>
    %dma_wait3A_385 = tpu.memref_squeeze %dma_wait3A_384 : memref<1x320x128xf32, #tpu.memory_space<hbm>> -> memref<320x128xf32, #tpu.memory_space<hbm>>
    tpu.wait_dma2 semaphore(%arg11 : memref<!tpu.dma_semaphore, #tpu.memory_space<semaphore_mem>>) src(%arg8 : memref<320x128xf32, #tpu.memory_space<vmem>>) dst(%dma_wait3A_385 : memref<320x128xf32, #tpu.memory_space<hbm>>)
    %dma_wait3A_386 = arith.constant 960 : i32
    %dma_wait3A_387 = arith.constant 0 : i32
    %dma_wait3A_388 = tpu.memref_slice %arg4[%add3A_273, %dma_wait3A_386, %dma_wait3A_387] : memref<256x3200x128xf32, #tpu.memory_space<hbm>> -> memref<1x320x128xf32, #tpu.memory_space<hbm>>
    %dma_wait3A_389 = tpu.memref_squeeze %dma_wait3A_388 : memref<1x320x128xf32, #tpu.memory_space<hbm>> -> memref<320x128xf32, #tpu.memory_space<hbm>>
    %dma_wait3A_390 = arith.constant 960 : i32
    %dma_wait3A_391 = arith.constant 0 : i32
    %dma_wait3A_392 = tpu.memref_slice %arg4[%add3A_273, %dma_wait3A_390, %dma_wait3A_391] : memref<256x3200x128xf32, #tpu.memory_space<hbm>> -> memref<1x320x128xf32, #tpu.memory_space<hbm>>
    %dma_wait3A_393 = tpu.memref_squeeze %dma_wait3A_392 : memref<1x320x128xf32, #tpu.memory_space<hbm>> -> memref<320x128xf32, #tpu.memory_space<hbm>>
    tpu.wait_dma2 semaphore(%arg11 : memref<!tpu.dma_semaphore, #tpu.memory_space<semaphore_mem>>) src(%arg8 : memref<320x128xf32, #tpu.memory_space<vmem>>) dst(%dma_wait3A_393 : memref<320x128xf32, #tpu.memory_space<hbm>>)
    %dma_wait3A_394 = arith.constant 960 : i32
    %dma_wait3A_395 = arith.constant 0 : i32
    %dma_wait3A_396 = tpu.memref_slice %arg4[%add3A_283, %dma_wait3A_394, %dma_wait3A_395] : memref<256x3200x128xf32, #tpu.memory_space<hbm>> -> memref<1x320x128xf32, #tpu.memory_space<hbm>>
    %dma_wait3A_397 = tpu.memref_squeeze %dma_wait3A_396 : memref<1x320x128xf32, #tpu.memory_space<hbm>> -> memref<320x128xf32, #tpu.memory_space<hbm>>
    %dma_wait3A_398 = arith.constant 960 : i32
    %dma_wait3A_399 = arith.constant 0 : i32
    %dma_wait3A_400 = tpu.memref_slice %arg4[%add3A_283, %dma_wait3A_398, %dma_wait3A_399] : memref<256x3200x128xf32, #tpu.memory_space<hbm>> -> memref<1x320x128xf32, #tpu.memory_space<hbm>>
    %dma_wait3A_401 = tpu.memref_squeeze %dma_wait3A_400 : memref<1x320x128xf32, #tpu.memory_space<hbm>> -> memref<320x128xf32, #tpu.memory_space<hbm>>
    tpu.wait_dma2 semaphore(%arg11 : memref<!tpu.dma_semaphore, #tpu.memory_space<semaphore_mem>>) src(%arg8 : memref<320x128xf32, #tpu.memory_space<vmem>>) dst(%dma_wait3A_401 : memref<320x128xf32, #tpu.memory_space<hbm>>)
    %scan3A_402 = arith.constant 0 : i32
    %scan3A_403 = arith.constant 0 : i32
    %scan3A_404 = arith.constant 5 : i32
    %scan3A_405 = arith.addi %scan3A_403, %scan3A_404 : i32
    %scan3A_406 = arith.constant 1 : i32
    scf.for %scan3A_840 = %scan3A_403 to %scan3A_405 step %scan3A_406  : i32 {
      %add3A_841 = arith.constant 25 : i32
      %add3A_842 = arith.addi %add3A_841, %scan3A_840 : i32
      %get3A = arith.index_cast %add3A_842 : i32 to index
      %get3A_843 = arith.constant 0 : index
      %get3A_844 = tpu.vector_load %arg5[%get3A, %get3A_843] {strides = array<i32>} : memref<50x64xf32, #tpu.memory_space<vmem>>, vector<1x16xf32>,
      %get3A_845 = vector.shape_cast %get3A_844 : vector<1x16xf32> to vector<16xf32>
      %add3A_846 = arith.constant 25 : i32
      %add3A_847 = arith.addi %add3A_846, %scan3A_840 : i32
      %get3A_848 = arith.index_cast %add3A_847 : i32 to index
      %get3A_849 = arith.constant 16 : index
      %get3A_850 = tpu.vector_load %arg5[%get3A_848, %get3A_849] {strides = array<i32>} : memref<50x64xf32, #tpu.memory_space<vmem>>, vector<1x16xf32>,
      %get3A_851 = vector.shape_cast %get3A_850 : vector<1x16xf32> to vector<16xf32>
      %add3A_852 = arith.constant 25 : i32
      %add3A_853 = arith.addi %add3A_852, %scan3A_840 : i32
      %get3A_854 = arith.index_cast %add3A_853 : i32 to index
      %get3A_855 = arith.constant 32 : index
      %get3A_856 = tpu.vector_load %arg5[%get3A_854, %get3A_855] {strides = array<i32>} : memref<50x64xf32, #tpu.memory_space<vmem>>, vector<1x16xf32>,
      %get3A_857 = vector.shape_cast %get3A_856 : vector<1x16xf32> to vector<16xf32>
      %add3A_858 = arith.constant 25 : i32
      %add3A_859 = arith.addi %add3A_858, %scan3A_840 : i32
      %get3A_860 = arith.index_cast %add3A_859 : i32 to index
      %get3A_861 = arith.constant 48 : index
      %get3A_862 = tpu.vector_load %arg5[%get3A_860, %get3A_861] {strides = array<i32>} : memref<50x64xf32, #tpu.memory_space<vmem>>, vector<1x16xf32>,
      %get3A_863 = vector.shape_cast %get3A_862 : vector<1x16xf32> to vector<16xf32>
      %scan3A_864 = arith.constant 0 : i32
      %scan3A_865 = arith.constant 0 : i32
      %scan3A_866 = arith.constant 64 : i32
      %scan3A_867 = arith.addi %scan3A_865, %scan3A_866 : i32
      %scan3A_868 = arith.constant 1 : i32
      scf.for %scan3A_870 = %scan3A_865 to %scan3A_867 step %scan3A_868  : i32 {
        %mul3A_871 = arith.constant 64 : i32
        %mul3A_872 = arith.muli %scan3A_840, %mul3A_871 : i32
        %add3A_873 = arith.addi %mul3A_872, %scan3A_870 : i32
        %swap3A = arith.index_cast %add3A_873 : i32 to index
        %swap3A_874 = arith.constant 0 : index
        %swap3A_875 = tpu.vector_load %arg8[%swap3A, %swap3A_874] {strides = array<i32>} : memref<320x128xf32, #tpu.memory_space<vmem>>, vector<1x16xf32>,
        %swap3A_876 = vector.shape_cast %swap3A_875 : vector<1x16xf32> to vector<16xf32>
        %swap3A_877 = vector.shape_cast %get3A_845 : vector<16xf32> to vector<1x16xf32>
        tpu.vector_store %arg8[%swap3A, %swap3A_874], %swap3A_877 {strides = array<i32>} : memref<320x128xf32, #tpu.memory_space<vmem>>, vector<1x16xf32>,
        %swap3A_878 = arith.index_cast %add3A_873 : i32 to index
        %swap3A_879 = arith.constant 16 : index
        %swap3A_880 = tpu.vector_load %arg8[%swap3A_878, %swap3A_879] {strides = array<i32>} : memref<320x128xf32, #tpu.memory_space<vmem>>, vector<1x16xf32>,
        %swap3A_881 = vector.shape_cast %swap3A_880 : vector<1x16xf32> to vector<16xf32>
        %swap3A_882 = vector.shape_cast %get3A_851 : vector<16xf32> to vector<1x16xf32>
        tpu.vector_store %arg8[%swap3A_878, %swap3A_879], %swap3A_882 {strides = array<i32>} : memref<320x128xf32, #tpu.memory_space<vmem>>, vector<1x16xf32>,
        %swap3A_883 = arith.index_cast %add3A_873 : i32 to index
        %swap3A_884 = arith.constant 32 : index
        %swap3A_885 = tpu.vector_load %arg8[%swap3A_883, %swap3A_884] {strides = array<i32>} : memref<320x128xf32, #tpu.memory_space<vmem>>, vector<1x16xf32>,
        %swap3A_886 = vector.shape_cast %swap3A_885 : vector<1x16xf32> to vector<16xf32>
        %swap3A_887 = vector.shape_cast %get3A_857 : vector<16xf32> to vector<1x16xf32>
        tpu.vector_store %arg8[%swap3A_883, %swap3A_884], %swap3A_887 {strides = array<i32>} : memref<320x128xf32, #tpu.memory_space<vmem>>, vector<1x16xf32>,
        %swap3A_888 = arith.index_cast %add3A_873 : i32 to index
        %swap3A_889 = arith.constant 48 : index
        %swap3A_890 = tpu.vector_load %arg8[%swap3A_888, %swap3A_889] {strides = array<i32>} : memref<320x128xf32, #tpu.memory_space<vmem>>, vector<1x16xf32>,
        %swap3A_891 = vector.shape_cast %swap3A_890 : vector<1x16xf32> to vector<16xf32>
        %swap3A_892 = vector.shape_cast %get3A_863 : vector<16xf32> to vector<1x16xf32>
        tpu.vector_store %arg8[%swap3A_888, %swap3A_889], %swap3A_892 {strides = array<i32>} : memref<320x128xf32, #tpu.memory_space<vmem>>, vector<1x16xf32>,
      }
      %scan3A_869 = arith.constant 64 : i32
    }
    %scan3A_407 = arith.constant 5 : i32
    %add3A_408 = arith.constant 4 : i32
    %add3A_409 = arith.addi %mul3A_2, %add3A_408 : i32
    %dma_start3A_410 = arith.constant 1600 : i32
    %dma_start3A_411 = arith.constant 0 : i32
    %dma_start3A_412 = tpu.memref_slice %arg4[%add3A_409, %dma_start3A_410, %dma_start3A_411] : memref<256x3200x128xf32, #tpu.memory_space<hbm>> -> memref<1x320x128xf32, #tpu.memory_space<hbm>>
    %dma_start3A_413 = tpu.memref_squeeze %dma_start3A_412 : memref<1x320x128xf32, #tpu.memory_space<hbm>> -> memref<320x128xf32, #tpu.memory_space<hbm>>
    %dma_start3A_414 = arith.constant 1600 : i32
    %dma_start3A_415 = arith.constant 0 : i32
    %dma_start3A_416 = tpu.memref_slice %arg4[%add3A_409, %dma_start3A_414, %dma_start3A_415] : memref<256x3200x128xf32, #tpu.memory_space<hbm>> -> memref<1x320x128xf32, #tpu.memory_space<hbm>>
    %dma_start3A_417 = tpu.memref_squeeze %dma_start3A_416 : memref<1x320x128xf32, #tpu.memory_space<hbm>> -> memref<320x128xf32, #tpu.memory_space<hbm>>
    tpu.enqueue_dma source(%arg8 : memref<320x128xf32, #tpu.memory_space<vmem>>) target(%dma_start3A_417 : memref<320x128xf32, #tpu.memory_space<hbm>>) target_semaphore(%arg11 : memref<!tpu.dma_semaphore, #tpu.memory_space<semaphore_mem>>)
    %add3A_418 = arith.constant 5 : i32
    %add3A_419 = arith.addi %mul3A_2, %add3A_418 : i32
    %dma_start3A_420 = arith.constant 1600 : i32
    %dma_start3A_421 = arith.constant 0 : i32
    %dma_start3A_422 = tpu.memref_slice %arg4[%add3A_419, %dma_start3A_420, %dma_start3A_421] : memref<256x3200x128xf32, #tpu.memory_space<hbm>> -> memref<1x320x128xf32, #tpu.memory_space<hbm>>
    %dma_start3A_423 = tpu.memref_squeeze %dma_start3A_422 : memref<1x320x128xf32, #tpu.memory_space<hbm>> -> memref<320x128xf32, #tpu.memory_space<hbm>>
    %dma_start3A_424 = arith.constant 1600 : i32
    %dma_start3A_425 = arith.constant 0 : i32
    %dma_start3A_426 = tpu.memref_slice %arg4[%add3A_419, %dma_start3A_424, %dma_start3A_425] : memref<256x3200x128xf32, #tpu.memory_space<hbm>> -> memref<1x320x128xf32, #tpu.memory_space<hbm>>
    %dma_start3A_427 = tpu.memref_squeeze %dma_start3A_426 : memref<1x320x128xf32, #tpu.memory_space<hbm>> -> memref<320x128xf32, #tpu.memory_space<hbm>>
    tpu.enqueue_dma source(%arg8 : memref<320x128xf32, #tpu.memory_space<vmem>>) target(%dma_start3A_427 : memref<320x128xf32, #tpu.memory_space<hbm>>) target_semaphore(%arg11 : memref<!tpu.dma_semaphore, #tpu.memory_space<semaphore_mem>>)
    %add3A_428 = arith.constant 6 : i32
    %add3A_429 = arith.addi %mul3A_2, %add3A_428 : i32
    %dma_start3A_430 = arith.constant 1600 : i32
    %dma_start3A_431 = arith.constant 0 : i32
    %dma_start3A_432 = tpu.memref_slice %arg4[%add3A_429, %dma_start3A_430, %dma_start3A_431] : memref<256x3200x128xf32, #tpu.memory_space<hbm>> -> memref<1x320x128xf32, #tpu.memory_space<hbm>>
    %dma_start3A_433 = tpu.memref_squeeze %dma_start3A_432 : memref<1x320x128xf32, #tpu.memory_space<hbm>> -> memref<320x128xf32, #tpu.memory_space<hbm>>
    %dma_start3A_434 = arith.constant 1600 : i32
    %dma_start3A_435 = arith.constant 0 : i32
    %dma_start3A_436 = tpu.memref_slice %arg4[%add3A_429, %dma_start3A_434, %dma_start3A_435] : memref<256x3200x128xf32, #tpu.memory_space<hbm>> -> memref<1x320x128xf32, #tpu.memory_space<hbm>>
    %dma_start3A_437 = tpu.memref_squeeze %dma_start3A_436 : memref<1x320x128xf32, #tpu.memory_space<hbm>> -> memref<320x128xf32, #tpu.memory_space<hbm>>
    tpu.enqueue_dma source(%arg8 : memref<320x128xf32, #tpu.memory_space<vmem>>) target(%dma_start3A_437 : memref<320x128xf32, #tpu.memory_space<hbm>>) target_semaphore(%arg11 : memref<!tpu.dma_semaphore, #tpu.memory_space<semaphore_mem>>)
    %add3A_438 = arith.constant 7 : i32
    %add3A_439 = arith.addi %mul3A_2, %add3A_438 : i32
    %dma_start3A_440 = arith.constant 1600 : i32
    %dma_start3A_441 = arith.constant 0 : i32
    %dma_start3A_442 = tpu.memref_slice %arg4[%add3A_439, %dma_start3A_440, %dma_start3A_441] : memref<256x3200x128xf32, #tpu.memory_space<hbm>> -> memref<1x320x128xf32, #tpu.memory_space<hbm>>
    %dma_start3A_443 = tpu.memref_squeeze %dma_start3A_442 : memref<1x320x128xf32, #tpu.memory_space<hbm>> -> memref<320x128xf32, #tpu.memory_space<hbm>>
    %dma_start3A_444 = arith.constant 1600 : i32
    %dma_start3A_445 = arith.constant 0 : i32
    %dma_start3A_446 = tpu.memref_slice %arg4[%add3A_439, %dma_start3A_444, %dma_start3A_445] : memref<256x3200x128xf32, #tpu.memory_space<hbm>> -> memref<1x320x128xf32, #tpu.memory_space<hbm>>
    %dma_start3A_447 = tpu.memref_squeeze %dma_start3A_446 : memref<1x320x128xf32, #tpu.memory_space<hbm>> -> memref<320x128xf32, #tpu.memory_space<hbm>>
    tpu.enqueue_dma source(%arg8 : memref<320x128xf32, #tpu.memory_space<vmem>>) target(%dma_start3A_447 : memref<320x128xf32, #tpu.memory_space<hbm>>) target_semaphore(%arg11 : memref<!tpu.dma_semaphore, #tpu.memory_space<semaphore_mem>>)
    %dma_wait3A_448 = arith.constant 1280 : i32
    %dma_wait3A_449 = arith.constant 0 : i32
    %dma_wait3A_450 = tpu.memref_slice %arg4[%add3A_331, %dma_wait3A_448, %dma_wait3A_449] : memref<256x3200x128xf32, #tpu.memory_space<hbm>> -> memref<1x320x128xf32, #tpu.memory_space<hbm>>
    %dma_wait3A_451 = tpu.memref_squeeze %dma_wait3A_450 : memref<1x320x128xf32, #tpu.memory_space<hbm>> -> memref<320x128xf32, #tpu.memory_space<hbm>>
    %dma_wait3A_452 = arith.constant 1280 : i32
    %dma_wait3A_453 = arith.constant 0 : i32
    %dma_wait3A_454 = tpu.memref_slice %arg4[%add3A_331, %dma_wait3A_452, %dma_wait3A_453] : memref<256x3200x128xf32, #tpu.memory_space<hbm>> -> memref<1x320x128xf32, #tpu.memory_space<hbm>>
    %dma_wait3A_455 = tpu.memref_squeeze %dma_wait3A_454 : memref<1x320x128xf32, #tpu.memory_space<hbm>> -> memref<320x128xf32, #tpu.memory_space<hbm>>
    tpu.wait_dma2 semaphore(%arg10 : memref<!tpu.dma_semaphore, #tpu.memory_space<semaphore_mem>>) src(%arg7 : memref<320x128xf32, #tpu.memory_space<vmem>>) dst(%dma_wait3A_455 : memref<320x128xf32, #tpu.memory_space<hbm>>)
    %dma_wait3A_456 = arith.constant 1280 : i32
    %dma_wait3A_457 = arith.constant 0 : i32
    %dma_wait3A_458 = tpu.memref_slice %arg4[%add3A_341, %dma_wait3A_456, %dma_wait3A_457] : memref<256x3200x128xf32, #tpu.memory_space<hbm>> -> memref<1x320x128xf32, #tpu.memory_space<hbm>>
    %dma_wait3A_459 = tpu.memref_squeeze %dma_wait3A_458 : memref<1x320x128xf32, #tpu.memory_space<hbm>> -> memref<320x128xf32, #tpu.memory_space<hbm>>
    %dma_wait3A_460 = arith.constant 1280 : i32
    %dma_wait3A_461 = arith.constant 0 : i32
    %dma_wait3A_462 = tpu.memref_slice %arg4[%add3A_341, %dma_wait3A_460, %dma_wait3A_461] : memref<256x3200x128xf32, #tpu.memory_space<hbm>> -> memref<1x320x128xf32, #tpu.memory_space<hbm>>
    %dma_wait3A_463 = tpu.memref_squeeze %dma_wait3A_462 : memref<1x320x128xf32, #tpu.memory_space<hbm>> -> memref<320x128xf32, #tpu.memory_space<hbm>>
    tpu.wait_dma2 semaphore(%arg10 : memref<!tpu.dma_semaphore, #tpu.memory_space<semaphore_mem>>) src(%arg7 : memref<320x128xf32, #tpu.memory_space<vmem>>) dst(%dma_wait3A_463 : memref<320x128xf32, #tpu.memory_space<hbm>>)
    %dma_wait3A_464 = arith.constant 1280 : i32
    %dma_wait3A_465 = arith.constant 0 : i32
    %dma_wait3A_466 = tpu.memref_slice %arg4[%add3A_351, %dma_wait3A_464, %dma_wait3A_465] : memref<256x3200x128xf32, #tpu.memory_space<hbm>> -> memref<1x320x128xf32, #tpu.memory_space<hbm>>
    %dma_wait3A_467 = tpu.memref_squeeze %dma_wait3A_466 : memref<1x320x128xf32, #tpu.memory_space<hbm>> -> memref<320x128xf32, #tpu.memory_space<hbm>>
    %dma_wait3A_468 = arith.constant 1280 : i32
    %dma_wait3A_469 = arith.constant 0 : i32
    %dma_wait3A_470 = tpu.memref_slice %arg4[%add3A_351, %dma_wait3A_468, %dma_wait3A_469] : memref<256x3200x128xf32, #tpu.memory_space<hbm>> -> memref<1x320x128xf32, #tpu.memory_space<hbm>>
    %dma_wait3A_471 = tpu.memref_squeeze %dma_wait3A_470 : memref<1x320x128xf32, #tpu.memory_space<hbm>> -> memref<320x128xf32, #tpu.memory_space<hbm>>
    tpu.wait_dma2 semaphore(%arg10 : memref<!tpu.dma_semaphore, #tpu.memory_space<semaphore_mem>>) src(%arg7 : memref<320x128xf32, #tpu.memory_space<vmem>>) dst(%dma_wait3A_471 : memref<320x128xf32, #tpu.memory_space<hbm>>)
    %dma_wait3A_472 = arith.constant 1280 : i32
    %dma_wait3A_473 = arith.constant 0 : i32
    %dma_wait3A_474 = tpu.memref_slice %arg4[%add3A_361, %dma_wait3A_472, %dma_wait3A_473] : memref<256x3200x128xf32, #tpu.memory_space<hbm>> -> memref<1x320x128xf32, #tpu.memory_space<hbm>>
    %dma_wait3A_475 = tpu.memref_squeeze %dma_wait3A_474 : memref<1x320x128xf32, #tpu.memory_space<hbm>> -> memref<320x128xf32, #tpu.memory_space<hbm>>
    %dma_wait3A_476 = arith.constant 1280 : i32
    %dma_wait3A_477 = arith.constant 0 : i32
    %dma_wait3A_478 = tpu.memref_slice %arg4[%add3A_361, %dma_wait3A_476, %dma_wait3A_477] : memref<256x3200x128xf32, #tpu.memory_space<hbm>> -> memref<1x320x128xf32, #tpu.memory_space<hbm>>
    %dma_wait3A_479 = tpu.memref_squeeze %dma_wait3A_478 : memref<1x320x128xf32, #tpu.memory_space<hbm>> -> memref<320x128xf32, #tpu.memory_space<hbm>>
    tpu.wait_dma2 semaphore(%arg10 : memref<!tpu.dma_semaphore, #tpu.memory_space<semaphore_mem>>) src(%arg7 : memref<320x128xf32, #tpu.memory_space<vmem>>) dst(%dma_wait3A_479 : memref<320x128xf32, #tpu.memory_space<hbm>>)
    %scan3A_480 = arith.constant 0 : i32
    %scan3A_481 = arith.constant 0 : i32
    %scan3A_482 = arith.constant 5 : i32
    %scan3A_483 = arith.addi %scan3A_481, %scan3A_482 : i32
    %scan3A_484 = arith.constant 1 : i32
    scf.for %scan3A_840 = %scan3A_481 to %scan3A_483 step %scan3A_484  : i32 {
      %add3A_841 = arith.constant 30 : i32
      %add3A_842 = arith.addi %add3A_841, %scan3A_840 : i32
      %get3A = arith.index_cast %add3A_842 : i32 to index
      %get3A_843 = arith.constant 0 : index
      %get3A_844 = tpu.vector_load %arg5[%get3A, %get3A_843] {strides = array<i32>} : memref<50x64xf32, #tpu.memory_space<vmem>>, vector<1x16xf32>,
      %get3A_845 = vector.shape_cast %get3A_844 : vector<1x16xf32> to vector<16xf32>
      %add3A_846 = arith.constant 30 : i32
      %add3A_847 = arith.addi %add3A_846, %scan3A_840 : i32
      %get3A_848 = arith.index_cast %add3A_847 : i32 to index
      %get3A_849 = arith.constant 16 : index
      %get3A_850 = tpu.vector_load %arg5[%get3A_848, %get3A_849] {strides = array<i32>} : memref<50x64xf32, #tpu.memory_space<vmem>>, vector<1x16xf32>,
      %get3A_851 = vector.shape_cast %get3A_850 : vector<1x16xf32> to vector<16xf32>
      %add3A_852 = arith.constant 30 : i32
      %add3A_853 = arith.addi %add3A_852, %scan3A_840 : i32
      %get3A_854 = arith.index_cast %add3A_853 : i32 to index
      %get3A_855 = arith.constant 32 : index
      %get3A_856 = tpu.vector_load %arg5[%get3A_854, %get3A_855] {strides = array<i32>} : memref<50x64xf32, #tpu.memory_space<vmem>>, vector<1x16xf32>,
      %get3A_857 = vector.shape_cast %get3A_856 : vector<1x16xf32> to vector<16xf32>
      %add3A_858 = arith.constant 30 : i32
      %add3A_859 = arith.addi %add3A_858, %scan3A_840 : i32
      %get3A_860 = arith.index_cast %add3A_859 : i32 to index
      %get3A_861 = arith.constant 48 : index
      %get3A_862 = tpu.vector_load %arg5[%get3A_860, %get3A_861] {strides = array<i32>} : memref<50x64xf32, #tpu.memory_space<vmem>>, vector<1x16xf32>,
      %get3A_863 = vector.shape_cast %get3A_862 : vector<1x16xf32> to vector<16xf32>
      %scan3A_864 = arith.constant 0 : i32
      %scan3A_865 = arith.constant 0 : i32
      %scan3A_866 = arith.constant 64 : i32
      %scan3A_867 = arith.addi %scan3A_865, %scan3A_866 : i32
      %scan3A_868 = arith.constant 1 : i32
      scf.for %scan3A_870 = %scan3A_865 to %scan3A_867 step %scan3A_868  : i32 {
        %mul3A_871 = arith.constant 64 : i32
        %mul3A_872 = arith.muli %scan3A_840, %mul3A_871 : i32
        %add3A_873 = arith.addi %mul3A_872, %scan3A_870 : i32
        %swap3A = arith.index_cast %add3A_873 : i32 to index
        %swap3A_874 = arith.constant 0 : index
        %swap3A_875 = tpu.vector_load %arg7[%swap3A, %swap3A_874] {strides = array<i32>} : memref<320x128xf32, #tpu.memory_space<vmem>>, vector<1x16xf32>,
        %swap3A_876 = vector.shape_cast %swap3A_875 : vector<1x16xf32> to vector<16xf32>
        %swap3A_877 = vector.shape_cast %get3A_845 : vector<16xf32> to vector<1x16xf32>
        tpu.vector_store %arg7[%swap3A, %swap3A_874], %swap3A_877 {strides = array<i32>} : memref<320x128xf32, #tpu.memory_space<vmem>>, vector<1x16xf32>,
        %swap3A_878 = arith.index_cast %add3A_873 : i32 to index
        %swap3A_879 = arith.constant 16 : index
        %swap3A_880 = tpu.vector_load %arg7[%swap3A_878, %swap3A_879] {strides = array<i32>} : memref<320x128xf32, #tpu.memory_space<vmem>>, vector<1x16xf32>,
        %swap3A_881 = vector.shape_cast %swap3A_880 : vector<1x16xf32> to vector<16xf32>
        %swap3A_882 = vector.shape_cast %get3A_851 : vector<16xf32> to vector<1x16xf32>
        tpu.vector_store %arg7[%swap3A_878, %swap3A_879], %swap3A_882 {strides = array<i32>} : memref<320x128xf32, #tpu.memory_space<vmem>>, vector<1x16xf32>,
        %swap3A_883 = arith.index_cast %add3A_873 : i32 to index
        %swap3A_884 = arith.constant 32 : index
        %swap3A_885 = tpu.vector_load %arg7[%swap3A_883, %swap3A_884] {strides = array<i32>} : memref<320x128xf32, #tpu.memory_space<vmem>>, vector<1x16xf32>,
        %swap3A_886 = vector.shape_cast %swap3A_885 : vector<1x16xf32> to vector<16xf32>
        %swap3A_887 = vector.shape_cast %get3A_857 : vector<16xf32> to vector<1x16xf32>
        tpu.vector_store %arg7[%swap3A_883, %swap3A_884], %swap3A_887 {strides = array<i32>} : memref<320x128xf32, #tpu.memory_space<vmem>>, vector<1x16xf32>,
        %swap3A_888 = arith.index_cast %add3A_873 : i32 to index
        %swap3A_889 = arith.constant 48 : index
        %swap3A_890 = tpu.vector_load %arg7[%swap3A_888, %swap3A_889] {strides = array<i32>} : memref<320x128xf32, #tpu.memory_space<vmem>>, vector<1x16xf32>,
        %swap3A_891 = vector.shape_cast %swap3A_890 : vector<1x16xf32> to vector<16xf32>
        %swap3A_892 = vector.shape_cast %get3A_863 : vector<16xf32> to vector<1x16xf32>
        tpu.vector_store %arg7[%swap3A_888, %swap3A_889], %swap3A_892 {strides = array<i32>} : memref<320x128xf32, #tpu.memory_space<vmem>>, vector<1x16xf32>,
      }
      %scan3A_869 = arith.constant 64 : i32
    }
    %scan3A_485 = arith.constant 5 : i32
    %add3A_486 = arith.constant 4 : i32
    %add3A_487 = arith.addi %mul3A_2, %add3A_486 : i32
    %dma_start3A_488 = arith.constant 1920 : i32
    %dma_start3A_489 = arith.constant 0 : i32
    %dma_start3A_490 = tpu.memref_slice %arg4[%add3A_487, %dma_start3A_488, %dma_start3A_489] : memref<256x3200x128xf32, #tpu.memory_space<hbm>> -> memref<1x320x128xf32, #tpu.memory_space<hbm>>
    %dma_start3A_491 = tpu.memref_squeeze %dma_start3A_490 : memref<1x320x128xf32, #tpu.memory_space<hbm>> -> memref<320x128xf32, #tpu.memory_space<hbm>>
    %dma_start3A_492 = arith.constant 1920 : i32
    %dma_start3A_493 = arith.constant 0 : i32
    %dma_start3A_494 = tpu.memref_slice %arg4[%add3A_487, %dma_start3A_492, %dma_start3A_493] : memref<256x3200x128xf32, #tpu.memory_space<hbm>> -> memref<1x320x128xf32, #tpu.memory_space<hbm>>
    %dma_start3A_495 = tpu.memref_squeeze %dma_start3A_494 : memref<1x320x128xf32, #tpu.memory_space<hbm>> -> memref<320x128xf32, #tpu.memory_space<hbm>>
    tpu.enqueue_dma source(%arg7 : memref<320x128xf32, #tpu.memory_space<vmem>>) target(%dma_start3A_495 : memref<320x128xf32, #tpu.memory_space<hbm>>) target_semaphore(%arg10 : memref<!tpu.dma_semaphore, #tpu.memory_space<semaphore_mem>>)
    %add3A_496 = arith.constant 5 : i32
    %add3A_497 = arith.addi %mul3A_2, %add3A_496 : i32
    %dma_start3A_498 = arith.constant 1920 : i32
    %dma_start3A_499 = arith.constant 0 : i32
    %dma_start3A_500 = tpu.memref_slice %arg4[%add3A_497, %dma_start3A_498, %dma_start3A_499] : memref<256x3200x128xf32, #tpu.memory_space<hbm>> -> memref<1x320x128xf32, #tpu.memory_space<hbm>>
    %dma_start3A_501 = tpu.memref_squeeze %dma_start3A_500 : memref<1x320x128xf32, #tpu.memory_space<hbm>> -> memref<320x128xf32, #tpu.memory_space<hbm>>
    %dma_start3A_502 = arith.constant 1920 : i32
    %dma_start3A_503 = arith.constant 0 : i32
    %dma_start3A_504 = tpu.memref_slice %arg4[%add3A_497, %dma_start3A_502, %dma_start3A_503] : memref<256x3200x128xf32, #tpu.memory_space<hbm>> -> memref<1x320x128xf32, #tpu.memory_space<hbm>>
    %dma_start3A_505 = tpu.memref_squeeze %dma_start3A_504 : memref<1x320x128xf32, #tpu.memory_space<hbm>> -> memref<320x128xf32, #tpu.memory_space<hbm>>
    tpu.enqueue_dma source(%arg7 : memref<320x128xf32, #tpu.memory_space<vmem>>) target(%dma_start3A_505 : memref<320x128xf32, #tpu.memory_space<hbm>>) target_semaphore(%arg10 : memref<!tpu.dma_semaphore, #tpu.memory_space<semaphore_mem>>)
    %add3A_506 = arith.constant 6 : i32
    %add3A_507 = arith.addi %mul3A_2, %add3A_506 : i32
    %dma_start3A_508 = arith.constant 1920 : i32
    %dma_start3A_509 = arith.constant 0 : i32
    %dma_start3A_510 = tpu.memref_slice %arg4[%add3A_507, %dma_start3A_508, %dma_start3A_509] : memref<256x3200x128xf32, #tpu.memory_space<hbm>> -> memref<1x320x128xf32, #tpu.memory_space<hbm>>
    %dma_start3A_511 = tpu.memref_squeeze %dma_start3A_510 : memref<1x320x128xf32, #tpu.memory_space<hbm>> -> memref<320x128xf32, #tpu.memory_space<hbm>>
    %dma_start3A_512 = arith.constant 1920 : i32
    %dma_start3A_513 = arith.constant 0 : i32
    %dma_start3A_514 = tpu.memref_slice %arg4[%add3A_507, %dma_start3A_512, %dma_start3A_513] : memref<256x3200x128xf32, #tpu.memory_space<hbm>> -> memref<1x320x128xf32, #tpu.memory_space<hbm>>
    %dma_start3A_515 = tpu.memref_squeeze %dma_start3A_514 : memref<1x320x128xf32, #tpu.memory_space<hbm>> -> memref<320x128xf32, #tpu.memory_space<hbm>>
    tpu.enqueue_dma source(%arg7 : memref<320x128xf32, #tpu.memory_space<vmem>>) target(%dma_start3A_515 : memref<320x128xf32, #tpu.memory_space<hbm>>) target_semaphore(%arg10 : memref<!tpu.dma_semaphore, #tpu.memory_space<semaphore_mem>>)
    %add3A_516 = arith.constant 7 : i32
    %add3A_517 = arith.addi %mul3A_2, %add3A_516 : i32
    %dma_start3A_518 = arith.constant 1920 : i32
    %dma_start3A_519 = arith.constant 0 : i32
    %dma_start3A_520 = tpu.memref_slice %arg4[%add3A_517, %dma_start3A_518, %dma_start3A_519] : memref<256x3200x128xf32, #tpu.memory_space<hbm>> -> memref<1x320x128xf32, #tpu.memory_space<hbm>>
    %dma_start3A_521 = tpu.memref_squeeze %dma_start3A_520 : memref<1x320x128xf32, #tpu.memory_space<hbm>> -> memref<320x128xf32, #tpu.memory_space<hbm>>
    %dma_start3A_522 = arith.constant 1920 : i32
    %dma_start3A_523 = arith.constant 0 : i32
    %dma_start3A_524 = tpu.memref_slice %arg4[%add3A_517, %dma_start3A_522, %dma_start3A_523] : memref<256x3200x128xf32, #tpu.memory_space<hbm>> -> memref<1x320x128xf32, #tpu.memory_space<hbm>>
    %dma_start3A_525 = tpu.memref_squeeze %dma_start3A_524 : memref<1x320x128xf32, #tpu.memory_space<hbm>> -> memref<320x128xf32, #tpu.memory_space<hbm>>
    tpu.enqueue_dma source(%arg7 : memref<320x128xf32, #tpu.memory_space<vmem>>) target(%dma_start3A_525 : memref<320x128xf32, #tpu.memory_space<hbm>>) target_semaphore(%arg10 : memref<!tpu.dma_semaphore, #tpu.memory_space<semaphore_mem>>)
    %dma_wait3A_526 = arith.constant 1600 : i32
    %dma_wait3A_527 = arith.constant 0 : i32
    %dma_wait3A_528 = tpu.memref_slice %arg4[%add3A_409, %dma_wait3A_526, %dma_wait3A_527] : memref<256x3200x128xf32, #tpu.memory_space<hbm>> -> memref<1x320x128xf32, #tpu.memory_space<hbm>>
    %dma_wait3A_529 = tpu.memref_squeeze %dma_wait3A_528 : memref<1x320x128xf32, #tpu.memory_space<hbm>> -> memref<320x128xf32, #tpu.memory_space<hbm>>
    %dma_wait3A_530 = arith.constant 1600 : i32
    %dma_wait3A_531 = arith.constant 0 : i32
    %dma_wait3A_532 = tpu.memref_slice %arg4[%add3A_409, %dma_wait3A_530, %dma_wait3A_531] : memref<256x3200x128xf32, #tpu.memory_space<hbm>> -> memref<1x320x128xf32, #tpu.memory_space<hbm>>
    %dma_wait3A_533 = tpu.memref_squeeze %dma_wait3A_532 : memref<1x320x128xf32, #tpu.memory_space<hbm>> -> memref<320x128xf32, #tpu.memory_space<hbm>>
    tpu.wait_dma2 semaphore(%arg11 : memref<!tpu.dma_semaphore, #tpu.memory_space<semaphore_mem>>) src(%arg8 : memref<320x128xf32, #tpu.memory_space<vmem>>) dst(%dma_wait3A_533 : memref<320x128xf32, #tpu.memory_space<hbm>>)
    %dma_wait3A_534 = arith.constant 1600 : i32
    %dma_wait3A_535 = arith.constant 0 : i32
    %dma_wait3A_536 = tpu.memref_slice %arg4[%add3A_419, %dma_wait3A_534, %dma_wait3A_535] : memref<256x3200x128xf32, #tpu.memory_space<hbm>> -> memref<1x320x128xf32, #tpu.memory_space<hbm>>
    %dma_wait3A_537 = tpu.memref_squeeze %dma_wait3A_536 : memref<1x320x128xf32, #tpu.memory_space<hbm>> -> memref<320x128xf32, #tpu.memory_space<hbm>>
    %dma_wait3A_538 = arith.constant 1600 : i32
    %dma_wait3A_539 = arith.constant 0 : i32
    %dma_wait3A_540 = tpu.memref_slice %arg4[%add3A_419, %dma_wait3A_538, %dma_wait3A_539] : memref<256x3200x128xf32, #tpu.memory_space<hbm>> -> memref<1x320x128xf32, #tpu.memory_space<hbm>>
    %dma_wait3A_541 = tpu.memref_squeeze %dma_wait3A_540 : memref<1x320x128xf32, #tpu.memory_space<hbm>> -> memref<320x128xf32, #tpu.memory_space<hbm>>
    tpu.wait_dma2 semaphore(%arg11 : memref<!tpu.dma_semaphore, #tpu.memory_space<semaphore_mem>>) src(%arg8 : memref<320x128xf32, #tpu.memory_space<vmem>>) dst(%dma_wait3A_541 : memref<320x128xf32, #tpu.memory_space<hbm>>)
    %dma_wait3A_542 = arith.constant 1600 : i32
    %dma_wait3A_543 = arith.constant 0 : i32
    %dma_wait3A_544 = tpu.memref_slice %arg4[%add3A_429, %dma_wait3A_542, %dma_wait3A_543] : memref<256x3200x128xf32, #tpu.memory_space<hbm>> -> memref<1x320x128xf32, #tpu.memory_space<hbm>>
    %dma_wait3A_545 = tpu.memref_squeeze %dma_wait3A_544 : memref<1x320x128xf32, #tpu.memory_space<hbm>> -> memref<320x128xf32, #tpu.memory_space<hbm>>
    %dma_wait3A_546 = arith.constant 1600 : i32
    %dma_wait3A_547 = arith.constant 0 : i32
    %dma_wait3A_548 = tpu.memref_slice %arg4[%add3A_429, %dma_wait3A_546, %dma_wait3A_547] : memref<256x3200x128xf32, #tpu.memory_space<hbm>> -> memref<1x320x128xf32, #tpu.memory_space<hbm>>
    %dma_wait3A_549 = tpu.memref_squeeze %dma_wait3A_548 : memref<1x320x128xf32, #tpu.memory_space<hbm>> -> memref<320x128xf32, #tpu.memory_space<hbm>>
    tpu.wait_dma2 semaphore(%arg11 : memref<!tpu.dma_semaphore, #tpu.memory_space<semaphore_mem>>) src(%arg8 : memref<320x128xf32, #tpu.memory_space<vmem>>) dst(%dma_wait3A_549 : memref<320x128xf32, #tpu.memory_space<hbm>>)
    %dma_wait3A_550 = arith.constant 1600 : i32
    %dma_wait3A_551 = arith.constant 0 : i32
    %dma_wait3A_552 = tpu.memref_slice %arg4[%add3A_439, %dma_wait3A_550, %dma_wait3A_551] : memref<256x3200x128xf32, #tpu.memory_space<hbm>> -> memref<1x320x128xf32, #tpu.memory_space<hbm>>
    %dma_wait3A_553 = tpu.memref_squeeze %dma_wait3A_552 : memref<1x320x128xf32, #tpu.memory_space<hbm>> -> memref<320x128xf32, #tpu.memory_space<hbm>>
    %dma_wait3A_554 = arith.constant 1600 : i32
    %dma_wait3A_555 = arith.constant 0 : i32
    %dma_wait3A_556 = tpu.memref_slice %arg4[%add3A_439, %dma_wait3A_554, %dma_wait3A_555] : memref<256x3200x128xf32, #tpu.memory_space<hbm>> -> memref<1x320x128xf32, #tpu.memory_space<hbm>>
    %dma_wait3A_557 = tpu.memref_squeeze %dma_wait3A_556 : memref<1x320x128xf32, #tpu.memory_space<hbm>> -> memref<320x128xf32, #tpu.memory_space<hbm>>
    tpu.wait_dma2 semaphore(%arg11 : memref<!tpu.dma_semaphore, #tpu.memory_space<semaphore_mem>>) src(%arg8 : memref<320x128xf32, #tpu.memory_space<vmem>>) dst(%dma_wait3A_557 : memref<320x128xf32, #tpu.memory_space<hbm>>)
    %scan3A_558 = arith.constant 0 : i32
    %scan3A_559 = arith.constant 0 : i32
    %scan3A_560 = arith.constant 5 : i32
    %scan3A_561 = arith.addi %scan3A_559, %scan3A_560 : i32
    %scan3A_562 = arith.constant 1 : i32
    scf.for %scan3A_840 = %scan3A_559 to %scan3A_561 step %scan3A_562  : i32 {
      %add3A_841 = arith.constant 35 : i32
      %add3A_842 = arith.addi %add3A_841, %scan3A_840 : i32
      %get3A = arith.index_cast %add3A_842 : i32 to index
      %get3A_843 = arith.constant 0 : index
      %get3A_844 = tpu.vector_load %arg5[%get3A, %get3A_843] {strides = array<i32>} : memref<50x64xf32, #tpu.memory_space<vmem>>, vector<1x16xf32>,
      %get3A_845 = vector.shape_cast %get3A_844 : vector<1x16xf32> to vector<16xf32>
      %add3A_846 = arith.constant 35 : i32
      %add3A_847 = arith.addi %add3A_846, %scan3A_840 : i32
      %get3A_848 = arith.index_cast %add3A_847 : i32 to index
      %get3A_849 = arith.constant 16 : index
      %get3A_850 = tpu.vector_load %arg5[%get3A_848, %get3A_849] {strides = array<i32>} : memref<50x64xf32, #tpu.memory_space<vmem>>, vector<1x16xf32>,
      %get3A_851 = vector.shape_cast %get3A_850 : vector<1x16xf32> to vector<16xf32>
      %add3A_852 = arith.constant 35 : i32
      %add3A_853 = arith.addi %add3A_852, %scan3A_840 : i32
      %get3A_854 = arith.index_cast %add3A_853 : i32 to index
      %get3A_855 = arith.constant 32 : index
      %get3A_856 = tpu.vector_load %arg5[%get3A_854, %get3A_855] {strides = array<i32>} : memref<50x64xf32, #tpu.memory_space<vmem>>, vector<1x16xf32>,
      %get3A_857 = vector.shape_cast %get3A_856 : vector<1x16xf32> to vector<16xf32>
      %add3A_858 = arith.constant 35 : i32
      %add3A_859 = arith.addi %add3A_858, %scan3A_840 : i32
      %get3A_860 = arith.index_cast %add3A_859 : i32 to index
      %get3A_861 = arith.constant 48 : index
      %get3A_862 = tpu.vector_load %arg5[%get3A_860, %get3A_861] {strides = array<i32>} : memref<50x64xf32, #tpu.memory_space<vmem>>, vector<1x16xf32>,
      %get3A_863 = vector.shape_cast %get3A_862 : vector<1x16xf32> to vector<16xf32>
      %scan3A_864 = arith.constant 0 : i32
      %scan3A_865 = arith.constant 0 : i32
      %scan3A_866 = arith.constant 64 : i32
      %scan3A_867 = arith.addi %scan3A_865, %scan3A_866 : i32
      %scan3A_868 = arith.constant 1 : i32
      scf.for %scan3A_870 = %scan3A_865 to %scan3A_867 step %scan3A_868  : i32 {
        %mul3A_871 = arith.constant 64 : i32
        %mul3A_872 = arith.muli %scan3A_840, %mul3A_871 : i32
        %add3A_873 = arith.addi %mul3A_872, %scan3A_870 : i32
        %swap3A = arith.index_cast %add3A_873 : i32 to index
        %swap3A_874 = arith.constant 0 : index
        %swap3A_875 = tpu.vector_load %arg8[%swap3A, %swap3A_874] {strides = array<i32>} : memref<320x128xf32, #tpu.memory_space<vmem>>, vector<1x16xf32>,
        %swap3A_876 = vector.shape_cast %swap3A_875 : vector<1x16xf32> to vector<16xf32>
        %swap3A_877 = vector.shape_cast %get3A_845 : vector<16xf32> to vector<1x16xf32>
        tpu.vector_store %arg8[%swap3A, %swap3A_874], %swap3A_877 {strides = array<i32>} : memref<320x128xf32, #tpu.memory_space<vmem>>, vector<1x16xf32>,
        %swap3A_878 = arith.index_cast %add3A_873 : i32 to index
        %swap3A_879 = arith.constant 16 : index
        %swap3A_880 = tpu.vector_load %arg8[%swap3A_878, %swap3A_879] {strides = array<i32>} : memref<320x128xf32, #tpu.memory_space<vmem>>, vector<1x16xf32>,
        %swap3A_881 = vector.shape_cast %swap3A_880 : vector<1x16xf32> to vector<16xf32>
        %swap3A_882 = vector.shape_cast %get3A_851 : vector<16xf32> to vector<1x16xf32>
        tpu.vector_store %arg8[%swap3A_878, %swap3A_879], %swap3A_882 {strides = array<i32>} : memref<320x128xf32, #tpu.memory_space<vmem>>, vector<1x16xf32>,
        %swap3A_883 = arith.index_cast %add3A_873 : i32 to index
        %swap3A_884 = arith.constant 32 : index
        %swap3A_885 = tpu.vector_load %arg8[%swap3A_883, %swap3A_884] {strides = array<i32>} : memref<320x128xf32, #tpu.memory_space<vmem>>, vector<1x16xf32>,
        %swap3A_886 = vector.shape_cast %swap3A_885 : vector<1x16xf32> to vector<16xf32>
        %swap3A_887 = vector.shape_cast %get3A_857 : vector<16xf32> to vector<1x16xf32>
        tpu.vector_store %arg8[%swap3A_883, %swap3A_884], %swap3A_887 {strides = array<i32>} : memref<320x128xf32, #tpu.memory_space<vmem>>, vector<1x16xf32>,
        %swap3A_888 = arith.index_cast %add3A_873 : i32 to index
        %swap3A_889 = arith.constant 48 : index
        %swap3A_890 = tpu.vector_load %arg8[%swap3A_888, %swap3A_889] {strides = array<i32>} : memref<320x128xf32, #tpu.memory_space<vmem>>, vector<1x16xf32>,
        %swap3A_891 = vector.shape_cast %swap3A_890 : vector<1x16xf32> to vector<16xf32>
        %swap3A_892 = vector.shape_cast %get3A_863 : vector<16xf32> to vector<1x16xf32>
        tpu.vector_store %arg8[%swap3A_888, %swap3A_889], %swap3A_892 {strides = array<i32>} : memref<320x128xf32, #tpu.memory_space<vmem>>, vector<1x16xf32>,
      }
      %scan3A_869 = arith.constant 64 : i32
    }
    %scan3A_563 = arith.constant 5 : i32
    %add3A_564 = arith.constant 4 : i32
    %add3A_565 = arith.addi %mul3A_2, %add3A_564 : i32
    %dma_start3A_566 = arith.constant 2240 : i32
    %dma_start3A_567 = arith.constant 0 : i32
    %dma_start3A_568 = tpu.memref_slice %arg4[%add3A_565, %dma_start3A_566, %dma_start3A_567] : memref<256x3200x128xf32, #tpu.memory_space<hbm>> -> memref<1x320x128xf32, #tpu.memory_space<hbm>>
    %dma_start3A_569 = tpu.memref_squeeze %dma_start3A_568 : memref<1x320x128xf32, #tpu.memory_space<hbm>> -> memref<320x128xf32, #tpu.memory_space<hbm>>
    %dma_start3A_570 = arith.constant 2240 : i32
    %dma_start3A_571 = arith.constant 0 : i32
    %dma_start3A_572 = tpu.memref_slice %arg4[%add3A_565, %dma_start3A_570, %dma_start3A_571] : memref<256x3200x128xf32, #tpu.memory_space<hbm>> -> memref<1x320x128xf32, #tpu.memory_space<hbm>>
    %dma_start3A_573 = tpu.memref_squeeze %dma_start3A_572 : memref<1x320x128xf32, #tpu.memory_space<hbm>> -> memref<320x128xf32, #tpu.memory_space<hbm>>
    tpu.enqueue_dma source(%arg8 : memref<320x128xf32, #tpu.memory_space<vmem>>) target(%dma_start3A_573 : memref<320x128xf32, #tpu.memory_space<hbm>>) target_semaphore(%arg11 : memref<!tpu.dma_semaphore, #tpu.memory_space<semaphore_mem>>)
    %add3A_574 = arith.constant 5 : i32
    %add3A_575 = arith.addi %mul3A_2, %add3A_574 : i32
    %dma_start3A_576 = arith.constant 2240 : i32
    %dma_start3A_577 = arith.constant 0 : i32
    %dma_start3A_578 = tpu.memref_slice %arg4[%add3A_575, %dma_start3A_576, %dma_start3A_577] : memref<256x3200x128xf32, #tpu.memory_space<hbm>> -> memref<1x320x128xf32, #tpu.memory_space<hbm>>
    %dma_start3A_579 = tpu.memref_squeeze %dma_start3A_578 : memref<1x320x128xf32, #tpu.memory_space<hbm>> -> memref<320x128xf32, #tpu.memory_space<hbm>>
    %dma_start3A_580 = arith.constant 2240 : i32
    %dma_start3A_581 = arith.constant 0 : i32
    %dma_start3A_582 = tpu.memref_slice %arg4[%add3A_575, %dma_start3A_580, %dma_start3A_581] : memref<256x3200x128xf32, #tpu.memory_space<hbm>> -> memref<1x320x128xf32, #tpu.memory_space<hbm>>
    %dma_start3A_583 = tpu.memref_squeeze %dma_start3A_582 : memref<1x320x128xf32, #tpu.memory_space<hbm>> -> memref<320x128xf32, #tpu.memory_space<hbm>>
    tpu.enqueue_dma source(%arg8 : memref<320x128xf32, #tpu.memory_space<vmem>>) target(%dma_start3A_583 : memref<320x128xf32, #tpu.memory_space<hbm>>) target_semaphore(%arg11 : memref<!tpu.dma_semaphore, #tpu.memory_space<semaphore_mem>>)
    %add3A_584 = arith.constant 6 : i32
    %add3A_585 = arith.addi %mul3A_2, %add3A_584 : i32
    %dma_start3A_586 = arith.constant 2240 : i32
    %dma_start3A_587 = arith.constant 0 : i32
    %dma_start3A_588 = tpu.memref_slice %arg4[%add3A_585, %dma_start3A_586, %dma_start3A_587] : memref<256x3200x128xf32, #tpu.memory_space<hbm>> -> memref<1x320x128xf32, #tpu.memory_space<hbm>>
    %dma_start3A_589 = tpu.memref_squeeze %dma_start3A_588 : memref<1x320x128xf32, #tpu.memory_space<hbm>> -> memref<320x128xf32, #tpu.memory_space<hbm>>
    %dma_start3A_590 = arith.constant 2240 : i32
    %dma_start3A_591 = arith.constant 0 : i32
    %dma_start3A_592 = tpu.memref_slice %arg4[%add3A_585, %dma_start3A_590, %dma_start3A_591] : memref<256x3200x128xf32, #tpu.memory_space<hbm>> -> memref<1x320x128xf32, #tpu.memory_space<hbm>>
    %dma_start3A_593 = tpu.memref_squeeze %dma_start3A_592 : memref<1x320x128xf32, #tpu.memory_space<hbm>> -> memref<320x128xf32, #tpu.memory_space<hbm>>
    tpu.enqueue_dma source(%arg8 : memref<320x128xf32, #tpu.memory_space<vmem>>) target(%dma_start3A_593 : memref<320x128xf32, #tpu.memory_space<hbm>>) target_semaphore(%arg11 : memref<!tpu.dma_semaphore, #tpu.memory_space<semaphore_mem>>)
    %add3A_594 = arith.constant 7 : i32
    %add3A_595 = arith.addi %mul3A_2, %add3A_594 : i32
    %dma_start3A_596 = arith.constant 2240 : i32
    %dma_start3A_597 = arith.constant 0 : i32
    %dma_start3A_598 = tpu.memref_slice %arg4[%add3A_595, %dma_start3A_596, %dma_start3A_597] : memref<256x3200x128xf32, #tpu.memory_space<hbm>> -> memref<1x320x128xf32, #tpu.memory_space<hbm>>
    %dma_start3A_599 = tpu.memref_squeeze %dma_start3A_598 : memref<1x320x128xf32, #tpu.memory_space<hbm>> -> memref<320x128xf32, #tpu.memory_space<hbm>>
    %dma_start3A_600 = arith.constant 2240 : i32
    %dma_start3A_601 = arith.constant 0 : i32
    %dma_start3A_602 = tpu.memref_slice %arg4[%add3A_595, %dma_start3A_600, %dma_start3A_601] : memref<256x3200x128xf32, #tpu.memory_space<hbm>> -> memref<1x320x128xf32, #tpu.memory_space<hbm>>
    %dma_start3A_603 = tpu.memref_squeeze %dma_start3A_602 : memref<1x320x128xf32, #tpu.memory_space<hbm>> -> memref<320x128xf32, #tpu.memory_space<hbm>>
    tpu.enqueue_dma source(%arg8 : memref<320x128xf32, #tpu.memory_space<vmem>>) target(%dma_start3A_603 : memref<320x128xf32, #tpu.memory_space<hbm>>) target_semaphore(%arg11 : memref<!tpu.dma_semaphore, #tpu.memory_space<semaphore_mem>>)
    %dma_wait3A_604 = arith.constant 1920 : i32
    %dma_wait3A_605 = arith.constant 0 : i32
    %dma_wait3A_606 = tpu.memref_slice %arg4[%add3A_487, %dma_wait3A_604, %dma_wait3A_605] : memref<256x3200x128xf32, #tpu.memory_space<hbm>> -> memref<1x320x128xf32, #tpu.memory_space<hbm>>
    %dma_wait3A_607 = tpu.memref_squeeze %dma_wait3A_606 : memref<1x320x128xf32, #tpu.memory_space<hbm>> -> memref<320x128xf32, #tpu.memory_space<hbm>>
    %dma_wait3A_608 = arith.constant 1920 : i32
    %dma_wait3A_609 = arith.constant 0 : i32
    %dma_wait3A_610 = tpu.memref_slice %arg4[%add3A_487, %dma_wait3A_608, %dma_wait3A_609] : memref<256x3200x128xf32, #tpu.memory_space<hbm>> -> memref<1x320x128xf32, #tpu.memory_space<hbm>>
    %dma_wait3A_611 = tpu.memref_squeeze %dma_wait3A_610 : memref<1x320x128xf32, #tpu.memory_space<hbm>> -> memref<320x128xf32, #tpu.memory_space<hbm>>
    tpu.wait_dma2 semaphore(%arg10 : memref<!tpu.dma_semaphore, #tpu.memory_space<semaphore_mem>>) src(%arg7 : memref<320x128xf32, #tpu.memory_space<vmem>>) dst(%dma_wait3A_611 : memref<320x128xf32, #tpu.memory_space<hbm>>)
    %dma_wait3A_612 = arith.constant 1920 : i32
    %dma_wait3A_613 = arith.constant 0 : i32
    %dma_wait3A_614 = tpu.memref_slice %arg4[%add3A_497, %dma_wait3A_612, %dma_wait3A_613] : memref<256x3200x128xf32, #tpu.memory_space<hbm>> -> memref<1x320x128xf32, #tpu.memory_space<hbm>>
    %dma_wait3A_615 = tpu.memref_squeeze %dma_wait3A_614 : memref<1x320x128xf32, #tpu.memory_space<hbm>> -> memref<320x128xf32, #tpu.memory_space<hbm>>
    %dma_wait3A_616 = arith.constant 1920 : i32
    %dma_wait3A_617 = arith.constant 0 : i32
    %dma_wait3A_618 = tpu.memref_slice %arg4[%add3A_497, %dma_wait3A_616, %dma_wait3A_617] : memref<256x3200x128xf32, #tpu.memory_space<hbm>> -> memref<1x320x128xf32, #tpu.memory_space<hbm>>
    %dma_wait3A_619 = tpu.memref_squeeze %dma_wait3A_618 : memref<1x320x128xf32, #tpu.memory_space<hbm>> -> memref<320x128xf32, #tpu.memory_space<hbm>>
    tpu.wait_dma2 semaphore(%arg10 : memref<!tpu.dma_semaphore, #tpu.memory_space<semaphore_mem>>) src(%arg7 : memref<320x128xf32, #tpu.memory_space<vmem>>) dst(%dma_wait3A_619 : memref<320x128xf32, #tpu.memory_space<hbm>>)
    %dma_wait3A_620 = arith.constant 1920 : i32
    %dma_wait3A_621 = arith.constant 0 : i32
    %dma_wait3A_622 = tpu.memref_slice %arg4[%add3A_507, %dma_wait3A_620, %dma_wait3A_621] : memref<256x3200x128xf32, #tpu.memory_space<hbm>> -> memref<1x320x128xf32, #tpu.memory_space<hbm>>
    %dma_wait3A_623 = tpu.memref_squeeze %dma_wait3A_622 : memref<1x320x128xf32, #tpu.memory_space<hbm>> -> memref<320x128xf32, #tpu.memory_space<hbm>>
    %dma_wait3A_624 = arith.constant 1920 : i32
    %dma_wait3A_625 = arith.constant 0 : i32
    %dma_wait3A_626 = tpu.memref_slice %arg4[%add3A_507, %dma_wait3A_624, %dma_wait3A_625] : memref<256x3200x128xf32, #tpu.memory_space<hbm>> -> memref<1x320x128xf32, #tpu.memory_space<hbm>>
    %dma_wait3A_627 = tpu.memref_squeeze %dma_wait3A_626 : memref<1x320x128xf32, #tpu.memory_space<hbm>> -> memref<320x128xf32, #tpu.memory_space<hbm>>
    tpu.wait_dma2 semaphore(%arg10 : memref<!tpu.dma_semaphore, #tpu.memory_space<semaphore_mem>>) src(%arg7 : memref<320x128xf32, #tpu.memory_space<vmem>>) dst(%dma_wait3A_627 : memref<320x128xf32, #tpu.memory_space<hbm>>)
    %dma_wait3A_628 = arith.constant 1920 : i32
    %dma_wait3A_629 = arith.constant 0 : i32
    %dma_wait3A_630 = tpu.memref_slice %arg4[%add3A_517, %dma_wait3A_628, %dma_wait3A_629] : memref<256x3200x128xf32, #tpu.memory_space<hbm>> -> memref<1x320x128xf32, #tpu.memory_space<hbm>>
    %dma_wait3A_631 = tpu.memref_squeeze %dma_wait3A_630 : memref<1x320x128xf32, #tpu.memory_space<hbm>> -> memref<320x128xf32, #tpu.memory_space<hbm>>
    %dma_wait3A_632 = arith.constant 1920 : i32
    %dma_wait3A_633 = arith.constant 0 : i32
    %dma_wait3A_634 = tpu.memref_slice %arg4[%add3A_517, %dma_wait3A_632, %dma_wait3A_633] : memref<256x3200x128xf32, #tpu.memory_space<hbm>> -> memref<1x320x128xf32, #tpu.memory_space<hbm>>
    %dma_wait3A_635 = tpu.memref_squeeze %dma_wait3A_634 : memref<1x320x128xf32, #tpu.memory_space<hbm>> -> memref<320x128xf32, #tpu.memory_space<hbm>>
    tpu.wait_dma2 semaphore(%arg10 : memref<!tpu.dma_semaphore, #tpu.memory_space<semaphore_mem>>) src(%arg7 : memref<320x128xf32, #tpu.memory_space<vmem>>) dst(%dma_wait3A_635 : memref<320x128xf32, #tpu.memory_space<hbm>>)
    %scan3A_636 = arith.constant 0 : i32
    %scan3A_637 = arith.constant 0 : i32
    %scan3A_638 = arith.constant 5 : i32
    %scan3A_639 = arith.addi %scan3A_637, %scan3A_638 : i32
    %scan3A_640 = arith.constant 1 : i32
    scf.for %scan3A_840 = %scan3A_637 to %scan3A_639 step %scan3A_640  : i32 {
      %add3A_841 = arith.constant 40 : i32
      %add3A_842 = arith.addi %add3A_841, %scan3A_840 : i32
      %get3A = arith.index_cast %add3A_842 : i32 to index
      %get3A_843 = arith.constant 0 : index
      %get3A_844 = tpu.vector_load %arg5[%get3A, %get3A_843] {strides = array<i32>} : memref<50x64xf32, #tpu.memory_space<vmem>>, vector<1x16xf32>,
      %get3A_845 = vector.shape_cast %get3A_844 : vector<1x16xf32> to vector<16xf32>
      %add3A_846 = arith.constant 40 : i32
      %add3A_847 = arith.addi %add3A_846, %scan3A_840 : i32
      %get3A_848 = arith.index_cast %add3A_847 : i32 to index
      %get3A_849 = arith.constant 16 : index
      %get3A_850 = tpu.vector_load %arg5[%get3A_848, %get3A_849] {strides = array<i32>} : memref<50x64xf32, #tpu.memory_space<vmem>>, vector<1x16xf32>,
      %get3A_851 = vector.shape_cast %get3A_850 : vector<1x16xf32> to vector<16xf32>
      %add3A_852 = arith.constant 40 : i32
      %add3A_853 = arith.addi %add3A_852, %scan3A_840 : i32
      %get3A_854 = arith.index_cast %add3A_853 : i32 to index
      %get3A_855 = arith.constant 32 : index
      %get3A_856 = tpu.vector_load %arg5[%get3A_854, %get3A_855] {strides = array<i32>} : memref<50x64xf32, #tpu.memory_space<vmem>>, vector<1x16xf32>,
      %get3A_857 = vector.shape_cast %get3A_856 : vector<1x16xf32> to vector<16xf32>
      %add3A_858 = arith.constant 40 : i32
      %add3A_859 = arith.addi %add3A_858, %scan3A_840 : i32
      %get3A_860 = arith.index_cast %add3A_859 : i32 to index
      %get3A_861 = arith.constant 48 : index
      %get3A_862 = tpu.vector_load %arg5[%get3A_860, %get3A_861] {strides = array<i32>} : memref<50x64xf32, #tpu.memory_space<vmem>>, vector<1x16xf32>,
      %get3A_863 = vector.shape_cast %get3A_862 : vector<1x16xf32> to vector<16xf32>
      %scan3A_864 = arith.constant 0 : i32
      %scan3A_865 = arith.constant 0 : i32
      %scan3A_866 = arith.constant 64 : i32
      %scan3A_867 = arith.addi %scan3A_865, %scan3A_866 : i32
      %scan3A_868 = arith.constant 1 : i32
      scf.for %scan3A_870 = %scan3A_865 to %scan3A_867 step %scan3A_868  : i32 {
        %mul3A_871 = arith.constant 64 : i32
        %mul3A_872 = arith.muli %scan3A_840, %mul3A_871 : i32
        %add3A_873 = arith.addi %mul3A_872, %scan3A_870 : i32
        %swap3A = arith.index_cast %add3A_873 : i32 to index
        %swap3A_874 = arith.constant 0 : index
        %swap3A_875 = tpu.vector_load %arg7[%swap3A, %swap3A_874] {strides = array<i32>} : memref<320x128xf32, #tpu.memory_space<vmem>>, vector<1x16xf32>,
        %swap3A_876 = vector.shape_cast %swap3A_875 : vector<1x16xf32> to vector<16xf32>
        %swap3A_877 = vector.shape_cast %get3A_845 : vector<16xf32> to vector<1x16xf32>
        tpu.vector_store %arg7[%swap3A, %swap3A_874], %swap3A_877 {strides = array<i32>} : memref<320x128xf32, #tpu.memory_space<vmem>>, vector<1x16xf32>,
        %swap3A_878 = arith.index_cast %add3A_873 : i32 to index
        %swap3A_879 = arith.constant 16 : index
        %swap3A_880 = tpu.vector_load %arg7[%swap3A_878, %swap3A_879] {strides = array<i32>} : memref<320x128xf32, #tpu.memory_space<vmem>>, vector<1x16xf32>,
        %swap3A_881 = vector.shape_cast %swap3A_880 : vector<1x16xf32> to vector<16xf32>
        %swap3A_882 = vector.shape_cast %get3A_851 : vector<16xf32> to vector<1x16xf32>
        tpu.vector_store %arg7[%swap3A_878, %swap3A_879], %swap3A_882 {strides = array<i32>} : memref<320x128xf32, #tpu.memory_space<vmem>>, vector<1x16xf32>,
        %swap3A_883 = arith.index_cast %add3A_873 : i32 to index
        %swap3A_884 = arith.constant 32 : index
        %swap3A_885 = tpu.vector_load %arg7[%swap3A_883, %swap3A_884] {strides = array<i32>} : memref<320x128xf32, #tpu.memory_space<vmem>>, vector<1x16xf32>,
        %swap3A_886 = vector.shape_cast %swap3A_885 : vector<1x16xf32> to vector<16xf32>
        %swap3A_887 = vector.shape_cast %get3A_857 : vector<16xf32> to vector<1x16xf32>
        tpu.vector_store %arg7[%swap3A_883, %swap3A_884], %swap3A_887 {strides = array<i32>} : memref<320x128xf32, #tpu.memory_space<vmem>>, vector<1x16xf32>,
        %swap3A_888 = arith.index_cast %add3A_873 : i32 to index
        %swap3A_889 = arith.constant 48 : index
        %swap3A_890 = tpu.vector_load %arg7[%swap3A_888, %swap3A_889] {strides = array<i32>} : memref<320x128xf32, #tpu.memory_space<vmem>>, vector<1x16xf32>,
        %swap3A_891 = vector.shape_cast %swap3A_890 : vector<1x16xf32> to vector<16xf32>
        %swap3A_892 = vector.shape_cast %get3A_863 : vector<16xf32> to vector<1x16xf32>
        tpu.vector_store %arg7[%swap3A_888, %swap3A_889], %swap3A_892 {strides = array<i32>} : memref<320x128xf32, #tpu.memory_space<vmem>>, vector<1x16xf32>,
      }
      %scan3A_869 = arith.constant 64 : i32
    }
    %scan3A_641 = arith.constant 5 : i32
    %add3A_642 = arith.constant 4 : i32
    %add3A_643 = arith.addi %mul3A_2, %add3A_642 : i32
    %dma_start3A_644 = arith.constant 2560 : i32
    %dma_start3A_645 = arith.constant 0 : i32
    %dma_start3A_646 = tpu.memref_slice %arg4[%add3A_643, %dma_start3A_644, %dma_start3A_645] : memref<256x3200x128xf32, #tpu.memory_space<hbm>> -> memref<1x320x128xf32, #tpu.memory_space<hbm>>
    %dma_start3A_647 = tpu.memref_squeeze %dma_start3A_646 : memref<1x320x128xf32, #tpu.memory_space<hbm>> -> memref<320x128xf32, #tpu.memory_space<hbm>>
    %dma_start3A_648 = arith.constant 2560 : i32
    %dma_start3A_649 = arith.constant 0 : i32
    %dma_start3A_650 = tpu.memref_slice %arg4[%add3A_643, %dma_start3A_648, %dma_start3A_649] : memref<256x3200x128xf32, #tpu.memory_space<hbm>> -> memref<1x320x128xf32, #tpu.memory_space<hbm>>
    %dma_start3A_651 = tpu.memref_squeeze %dma_start3A_650 : memref<1x320x128xf32, #tpu.memory_space<hbm>> -> memref<320x128xf32, #tpu.memory_space<hbm>>
    tpu.enqueue_dma source(%arg7 : memref<320x128xf32, #tpu.memory_space<vmem>>) target(%dma_start3A_651 : memref<320x128xf32, #tpu.memory_space<hbm>>) target_semaphore(%arg10 : memref<!tpu.dma_semaphore, #tpu.memory_space<semaphore_mem>>)
    %add3A_652 = arith.constant 5 : i32
    %add3A_653 = arith.addi %mul3A_2, %add3A_652 : i32
    %dma_start3A_654 = arith.constant 2560 : i32
    %dma_start3A_655 = arith.constant 0 : i32
    %dma_start3A_656 = tpu.memref_slice %arg4[%add3A_653, %dma_start3A_654, %dma_start3A_655] : memref<256x3200x128xf32, #tpu.memory_space<hbm>> -> memref<1x320x128xf32, #tpu.memory_space<hbm>>
    %dma_start3A_657 = tpu.memref_squeeze %dma_start3A_656 : memref<1x320x128xf32, #tpu.memory_space<hbm>> -> memref<320x128xf32, #tpu.memory_space<hbm>>
    %dma_start3A_658 = arith.constant 2560 : i32
    %dma_start3A_659 = arith.constant 0 : i32
    %dma_start3A_660 = tpu.memref_slice %arg4[%add3A_653, %dma_start3A_658, %dma_start3A_659] : memref<256x3200x128xf32, #tpu.memory_space<hbm>> -> memref<1x320x128xf32, #tpu.memory_space<hbm>>
    %dma_start3A_661 = tpu.memref_squeeze %dma_start3A_660 : memref<1x320x128xf32, #tpu.memory_space<hbm>> -> memref<320x128xf32, #tpu.memory_space<hbm>>
    tpu.enqueue_dma source(%arg7 : memref<320x128xf32, #tpu.memory_space<vmem>>) target(%dma_start3A_661 : memref<320x128xf32, #tpu.memory_space<hbm>>) target_semaphore(%arg10 : memref<!tpu.dma_semaphore, #tpu.memory_space<semaphore_mem>>)
    %add3A_662 = arith.constant 6 : i32
    %add3A_663 = arith.addi %mul3A_2, %add3A_662 : i32
    %dma_start3A_664 = arith.constant 2560 : i32
    %dma_start3A_665 = arith.constant 0 : i32
    %dma_start3A_666 = tpu.memref_slice %arg4[%add3A_663, %dma_start3A_664, %dma_start3A_665] : memref<256x3200x128xf32, #tpu.memory_space<hbm>> -> memref<1x320x128xf32, #tpu.memory_space<hbm>>
    %dma_start3A_667 = tpu.memref_squeeze %dma_start3A_666 : memref<1x320x128xf32, #tpu.memory_space<hbm>> -> memref<320x128xf32, #tpu.memory_space<hbm>>
    %dma_start3A_668 = arith.constant 2560 : i32
    %dma_start3A_669 = arith.constant 0 : i32
    %dma_start3A_670 = tpu.memref_slice %arg4[%add3A_663, %dma_start3A_668, %dma_start3A_669] : memref<256x3200x128xf32, #tpu.memory_space<hbm>> -> memref<1x320x128xf32, #tpu.memory_space<hbm>>
    %dma_start3A_671 = tpu.memref_squeeze %dma_start3A_670 : memref<1x320x128xf32, #tpu.memory_space<hbm>> -> memref<320x128xf32, #tpu.memory_space<hbm>>
    tpu.enqueue_dma source(%arg7 : memref<320x128xf32, #tpu.memory_space<vmem>>) target(%dma_start3A_671 : memref<320x128xf32, #tpu.memory_space<hbm>>) target_semaphore(%arg10 : memref<!tpu.dma_semaphore, #tpu.memory_space<semaphore_mem>>)
    %add3A_672 = arith.constant 7 : i32
    %add3A_673 = arith.addi %mul3A_2, %add3A_672 : i32
    %dma_start3A_674 = arith.constant 2560 : i32
    %dma_start3A_675 = arith.constant 0 : i32
    %dma_start3A_676 = tpu.memref_slice %arg4[%add3A_673, %dma_start3A_674, %dma_start3A_675] : memref<256x3200x128xf32, #tpu.memory_space<hbm>> -> memref<1x320x128xf32, #tpu.memory_space<hbm>>
    %dma_start3A_677 = tpu.memref_squeeze %dma_start3A_676 : memref<1x320x128xf32, #tpu.memory_space<hbm>> -> memref<320x128xf32, #tpu.memory_space<hbm>>
    %dma_start3A_678 = arith.constant 2560 : i32
    %dma_start3A_679 = arith.constant 0 : i32
    %dma_start3A_680 = tpu.memref_slice %arg4[%add3A_673, %dma_start3A_678, %dma_start3A_679] : memref<256x3200x128xf32, #tpu.memory_space<hbm>> -> memref<1x320x128xf32, #tpu.memory_space<hbm>>
    %dma_start3A_681 = tpu.memref_squeeze %dma_start3A_680 : memref<1x320x128xf32, #tpu.memory_space<hbm>> -> memref<320x128xf32, #tpu.memory_space<hbm>>
    tpu.enqueue_dma source(%arg7 : memref<320x128xf32, #tpu.memory_space<vmem>>) target(%dma_start3A_681 : memref<320x128xf32, #tpu.memory_space<hbm>>) target_semaphore(%arg10 : memref<!tpu.dma_semaphore, #tpu.memory_space<semaphore_mem>>)
    %dma_wait3A_682 = arith.constant 2240 : i32
    %dma_wait3A_683 = arith.constant 0 : i32
    %dma_wait3A_684 = tpu.memref_slice %arg4[%add3A_565, %dma_wait3A_682, %dma_wait3A_683] : memref<256x3200x128xf32, #tpu.memory_space<hbm>> -> memref<1x320x128xf32, #tpu.memory_space<hbm>>
    %dma_wait3A_685 = tpu.memref_squeeze %dma_wait3A_684 : memref<1x320x128xf32, #tpu.memory_space<hbm>> -> memref<320x128xf32, #tpu.memory_space<hbm>>
    %dma_wait3A_686 = arith.constant 2240 : i32
    %dma_wait3A_687 = arith.constant 0 : i32
    %dma_wait3A_688 = tpu.memref_slice %arg4[%add3A_565, %dma_wait3A_686, %dma_wait3A_687] : memref<256x3200x128xf32, #tpu.memory_space<hbm>> -> memref<1x320x128xf32, #tpu.memory_space<hbm>>
    %dma_wait3A_689 = tpu.memref_squeeze %dma_wait3A_688 : memref<1x320x128xf32, #tpu.memory_space<hbm>> -> memref<320x128xf32, #tpu.memory_space<hbm>>
    tpu.wait_dma2 semaphore(%arg11 : memref<!tpu.dma_semaphore, #tpu.memory_space<semaphore_mem>>) src(%arg8 : memref<320x128xf32, #tpu.memory_space<vmem>>) dst(%dma_wait3A_689 : memref<320x128xf32, #tpu.memory_space<hbm>>)
    %dma_wait3A_690 = arith.constant 2240 : i32
    %dma_wait3A_691 = arith.constant 0 : i32
    %dma_wait3A_692 = tpu.memref_slice %arg4[%add3A_575, %dma_wait3A_690, %dma_wait3A_691] : memref<256x3200x128xf32, #tpu.memory_space<hbm>> -> memref<1x320x128xf32, #tpu.memory_space<hbm>>
    %dma_wait3A_693 = tpu.memref_squeeze %dma_wait3A_692 : memref<1x320x128xf32, #tpu.memory_space<hbm>> -> memref<320x128xf32, #tpu.memory_space<hbm>>
    %dma_wait3A_694 = arith.constant 2240 : i32
    %dma_wait3A_695 = arith.constant 0 : i32
    %dma_wait3A_696 = tpu.memref_slice %arg4[%add3A_575, %dma_wait3A_694, %dma_wait3A_695] : memref<256x3200x128xf32, #tpu.memory_space<hbm>> -> memref<1x320x128xf32, #tpu.memory_space<hbm>>
    %dma_wait3A_697 = tpu.memref_squeeze %dma_wait3A_696 : memref<1x320x128xf32, #tpu.memory_space<hbm>> -> memref<320x128xf32, #tpu.memory_space<hbm>>
    tpu.wait_dma2 semaphore(%arg11 : memref<!tpu.dma_semaphore, #tpu.memory_space<semaphore_mem>>) src(%arg8 : memref<320x128xf32, #tpu.memory_space<vmem>>) dst(%dma_wait3A_697 : memref<320x128xf32, #tpu.memory_space<hbm>>)
    %dma_wait3A_698 = arith.constant 2240 : i32
    %dma_wait3A_699 = arith.constant 0 : i32
    %dma_wait3A_700 = tpu.memref_slice %arg4[%add3A_585, %dma_wait3A_698, %dma_wait3A_699] : memref<256x3200x128xf32, #tpu.memory_space<hbm>> -> memref<1x320x128xf32, #tpu.memory_space<hbm>>
    %dma_wait3A_701 = tpu.memref_squeeze %dma_wait3A_700 : memref<1x320x128xf32, #tpu.memory_space<hbm>> -> memref<320x128xf32, #tpu.memory_space<hbm>>
    %dma_wait3A_702 = arith.constant 2240 : i32
    %dma_wait3A_703 = arith.constant 0 : i32
    %dma_wait3A_704 = tpu.memref_slice %arg4[%add3A_585, %dma_wait3A_702, %dma_wait3A_703] : memref<256x3200x128xf32, #tpu.memory_space<hbm>> -> memref<1x320x128xf32, #tpu.memory_space<hbm>>
    %dma_wait3A_705 = tpu.memref_squeeze %dma_wait3A_704 : memref<1x320x128xf32, #tpu.memory_space<hbm>> -> memref<320x128xf32, #tpu.memory_space<hbm>>
    tpu.wait_dma2 semaphore(%arg11 : memref<!tpu.dma_semaphore, #tpu.memory_space<semaphore_mem>>) src(%arg8 : memref<320x128xf32, #tpu.memory_space<vmem>>) dst(%dma_wait3A_705 : memref<320x128xf32, #tpu.memory_space<hbm>>)
    %dma_wait3A_706 = arith.constant 2240 : i32
    %dma_wait3A_707 = arith.constant 0 : i32
    %dma_wait3A_708 = tpu.memref_slice %arg4[%add3A_595, %dma_wait3A_706, %dma_wait3A_707] : memref<256x3200x128xf32, #tpu.memory_space<hbm>> -> memref<1x320x128xf32, #tpu.memory_space<hbm>>
    %dma_wait3A_709 = tpu.memref_squeeze %dma_wait3A_708 : memref<1x320x128xf32, #tpu.memory_space<hbm>> -> memref<320x128xf32, #tpu.memory_space<hbm>>
    %dma_wait3A_710 = arith.constant 2240 : i32
    %dma_wait3A_711 = arith.constant 0 : i32
    %dma_wait3A_712 = tpu.memref_slice %arg4[%add3A_595, %dma_wait3A_710, %dma_wait3A_711] : memref<256x3200x128xf32, #tpu.memory_space<hbm>> -> memref<1x320x128xf32, #tpu.memory_space<hbm>>
    %dma_wait3A_713 = tpu.memref_squeeze %dma_wait3A_712 : memref<1x320x128xf32, #tpu.memory_space<hbm>> -> memref<320x128xf32, #tpu.memory_space<hbm>>
    tpu.wait_dma2 semaphore(%arg11 : memref<!tpu.dma_semaphore, #tpu.memory_space<semaphore_mem>>) src(%arg8 : memref<320x128xf32, #tpu.memory_space<vmem>>) dst(%dma_wait3A_713 : memref<320x128xf32, #tpu.memory_space<hbm>>)
    %scan3A_714 = arith.constant 0 : i32
    %scan3A_715 = arith.constant 0 : i32
    %scan3A_716 = arith.constant 5 : i32
    %scan3A_717 = arith.addi %scan3A_715, %scan3A_716 : i32
    %scan3A_718 = arith.constant 1 : i32
    scf.for %scan3A_840 = %scan3A_715 to %scan3A_717 step %scan3A_718  : i32 {
      %add3A_841 = arith.constant 45 : i32
      %add3A_842 = arith.addi %add3A_841, %scan3A_840 : i32
      %get3A = arith.index_cast %add3A_842 : i32 to index
      %get3A_843 = arith.constant 0 : index
      %get3A_844 = tpu.vector_load %arg5[%get3A, %get3A_843] {strides = array<i32>} : memref<50x64xf32, #tpu.memory_space<vmem>>, vector<1x16xf32>,
      %get3A_845 = vector.shape_cast %get3A_844 : vector<1x16xf32> to vector<16xf32>
      %add3A_846 = arith.constant 45 : i32
      %add3A_847 = arith.addi %add3A_846, %scan3A_840 : i32
      %get3A_848 = arith.index_cast %add3A_847 : i32 to index
      %get3A_849 = arith.constant 16 : index
      %get3A_850 = tpu.vector_load %arg5[%get3A_848, %get3A_849] {strides = array<i32>} : memref<50x64xf32, #tpu.memory_space<vmem>>, vector<1x16xf32>,
      %get3A_851 = vector.shape_cast %get3A_850 : vector<1x16xf32> to vector<16xf32>
      %add3A_852 = arith.constant 45 : i32
      %add3A_853 = arith.addi %add3A_852, %scan3A_840 : i32
      %get3A_854 = arith.index_cast %add3A_853 : i32 to index
      %get3A_855 = arith.constant 32 : index
      %get3A_856 = tpu.vector_load %arg5[%get3A_854, %get3A_855] {strides = array<i32>} : memref<50x64xf32, #tpu.memory_space<vmem>>, vector<1x16xf32>,
      %get3A_857 = vector.shape_cast %get3A_856 : vector<1x16xf32> to vector<16xf32>
      %add3A_858 = arith.constant 45 : i32
      %add3A_859 = arith.addi %add3A_858, %scan3A_840 : i32
      %get3A_860 = arith.index_cast %add3A_859 : i32 to index
      %get3A_861 = arith.constant 48 : index
      %get3A_862 = tpu.vector_load %arg5[%get3A_860, %get3A_861] {strides = array<i32>} : memref<50x64xf32, #tpu.memory_space<vmem>>, vector<1x16xf32>,
      %get3A_863 = vector.shape_cast %get3A_862 : vector<1x16xf32> to vector<16xf32>
      %scan3A_864 = arith.constant 0 : i32
      %scan3A_865 = arith.constant 0 : i32
      %scan3A_866 = arith.constant 64 : i32
      %scan3A_867 = arith.addi %scan3A_865, %scan3A_866 : i32
      %scan3A_868 = arith.constant 1 : i32
      scf.for %scan3A_870 = %scan3A_865 to %scan3A_867 step %scan3A_868  : i32 {
        %mul3A_871 = arith.constant 64 : i32
        %mul3A_872 = arith.muli %scan3A_840, %mul3A_871 : i32
        %add3A_873 = arith.addi %mul3A_872, %scan3A_870 : i32
        %swap3A = arith.index_cast %add3A_873 : i32 to index
        %swap3A_874 = arith.constant 0 : index
        %swap3A_875 = tpu.vector_load %arg8[%swap3A, %swap3A_874] {strides = array<i32>} : memref<320x128xf32, #tpu.memory_space<vmem>>, vector<1x16xf32>,
        %swap3A_876 = vector.shape_cast %swap3A_875 : vector<1x16xf32> to vector<16xf32>
        %swap3A_877 = vector.shape_cast %get3A_845 : vector<16xf32> to vector<1x16xf32>
        tpu.vector_store %arg8[%swap3A, %swap3A_874], %swap3A_877 {strides = array<i32>} : memref<320x128xf32, #tpu.memory_space<vmem>>, vector<1x16xf32>,
        %swap3A_878 = arith.index_cast %add3A_873 : i32 to index
        %swap3A_879 = arith.constant 16 : index
        %swap3A_880 = tpu.vector_load %arg8[%swap3A_878, %swap3A_879] {strides = array<i32>} : memref<320x128xf32, #tpu.memory_space<vmem>>, vector<1x16xf32>,
        %swap3A_881 = vector.shape_cast %swap3A_880 : vector<1x16xf32> to vector<16xf32>
        %swap3A_882 = vector.shape_cast %get3A_851 : vector<16xf32> to vector<1x16xf32>
        tpu.vector_store %arg8[%swap3A_878, %swap3A_879], %swap3A_882 {strides = array<i32>} : memref<320x128xf32, #tpu.memory_space<vmem>>, vector<1x16xf32>,
        %swap3A_883 = arith.index_cast %add3A_873 : i32 to index
        %swap3A_884 = arith.constant 32 : index
        %swap3A_885 = tpu.vector_load %arg8[%swap3A_883, %swap3A_884] {strides = array<i32>} : memref<320x128xf32, #tpu.memory_space<vmem>>, vector<1x16xf32>,
        %swap3A_886 = vector.shape_cast %swap3A_885 : vector<1x16xf32> to vector<16xf32>
        %swap3A_887 = vector.shape_cast %get3A_857 : vector<16xf32> to vector<1x16xf32>
        tpu.vector_store %arg8[%swap3A_883, %swap3A_884], %swap3A_887 {strides = array<i32>} : memref<320x128xf32, #tpu.memory_space<vmem>>, vector<1x16xf32>,
        %swap3A_888 = arith.index_cast %add3A_873 : i32 to index
        %swap3A_889 = arith.constant 48 : index
        %swap3A_890 = tpu.vector_load %arg8[%swap3A_888, %swap3A_889] {strides = array<i32>} : memref<320x128xf32, #tpu.memory_space<vmem>>, vector<1x16xf32>,
        %swap3A_891 = vector.shape_cast %swap3A_890 : vector<1x16xf32> to vector<16xf32>
        %swap3A_892 = vector.shape_cast %get3A_863 : vector<16xf32> to vector<1x16xf32>
        tpu.vector_store %arg8[%swap3A_888, %swap3A_889], %swap3A_892 {strides = array<i32>} : memref<320x128xf32, #tpu.memory_space<vmem>>, vector<1x16xf32>,
      }
      %scan3A_869 = arith.constant 64 : i32
    }
    %scan3A_719 = arith.constant 5 : i32
    %add3A_720 = arith.constant 4 : i32
    %add3A_721 = arith.addi %mul3A_2, %add3A_720 : i32
    %dma_start3A_722 = arith.constant 2880 : i32
    %dma_start3A_723 = arith.constant 0 : i32
    %dma_start3A_724 = tpu.memref_slice %arg4[%add3A_721, %dma_start3A_722, %dma_start3A_723] : memref<256x3200x128xf32, #tpu.memory_space<hbm>> -> memref<1x320x128xf32, #tpu.memory_space<hbm>>
    %dma_start3A_725 = tpu.memref_squeeze %dma_start3A_724 : memref<1x320x128xf32, #tpu.memory_space<hbm>> -> memref<320x128xf32, #tpu.memory_space<hbm>>
    %dma_start3A_726 = arith.constant 2880 : i32
    %dma_start3A_727 = arith.constant 0 : i32
    %dma_start3A_728 = tpu.memref_slice %arg4[%add3A_721, %dma_start3A_726, %dma_start3A_727] : memref<256x3200x128xf32, #tpu.memory_space<hbm>> -> memref<1x320x128xf32, #tpu.memory_space<hbm>>
    %dma_start3A_729 = tpu.memref_squeeze %dma_start3A_728 : memref<1x320x128xf32, #tpu.memory_space<hbm>> -> memref<320x128xf32, #tpu.memory_space<hbm>>
    tpu.enqueue_dma source(%arg8 : memref<320x128xf32, #tpu.memory_space<vmem>>) target(%dma_start3A_729 : memref<320x128xf32, #tpu.memory_space<hbm>>) target_semaphore(%arg11 : memref<!tpu.dma_semaphore, #tpu.memory_space<semaphore_mem>>)
    %add3A_730 = arith.constant 5 : i32
    %add3A_731 = arith.addi %mul3A_2, %add3A_730 : i32
    %dma_start3A_732 = arith.constant 2880 : i32
    %dma_start3A_733 = arith.constant 0 : i32
    %dma_start3A_734 = tpu.memref_slice %arg4[%add3A_731, %dma_start3A_732, %dma_start3A_733] : memref<256x3200x128xf32, #tpu.memory_space<hbm>> -> memref<1x320x128xf32, #tpu.memory_space<hbm>>
    %dma_start3A_735 = tpu.memref_squeeze %dma_start3A_734 : memref<1x320x128xf32, #tpu.memory_space<hbm>> -> memref<320x128xf32, #tpu.memory_space<hbm>>
    %dma_start3A_736 = arith.constant 2880 : i32
    %dma_start3A_737 = arith.constant 0 : i32
    %dma_start3A_738 = tpu.memref_slice %arg4[%add3A_731, %dma_start3A_736, %dma_start3A_737] : memref<256x3200x128xf32, #tpu.memory_space<hbm>> -> memref<1x320x128xf32, #tpu.memory_space<hbm>>
    %dma_start3A_739 = tpu.memref_squeeze %dma_start3A_738 : memref<1x320x128xf32, #tpu.memory_space<hbm>> -> memref<320x128xf32, #tpu.memory_space<hbm>>
    tpu.enqueue_dma source(%arg8 : memref<320x128xf32, #tpu.memory_space<vmem>>) target(%dma_start3A_739 : memref<320x128xf32, #tpu.memory_space<hbm>>) target_semaphore(%arg11 : memref<!tpu.dma_semaphore, #tpu.memory_space<semaphore_mem>>)
    %add3A_740 = arith.constant 6 : i32
    %add3A_741 = arith.addi %mul3A_2, %add3A_740 : i32
    %dma_start3A_742 = arith.constant 2880 : i32
    %dma_start3A_743 = arith.constant 0 : i32
    %dma_start3A_744 = tpu.memref_slice %arg4[%add3A_741, %dma_start3A_742, %dma_start3A_743] : memref<256x3200x128xf32, #tpu.memory_space<hbm>> -> memref<1x320x128xf32, #tpu.memory_space<hbm>>
    %dma_start3A_745 = tpu.memref_squeeze %dma_start3A_744 : memref<1x320x128xf32, #tpu.memory_space<hbm>> -> memref<320x128xf32, #tpu.memory_space<hbm>>
    %dma_start3A_746 = arith.constant 2880 : i32
    %dma_start3A_747 = arith.constant 0 : i32
    %dma_start3A_748 = tpu.memref_slice %arg4[%add3A_741, %dma_start3A_746, %dma_start3A_747] : memref<256x3200x128xf32, #tpu.memory_space<hbm>> -> memref<1x320x128xf32, #tpu.memory_space<hbm>>
    %dma_start3A_749 = tpu.memref_squeeze %dma_start3A_748 : memref<1x320x128xf32, #tpu.memory_space<hbm>> -> memref<320x128xf32, #tpu.memory_space<hbm>>
    tpu.enqueue_dma source(%arg8 : memref<320x128xf32, #tpu.memory_space<vmem>>) target(%dma_start3A_749 : memref<320x128xf32, #tpu.memory_space<hbm>>) target_semaphore(%arg11 : memref<!tpu.dma_semaphore, #tpu.memory_space<semaphore_mem>>)
    %add3A_750 = arith.constant 7 : i32
    %add3A_751 = arith.addi %mul3A_2, %add3A_750 : i32
    %dma_start3A_752 = arith.constant 2880 : i32
    %dma_start3A_753 = arith.constant 0 : i32
    %dma_start3A_754 = tpu.memref_slice %arg4[%add3A_751, %dma_start3A_752, %dma_start3A_753] : memref<256x3200x128xf32, #tpu.memory_space<hbm>> -> memref<1x320x128xf32, #tpu.memory_space<hbm>>
    %dma_start3A_755 = tpu.memref_squeeze %dma_start3A_754 : memref<1x320x128xf32, #tpu.memory_space<hbm>> -> memref<320x128xf32, #tpu.memory_space<hbm>>
    %dma_start3A_756 = arith.constant 2880 : i32
    %dma_start3A_757 = arith.constant 0 : i32
    %dma_start3A_758 = tpu.memref_slice %arg4[%add3A_751, %dma_start3A_756, %dma_start3A_757] : memref<256x3200x128xf32, #tpu.memory_space<hbm>> -> memref<1x320x128xf32, #tpu.memory_space<hbm>>
    %dma_start3A_759 = tpu.memref_squeeze %dma_start3A_758 : memref<1x320x128xf32, #tpu.memory_space<hbm>> -> memref<320x128xf32, #tpu.memory_space<hbm>>
    tpu.enqueue_dma source(%arg8 : memref<320x128xf32, #tpu.memory_space<vmem>>) target(%dma_start3A_759 : memref<320x128xf32, #tpu.memory_space<hbm>>) target_semaphore(%arg11 : memref<!tpu.dma_semaphore, #tpu.memory_space<semaphore_mem>>)
    %dma_wait3A_760 = arith.constant 2560 : i32
    %dma_wait3A_761 = arith.constant 0 : i32
    %dma_wait3A_762 = tpu.memref_slice %arg4[%add3A_643, %dma_wait3A_760, %dma_wait3A_761] : memref<256x3200x128xf32, #tpu.memory_space<hbm>> -> memref<1x320x128xf32, #tpu.memory_space<hbm>>
    %dma_wait3A_763 = tpu.memref_squeeze %dma_wait3A_762 : memref<1x320x128xf32, #tpu.memory_space<hbm>> -> memref<320x128xf32, #tpu.memory_space<hbm>>
    %dma_wait3A_764 = arith.constant 2560 : i32
    %dma_wait3A_765 = arith.constant 0 : i32
    %dma_wait3A_766 = tpu.memref_slice %arg4[%add3A_643, %dma_wait3A_764, %dma_wait3A_765] : memref<256x3200x128xf32, #tpu.memory_space<hbm>> -> memref<1x320x128xf32, #tpu.memory_space<hbm>>
    %dma_wait3A_767 = tpu.memref_squeeze %dma_wait3A_766 : memref<1x320x128xf32, #tpu.memory_space<hbm>> -> memref<320x128xf32, #tpu.memory_space<hbm>>
    tpu.wait_dma2 semaphore(%arg10 : memref<!tpu.dma_semaphore, #tpu.memory_space<semaphore_mem>>) src(%arg7 : memref<320x128xf32, #tpu.memory_space<vmem>>) dst(%dma_wait3A_767 : memref<320x128xf32, #tpu.memory_space<hbm>>)
    %dma_wait3A_768 = arith.constant 2560 : i32
    %dma_wait3A_769 = arith.constant 0 : i32
    %dma_wait3A_770 = tpu.memref_slice %arg4[%add3A_653, %dma_wait3A_768, %dma_wait3A_769] : memref<256x3200x128xf32, #tpu.memory_space<hbm>> -> memref<1x320x128xf32, #tpu.memory_space<hbm>>
    %dma_wait3A_771 = tpu.memref_squeeze %dma_wait3A_770 : memref<1x320x128xf32, #tpu.memory_space<hbm>> -> memref<320x128xf32, #tpu.memory_space<hbm>>
    %dma_wait3A_772 = arith.constant 2560 : i32
    %dma_wait3A_773 = arith.constant 0 : i32
    %dma_wait3A_774 = tpu.memref_slice %arg4[%add3A_653, %dma_wait3A_772, %dma_wait3A_773] : memref<256x3200x128xf32, #tpu.memory_space<hbm>> -> memref<1x320x128xf32, #tpu.memory_space<hbm>>
    %dma_wait3A_775 = tpu.memref_squeeze %dma_wait3A_774 : memref<1x320x128xf32, #tpu.memory_space<hbm>> -> memref<320x128xf32, #tpu.memory_space<hbm>>
    tpu.wait_dma2 semaphore(%arg10 : memref<!tpu.dma_semaphore, #tpu.memory_space<semaphore_mem>>) src(%arg7 : memref<320x128xf32, #tpu.memory_space<vmem>>) dst(%dma_wait3A_775 : memref<320x128xf32, #tpu.memory_space<hbm>>)
    %dma_wait3A_776 = arith.constant 2560 : i32
    %dma_wait3A_777 = arith.constant 0 : i32
    %dma_wait3A_778 = tpu.memref_slice %arg4[%add3A_663, %dma_wait3A_776, %dma_wait3A_777] : memref<256x3200x128xf32, #tpu.memory_space<hbm>> -> memref<1x320x128xf32, #tpu.memory_space<hbm>>
    %dma_wait3A_779 = tpu.memref_squeeze %dma_wait3A_778 : memref<1x320x128xf32, #tpu.memory_space<hbm>> -> memref<320x128xf32, #tpu.memory_space<hbm>>
    %dma_wait3A_780 = arith.constant 2560 : i32
    %dma_wait3A_781 = arith.constant 0 : i32
    %dma_wait3A_782 = tpu.memref_slice %arg4[%add3A_663, %dma_wait3A_780, %dma_wait3A_781] : memref<256x3200x128xf32, #tpu.memory_space<hbm>> -> memref<1x320x128xf32, #tpu.memory_space<hbm>>
    %dma_wait3A_783 = tpu.memref_squeeze %dma_wait3A_782 : memref<1x320x128xf32, #tpu.memory_space<hbm>> -> memref<320x128xf32, #tpu.memory_space<hbm>>
    tpu.wait_dma2 semaphore(%arg10 : memref<!tpu.dma_semaphore, #tpu.memory_space<semaphore_mem>>) src(%arg7 : memref<320x128xf32, #tpu.memory_space<vmem>>) dst(%dma_wait3A_783 : memref<320x128xf32, #tpu.memory_space<hbm>>)
    %dma_wait3A_784 = arith.constant 2560 : i32
    %dma_wait3A_785 = arith.constant 0 : i32
    %dma_wait3A_786 = tpu.memref_slice %arg4[%add3A_673, %dma_wait3A_784, %dma_wait3A_785] : memref<256x3200x128xf32, #tpu.memory_space<hbm>> -> memref<1x320x128xf32, #tpu.memory_space<hbm>>
    %dma_wait3A_787 = tpu.memref_squeeze %dma_wait3A_786 : memref<1x320x128xf32, #tpu.memory_space<hbm>> -> memref<320x128xf32, #tpu.memory_space<hbm>>
    %dma_wait3A_788 = arith.constant 2560 : i32
    %dma_wait3A_789 = arith.constant 0 : i32
    %dma_wait3A_790 = tpu.memref_slice %arg4[%add3A_673, %dma_wait3A_788, %dma_wait3A_789] : memref<256x3200x128xf32, #tpu.memory_space<hbm>> -> memref<1x320x128xf32, #tpu.memory_space<hbm>>
    %dma_wait3A_791 = tpu.memref_squeeze %dma_wait3A_790 : memref<1x320x128xf32, #tpu.memory_space<hbm>> -> memref<320x128xf32, #tpu.memory_space<hbm>>
    tpu.wait_dma2 semaphore(%arg10 : memref<!tpu.dma_semaphore, #tpu.memory_space<semaphore_mem>>) src(%arg7 : memref<320x128xf32, #tpu.memory_space<vmem>>) dst(%dma_wait3A_791 : memref<320x128xf32, #tpu.memory_space<hbm>>)
    %dma_wait3A_792 = arith.constant 2880 : i32
    %dma_wait3A_793 = arith.constant 0 : i32
    %dma_wait3A_794 = tpu.memref_slice %arg4[%add3A_721, %dma_wait3A_792, %dma_wait3A_793] : memref<256x3200x128xf32, #tpu.memory_space<hbm>> -> memref<1x320x128xf32, #tpu.memory_space<hbm>>
    %dma_wait3A_795 = tpu.memref_squeeze %dma_wait3A_794 : memref<1x320x128xf32, #tpu.memory_space<hbm>> -> memref<320x128xf32, #tpu.memory_space<hbm>>
    %dma_wait3A_796 = arith.constant 2880 : i32
    %dma_wait3A_797 = arith.constant 0 : i32
    %dma_wait3A_798 = tpu.memref_slice %arg4[%add3A_721, %dma_wait3A_796, %dma_wait3A_797] : memref<256x3200x128xf32, #tpu.memory_space<hbm>> -> memref<1x320x128xf32, #tpu.memory_space<hbm>>
    %dma_wait3A_799 = tpu.memref_squeeze %dma_wait3A_798 : memref<1x320x128xf32, #tpu.memory_space<hbm>> -> memref<320x128xf32, #tpu.memory_space<hbm>>
    tpu.wait_dma2 semaphore(%arg11 : memref<!tpu.dma_semaphore, #tpu.memory_space<semaphore_mem>>) src(%arg8 : memref<320x128xf32, #tpu.memory_space<vmem>>) dst(%dma_wait3A_799 : memref<320x128xf32, #tpu.memory_space<hbm>>)
    %dma_wait3A_800 = arith.constant 2880 : i32
    %dma_wait3A_801 = arith.constant 0 : i32
    %dma_wait3A_802 = tpu.memref_slice %arg4[%add3A_731, %dma_wait3A_800, %dma_wait3A_801] : memref<256x3200x128xf32, #tpu.memory_space<hbm>> -> memref<1x320x128xf32, #tpu.memory_space<hbm>>
    %dma_wait3A_803 = tpu.memref_squeeze %dma_wait3A_802 : memref<1x320x128xf32, #tpu.memory_space<hbm>> -> memref<320x128xf32, #tpu.memory_space<hbm>>
    %dma_wait3A_804 = arith.constant 2880 : i32
    %dma_wait3A_805 = arith.constant 0 : i32
    %dma_wait3A_806 = tpu.memref_slice %arg4[%add3A_731, %dma_wait3A_804, %dma_wait3A_805] : memref<256x3200x128xf32, #tpu.memory_space<hbm>> -> memref<1x320x128xf32, #tpu.memory_space<hbm>>
    %dma_wait3A_807 = tpu.memref_squeeze %dma_wait3A_806 : memref<1x320x128xf32, #tpu.memory_space<hbm>> -> memref<320x128xf32, #tpu.memory_space<hbm>>
    tpu.wait_dma2 semaphore(%arg11 : memref<!tpu.dma_semaphore, #tpu.memory_space<semaphore_mem>>) src(%arg8 : memref<320x128xf32, #tpu.memory_space<vmem>>) dst(%dma_wait3A_807 : memref<320x128xf32, #tpu.memory_space<hbm>>)
    %dma_wait3A_808 = arith.constant 2880 : i32
    %dma_wait3A_809 = arith.constant 0 : i32
    %dma_wait3A_810 = tpu.memref_slice %arg4[%add3A_741, %dma_wait3A_808, %dma_wait3A_809] : memref<256x3200x128xf32, #tpu.memory_space<hbm>> -> memref<1x320x128xf32, #tpu.memory_space<hbm>>
    %dma_wait3A_811 = tpu.memref_squeeze %dma_wait3A_810 : memref<1x320x128xf32, #tpu.memory_space<hbm>> -> memref<320x128xf32, #tpu.memory_space<hbm>>
    %dma_wait3A_812 = arith.constant 2880 : i32
    %dma_wait3A_813 = arith.constant 0 : i32
    %dma_wait3A_814 = tpu.memref_slice %arg4[%add3A_741, %dma_wait3A_812, %dma_wait3A_813] : memref<256x3200x128xf32, #tpu.memory_space<hbm>> -> memref<1x320x128xf32, #tpu.memory_space<hbm>>
    %dma_wait3A_815 = tpu.memref_squeeze %dma_wait3A_814 : memref<1x320x128xf32, #tpu.memory_space<hbm>> -> memref<320x128xf32, #tpu.memory_space<hbm>>
    tpu.wait_dma2 semaphore(%arg11 : memref<!tpu.dma_semaphore, #tpu.memory_space<semaphore_mem>>) src(%arg8 : memref<320x128xf32, #tpu.memory_space<vmem>>) dst(%dma_wait3A_815 : memref<320x128xf32, #tpu.memory_space<hbm>>)
    %dma_wait3A_816 = arith.constant 2880 : i32
    %dma_wait3A_817 = arith.constant 0 : i32
    %dma_wait3A_818 = tpu.memref_slice %arg4[%add3A_751, %dma_wait3A_816, %dma_wait3A_817] : memref<256x3200x128xf32, #tpu.memory_space<hbm>> -> memref<1x320x128xf32, #tpu.memory_space<hbm>>
    %dma_wait3A_819 = tpu.memref_squeeze %dma_wait3A_818 : memref<1x320x128xf32, #tpu.memory_space<hbm>> -> memref<320x128xf32, #tpu.memory_space<hbm>>
    %dma_wait3A_820 = arith.constant 2880 : i32
    %dma_wait3A_821 = arith.constant 0 : i32
    %dma_wait3A_822 = tpu.memref_slice %arg4[%add3A_751, %dma_wait3A_820, %dma_wait3A_821] : memref<256x3200x128xf32, #tpu.memory_space<hbm>> -> memref<1x320x128xf32, #tpu.memory_space<hbm>>
    %dma_wait3A_823 = tpu.memref_squeeze %dma_wait3A_822 : memref<1x320x128xf32, #tpu.memory_space<hbm>> -> memref<320x128xf32, #tpu.memory_space<hbm>>
    tpu.wait_dma2 semaphore(%arg11 : memref<!tpu.dma_semaphore, #tpu.memory_space<semaphore_mem>>) src(%arg8 : memref<320x128xf32, #tpu.memory_space<vmem>>) dst(%dma_wait3A_823 : memref<320x128xf32, #tpu.memory_space<hbm>>)
    %dma_wait3A_824 = arith.constant 0 : i32
    %dma_wait3A_825 = arith.constant 0 : i32
    %dma_wait3A_826 = tpu.memref_slice %arg4[%add3A_11, %dma_wait3A_824, %dma_wait3A_825] : memref<256x3200x128xf32, #tpu.memory_space<hbm>> -> memref<1x3200x128xf32, #tpu.memory_space<hbm>>
    %dma_wait3A_827 = tpu.memref_squeeze %dma_wait3A_826 : memref<1x3200x128xf32, #tpu.memory_space<hbm>> -> memref<3200x128xf32, #tpu.memory_space<hbm>>
    tpu.wait_dma2 semaphore(%arg12 : memref<!tpu.dma_semaphore, #tpu.memory_space<semaphore_mem>>) src(%arg9 : memref<3200x128xf32, #tpu.memory_space<vmem_shared>>) dst(%dma_wait3A_827 : memref<3200x128xf32, #tpu.memory_space<hbm>>)
    %dma_wait3A_828 = arith.constant 0 : i32
    %dma_wait3A_829 = arith.constant 0 : i32
    %dma_wait3A_830 = tpu.memref_slice %arg4[%add3A_16, %dma_wait3A_828, %dma_wait3A_829] : memref<256x3200x128xf32, #tpu.memory_space<hbm>> -> memref<1x3200x128xf32, #tpu.memory_space<hbm>>
    %dma_wait3A_831 = tpu.memref_squeeze %dma_wait3A_830 : memref<1x3200x128xf32, #tpu.memory_space<hbm>> -> memref<3200x128xf32, #tpu.memory_space<hbm>>
    tpu.wait_dma2 semaphore(%arg12 : memref<!tpu.dma_semaphore, #tpu.memory_space<semaphore_mem>>) src(%arg9 : memref<3200x128xf32, #tpu.memory_space<vmem_shared>>) dst(%dma_wait3A_831 : memref<3200x128xf32, #tpu.memory_space<hbm>>)
    %dma_wait3A_832 = arith.constant 0 : i32
    %dma_wait3A_833 = arith.constant 0 : i32
    %dma_wait3A_834 = tpu.memref_slice %arg4[%add3A_22, %dma_wait3A_832, %dma_wait3A_833] : memref<256x3200x128xf32, #tpu.memory_space<hbm>> -> memref<1x3200x128xf32, #tpu.memory_space<hbm>>
    %dma_wait3A_835 = tpu.memref_squeeze %dma_wait3A_834 : memref<1x3200x128xf32, #tpu.memory_space<hbm>> -> memref<3200x128xf32, #tpu.memory_space<hbm>>
    tpu.wait_dma2 semaphore(%arg12 : memref<!tpu.dma_semaphore, #tpu.memory_space<semaphore_mem>>) src(%arg9 : memref<3200x128xf32, #tpu.memory_space<vmem_shared>>) dst(%dma_wait3A_835 : memref<3200x128xf32, #tpu.memory_space<hbm>>)
    %dma_wait3A_836 = arith.constant 0 : i32
    %dma_wait3A_837 = arith.constant 0 : i32
    %dma_wait3A_838 = tpu.memref_slice %arg4[%add3A_28, %dma_wait3A_836, %dma_wait3A_837] : memref<256x3200x128xf32, #tpu.memory_space<hbm>> -> memref<1x3200x128xf32, #tpu.memory_space<hbm>>
    %dma_wait3A_839 = tpu.memref_squeeze %dma_wait3A_838 : memref<1x3200x128xf32, #tpu.memory_space<hbm>> -> memref<3200x128xf32, #tpu.memory_space<hbm>>
    tpu.wait_dma2 semaphore(%arg12 : memref<!tpu.dma_semaphore, #tpu.memory_space<semaphore_mem>>) src(%arg9 : memref<3200x128xf32, #tpu.memory_space<vmem_shared>>) dst(%dma_wait3A_839 : memref<3200x128xf32, #tpu.memory_space<hbm>>)
    return
  }
}

module attributes {stable_mosaic.version = 14 : i64} {
  func.func @fo_body(%arg0: i32, %arg1: memref<50x64xf32, #tpu.memory_space<vmem>>, %arg2: memref<1x50x128xf32, #tpu.memory_space<vmem>>) attributes {dimension_semantics = [#tpu.dimension_semantics<arbitrary>], iteration_bounds = array<i64: 256>, scalar_prefetch = 0 : i64, scratch_operands = 0 : i64, tpu.core_type = #tpu.core_type<tc>, window_params = [{pipeline_mode = #tpu.pipeline_mode<synchronous>, transform_indices = @transform_0, window_bounds = array<i64: 50, 64>}, {transform_indices = @transform_1, window_bounds = array<i64: 1, 50, 128>}]} {
    %get3A = arith.constant 0 : index
    %get3A_0 = arith.constant 0 : index
    %get3A_1 = vector.load %arg1[%get3A, %get3A_0] : memref<50x64xf32, #tpu.memory_space<vmem>>, vector<50x64xf32>
    %broadcast_in_dim3A = arith.constant 0.000000e+00 : f32
    %broadcast_in_dim3A_2 = vector.broadcast %broadcast_in_dim3A : f32 to vector<50x64xf32>
    %concatenate3A = tpu.concatenate %get3A_1, %broadcast_in_dim3A_2 in 1 : vector<50x64xf32>, vector<50x64xf32> -> vector<50x128xf32>
    %swap3A = arith.constant 0 : index
    %swap3A_3 = arith.constant 0 : index
    %swap3A_4 = arith.constant 0 : index
    %swap3A_5 = vector.load %arg2[%swap3A, %swap3A_3, %swap3A_4] : memref<1x50x128xf32, #tpu.memory_space<vmem>>, vector<1x50x128xf32>
    %swap3A_6 = vector.shape_cast %swap3A_5 : vector<1x50x128xf32> to vector<50x128xf32>
    %swap3A_7 = vector.shape_cast %concatenate3A : vector<50x128xf32> to vector<1x50x128xf32>
    tpu.vector_store %arg2[%swap3A, %swap3A_3, %swap3A_4], %swap3A_7 {strides = array<i32>} : memref<1x50x128xf32, #tpu.memory_space<vmem>>, vector<1x50x128xf32>,
    return
  }
  func.func @transform_0(%arg0: i32) -> (i32, i32) {
    %c0_i32 = arith.constant 0 : i32
    %c0_i32_0 = arith.constant 0 : i32
    %c0_i32_1 = arith.constant 0 : i32
    return %c0_i32, %c0_i32_0 : i32, i32
  }
  func.func @transform_1(%arg0: i32) -> (i32, i32, i32) {
    %c0_i32 = arith.constant 0 : i32
    %c0_i32_0 = arith.constant 0 : i32
    %c0_i32_1 = arith.constant 0 : i32
    return %arg0, %c0_i32, %c0_i32_0 : i32, i32, i32
  }
}

</mosaic_0001>

<sc_bundles>
// kernel: kernel.4.cloned.1.call-start
scs
__scs_entry_jumppad:
0x0: {  	(pc) =	sbr.rel $0x88, $3  }
0x1: {  	(tag) =	ssettag $0x0;
	lr =	simm.s32 $0x1  }
0x2: {  	[smem:$0x3F9F] =	sst lr;
	_ =	strace $0xD0000000  }
0x3: {  	_ = 	snop  }
0x4: {  	_ = 	snop  }
0x5: {  	_ = 	snop  }
0x6: {  	_ = 	snop  }
0x7: {  	_ = 	snop  }
__scs_overlays_trampoline_lowered:
0x8: {  	[smem:$0x3FAE] =	sst s0  }
0x9: {  	[smem:$0x3FAF] =	sst s1  }
0xa: {  	[smem:$0x3FB0] =	sst s2  }
0xb: {  	[smem:$0x3FB1] =	sst s3  }
0xc: {  	[smem:$0x3FB2] =	sst s4  }
0xd: {  	[smem:$0x3FB3] =	sst s5  }
0xe: {  	[smem:$0x3FB4] =	sst s6  }
0xf: {  	[smem:$0x3FB5] =	sst s7  }
0x10: {  	[smem:$0x3FB6] =	sst s8  }
0x11: {  	[smem:$0x3FB7] =	sst s9;
	s0 =	simm.s32 @!p0 $0x0  }
0x12: {  	s1 =	sld [smem:$0x3F9D];
	s0 =	simm.s32 @p0 $0x1  }
0x13: {  	[smem:$0x3FB8] =	sst s0;
	s0 =	simm.s32 @!p1 $0x0  }
0x14: {  	s2 =	sld [smem:$0x3F9C];
	s0 =	simm.s32 @p1 $0x1  }
0x15: {  	[smem:$0x3FB9] =	sst s0;
	s0 =	simm.s32 @!p2 $0x0  }
0x16: {  	s3 =	sld [smem:$0x3FDB];
	s0 =	simm.s32 @p2 $0x1  }
0x17: {  	s4 =	simm.s32 $0x1BF5;
	[smem:$0x3FBB] =	sst s0  }
0x18: {  	s0 =	sld [smem:$0x3F9E];
	_ =	swait.ge [sflag:s4], $0x0  }
0x19: {  	s7 =	sld [smem:$0x3F9F]  }
0x1a: {  	s8 =	sadd.s32 $0xFFFFE003, lr  }
0x1b: {  	s9 =	sadd.s32 $0xFFFFFEF7, lr;
	s5 =	simm.s32 $0xFFFFFFFF;
	p2 =	slt.u32 s8, $0xFFFFF086  }
0x1c: {  	p1 =	slt.u32 s9, $0xF7A;
	s5 =	simm.s32 @!p2 $0x0  }
0x1d: {  	s5 =	simm.s32 @p1 $0x1;
	p0 =	seq.s32 s7, s2  }
0x1e: {  	s7 =	smul.u32 @!p0 $0xF7A, s2;
	p2 =	seq.s32 @!p0 s5, $0x0  }
0x1f: {  	s9 =	smul.u32 $0xF7A, s1;
	s8 =	simm.s32 @!p0 $0x1BF5;
	p2 =	por !p2, p0  }
0x20: {  	[sflag:s8] =	ssyncset.s32 @!p0 $0xFFFFF086;
	s6 =	sadd.s32 @!p0 s3, s7;
	s7 =	simm.s32 @!p0 $0x108  }
0x21: {  	s3 =	sadd.s32 s3, s9;
	s6 =	sadd.s32 @!p0 $0x88, s6;
	s7 =	simm.s32 @p2 $0x1082  }
0x22: {  	[simem:s7], [sflag:s8] =	dma.local @!p0 [hbm:s6], $0xF7A  }
0x23: {  	s9 =	sor.u32 $0xD0000000, s2;
	s6 =	simm.s32 $0x108;
	_ =	swait.ge @!p0 [sflag:s8], $0x0  }
0x24: {  	s3 =	sadd.s32 $0x88, s3;
	s6 =	simm.s32 @!p1 $0x1082;
	[sflag:s4] =	ssyncset.s32 $0xFFFFF086  }
0x25: {  	[simem:s6], [sflag:s4] =	dma.local [hbm:s3], $0xF7A  }
0x26: {  	[smem:$0x3F9F] =	sst s1;
	(tag) =	ssettag s2;
	_ =	strace s9  }
0x27: {  	s1 =	sld [smem:$0x3FAF]  }
0x28: {  	s2 =	sld [smem:$0x3FB0]  }
0x29: {  	s4 =	sld [smem:$0x3FB2]  }
0x2a: {  	p0 =	seq.s32 s5, $0x0;
	s5 =	sld [smem:$0x3FB3]  }
0x2b: {  	s6 =	sld [smem:$0x3FB4]  }
0x2c: {  	s7 =	sld [smem:$0x3FB5]  }
0x2d: {  	s3 =	simm.s32 $0x108;
	s8 =	sld [smem:$0x3FB6]  }
0x2e: {  	s3 =	simm.s32 @!p0 $0x1082;
	s9 =	sld [smem:$0x3FB7]  }
0x2f: {  	lr =	sadd.s32 s0, s3;
	s0 =	sld [smem:$0x3FAE]  }
0x30: {  	s3 =	sld [smem:$0x3FB1]  }
0x31: {  	[smem:$0x3FBA] =	sst s10  }
0x32: {  	s10 =	sld [smem:$0x3FB8];
	_ =	sdelay $0x3  }
0x33: {  	p0 =	seq.s32 s10, $0x1;
	s10 =	sld [smem:$0x3FBA];
	_ =	sdelay $0x3  }
0x34: {  	[smem:$0x3FBA] =	sst s10  }
0x35: {  	s10 =	sld [smem:$0x3FB9];
	_ =	sdelay $0x3  }
0x36: {  	p1 =	seq.s32 s10, $0x1;
	s10 =	sld [smem:$0x3FBA];
	_ =	sdelay $0x3  }
0x37: {  	[smem:$0x3FBA] =	sst s10  }
0x38: {  	s10 =	sld [smem:$0x3FBB]  }
0x39: {  	_ = 	snop;
	(pc) =	sbr.ind lr, $3  }
0x3a: {  	_ = 	snop  }
0x3b: {  	_ = 	snop  }
0x3c: {  	p2 =	seq.s32 s10, $0x1;
	s10 =	sld [smem:$0x3FBA]  }
0x3d: {  	_ =	shalt  }
0x3e: {  	_ =	shalt  }
0x3f: {  	_ =	shalt  }
0x40: {  	_ =	shalt  }
0x41: {  	_ =	shalt  }
0x42: {  	_ =	shalt  }
0x43: {  	_ =	shalt  }
0x44: {  	_ =	shalt  }
0x45: {  	_ =	shalt  }
0x46: {  	_ =	shalt  }
0x47: {  	_ =	shalt  }
0x48: {  	_ =	shalt  }
0x49: {  	_ =	shalt  }
0x4a: {  	_ =	shalt  }
0x4b: {  	_ =	shalt  }
0x4c: {  	_ =	shalt  }
0x4d: {  	_ =	shalt  }
0x4e: {  	_ =	shalt  }
0x4f: {  	_ =	shalt  }
0x50: {  	_ =	shalt  }
0x51: {  	_ =	shalt  }
0x52: {  	_ =	shalt  }
0x53: {  	_ =	shalt  }
0x54: {  	_ =	shalt  }
0x55: {  	_ =	shalt  }
0x56: {  	_ =	shalt  }
0x57: {  	_ =	shalt  }
0x58: {  	_ =	shalt  }
0x59: {  	_ =	shalt  }
0x5a: {  	_ =	shalt  }
0x5b: {  	_ =	shalt  }
0x5c: {  	_ =	shalt  }
0x5d: {  	_ =	shalt  }
0x5e: {  	_ =	shalt  }
0x5f: {  	_ =	shalt  }
0x60: {  	_ =	shalt  }
0x61: {  	_ =	shalt  }
0x62: {  	_ =	shalt  }
0x63: {  	_ =	shalt  }
0x64: {  	_ =	shalt  }
0x65: {  	_ =	shalt  }
0x66: {  	_ =	shalt  }
0x67: {  	_ =	shalt  }
0x68: {  	_ =	shalt  }
0x69: {  	_ =	shalt  }
0x6a: {  	_ =	shalt  }
0x6b: {  	_ =	shalt  }
0x6c: {  	_ =	shalt  }
0x6d: {  	_ =	shalt  }
0x6e: {  	_ =	shalt  }
0x6f: {  	_ =	shalt  }
0x70: {  	_ =	shalt  }
0x71: {  	_ =	shalt  }
0x72: {  	_ =	shalt  }
0x73: {  	_ =	shalt  }
0x74: {  	_ =	shalt  }
0x75: {  	_ =	shalt  }
0x76: {  	_ =	shalt  }
0x77: {  	_ =	shalt  }
0x78: {  	_ =	shalt  }
0x79: {  	_ =	shalt  }
0x7a: {  	_ =	shalt  }
0x7b: {  	_ =	shalt  }
0x7c: {  	_ =	shalt  }
0x7d: {  	_ =	shalt  }
0x7e: {  	_ =	shalt  }
0x7f: {  	_ =	shalt  }
0x80: {  	_ =	shalt  }
0x81: {  	_ =	shalt  }
0x82: {  	_ =	shalt  }
0x83: {  	_ =	shalt  }
0x84: {  	_ =	shalt  }
0x85: {  	_ =	shalt  }
0x86: {  	_ =	shalt  }
0x87: {  	_ =	shalt  }
.Lfunc_end0:
.L_simem_size_0:
called_computation_lowered:
.L_overlay_start_0:
0x88: {  	s2 =	sld [smem:$0x3FD9]  }
0x89: {  	s3 =	sld [smem:$0x3FFE];
	_ =	sdelay $0x1  }
0x8a: {  	s1 =	srdreg.scid  }
0x8b: {  	s0 =	sand.u32 $0x1, s1  }
0x8c: {  	s15 =	sshll.u32 s0, $0xA;
	s2 =	sadd.s32 s3, s2  }
0x8d: {  	s2 =	sadd.s32 s2, s15  }
0x8e: {  	[smem:$0x3FC6] =	sst s2  }
0x8f: {  	_ = 	snop  }
0x90: {  	s2 =	sld [smem:$0x3FD0];
	_ =	sdelay $0x1  }
0x91: {  	s16 =	sld [smem:$0x3FC9]  }
0x92: {  	s5 =	simm.s32 $0xA;
	s6 =	simm.s32 $0x10;
	s4 =	sld [smem:$0x3FC8]  }
0x93: {  	[smem:s6], [sflag:s5] =	dma.local [hbm:s2], $0x1  }
0x94: {  	_ =	swait.eq [sflag:s5], $0x1  }
0x95: {  	[sflag:s5] =	ssyncset.done $0x0  }
0x96: {  	[sflag:s5] =	ssyncadd.s32 $0xFFFFFFFF  }
0x97: {  	s17 =	sld [smem:$0x11];
	(tm) =	ssettm $0x1  }
0x98: {  	s18 =	sld [smem:$0x3FFB];
	_ =	sdelay $0x3  }
0x99: {  	_ =	strace s18  }
0x9a: {  	s5 =	sld [smem:$0x3FFC];
	_ =	sdelay $0x3  }
0x9b: {  	_ =	strace s5  }
0x9c: {  	s5 =	sld [smem:$0x3FFD];
	_ =	sdelay $0x3  }
0x9d: {  	_ =	strace s5  }
0x9e: {  	_ =	strace $0x8FFFFFFF  }
0x9f: {  	s19 =	sld [smem:$0x3FDB];
	_ =	sdelay $0x1  }
0xa0: {  	s20 =	simm.s32 $_scs_section_size  }
0xa1: {  	s7 =	simm.s32 $_size__tile_overlayer_lowered;
	s8 =	simm.s32 $_tile_overlayer_lowered  }
0xa2: {  	s23 =	simm.s32 $0x1BFF;
	s22 =	sshll.u32 s8, $0x1;
	s5 =	sadd.s32 s20, s19  }
0xa3: {  	s9 =	simm.s32 $0x0;
	s21 =	sshll.u32 s7, $0x1;
	s7 =	sadd.s32 s22, s5  }
0xa4: {  	[timem:s9], [sflag:s23] =	dma.local [hbm:s7], s21  }
0xa5: {  	_ =	swait.ge [sflag:s23], s21  }
0xa6: {  	s6 =	ssub.s32 $0x0, s21;
	[sflag:s23] =	ssyncset.done $0x0  }
0xa7: {  	[sflag:s23] =	ssyncadd.s32 s6;
	_ =	sdelay $0x1  }
0xa8: {  	s24 =	simm.s32 $0x1B8B  }
0xa9: {  	_ =	swait.ge [sflag:s24], $0x1  }
0xaa: {  	[sflag:s24] =	ssyncset.done $0x0  }
0xab: {  	s25 =	simm.s32 $0x1B8E;
	[sflag:s24] =	ssyncadd.s32 $0xFFFFFFFF  }
0xac: {  	s26 =	simm.s32 $execute0_lowered;
	[smem:$0x3FD2] =	sst s25  }
0xad: {  	s6 =	sshll.u32 s26, $0x1;
	_ =	strace $0x80000046;
	[dreg:$0x1] =	wrdreg $0xFFFFFFFF  }
0xae: {  	s28 =	simm.s32 $_size_execute0_lowered;
	s5 =	sadd.s32 s5, s6;
	[dreg:$0x0] =	wrdreg $0x0  }
0xaf: {  	s6 =	sshll.u32 s28, $0x1;
	[dreg:$0x2] =	wrdreg s5  }
0xb0: {  	[dreg:$0x3] =	wrdreg s6  }
0xb1: {  	[dreg:$0x4] =	wrdreg $0xC0  }
0xb2: {  	_ =	task [dreg:s9], $0x5FFFF  }
0xb3: {  	[dreg:$0x1] =	wrdreg $0xFFFFFFFF  }
0xb4: {  	[dreg:$0x0] =	wrdreg $0x60  }
0xb5: {  	[dreg:$0x2] =	wrdreg s16  }
0xb6: {  	[dreg:$0x3] =	wrdreg s4  }
0xb7: {  	[dreg:$0x4] =	wrdreg s17  }
0xb8: {  	[dreg:$0x5] =	wrdreg $0x17C000  }
0xb9: {  	[dreg:$0x6] =	wrdreg $0x9  }
0xba: {  	_ =	task.clear_ibuf [dreg:s9], $0x7FFFF;
	_ =	strace $0x90000046  }
0xbb: {  	s29 =	simm.s32 $0x9;
	_ =	strace $0x80000048  }
0xbc: {  	_ =	swait.ge [sflag:s29], $0x1  }
0xbd: {  	[sflag:s29] =	ssyncadd.s32 $0xFFFFFFFF  }
0xbe: {  	_ =	strace $0x90000048  }
0xbf: {  	_ =	sfence  }
0xc0: {  	s30 =	sld [smem:$0x0];
	_ =	sdelay $0x2  }
0xc1: {  	s31 =	sshll.u32 s1, $0xD;
	s1 =	sshrl.u32 s1, $0x2  }
0xc2: {  	s3 =	sand.u32 $0x4000, s31;
	s1 =	sadd.s32 s1, s30  }
0xc3: {  	s0 =	sor.u32 s3, s0;
	s1 =	sshll.u32 s1, $0x11  }
0xc4: {  	s0 =	sor.u32 s1, s0  }
0xc5: {  	s0 =	sadd.s32 $0x8F2B, s0  }
0xc6: {  	[sflag:s0] =	ssyncadd.remote.s32 $0x1  }
0xc7: {  	_ =	sfence.sel $0xFFFF  }
0xc8: {  	[dreg:$0x0] =	wrdreg $0xFFFFFFFF;
	(pc) =	sbr.abs _section_cstart, $3  }
0xc9: {  	[dreg:$0x1] =	wrdreg $0xFFFFFFFF  }
0xca: {  	_ =	task.clear_ibuf [dreg:s9], $0x2FFFF;
	_ =	strace $0x9FFFFFFF  }
0xcb: {  	(tm) =	ssettm $0x7FFFFFFF  }
tec
execute0_lowered:
.L_overlay_start_1:
0x0: {  	(tag) =	ssettag $0x1  }
0x1: {  	s1 =	srdreg.scid  }
0x2: {  	s22 =	stileid.u32;
	s1 =	sand.u32 $0x1, s1  }
0x3: {  	s2 =	sshll.u32 s22, $0x4;
	s3 =	sshll.u32 s1, $0x3  }
0x4: {  	s0 =	rddreg [dreg:$0x2];
	s20 =	smul.u32 $0x19000, s22;
	s2 =	sor.u32 s3, s2  }
0x5: {  	s7 =	rddreg [dreg:$0x3];
	s5 =	simm.s32 $0x0;
	s4 =	smul.u32 $0x64000, s2  }
0x6: {  	[smem:$0x7FF] =	sst s5;
	s3 =	sshrl.u32 s20, $0x2;
	s2 =	smul.u32 $0xC800, s2  }
0x7: {  	_ =	strace $0x80000047;
	s3 =	sadd.s32 s3, s7;
	s4 =	sshrl.u32 s4, $0x3  }
0x8: {  	[dreg:$0x5] =	wrdreg s3;
	s2 =	sadd.s32 s0, s2;
	s0 =	sadd.s32 s0, s4  }
0x9: {  	[dreg:$0x6] =	wrdreg s2;
	s21 =	sadd.s32 $0xC800, s0  }
0xa: {  	s23 =	sadd.s32 $0x19000, s0;
	[dreg:$0x7] =	wrdreg s21  }
0xb: {  	s24 =	sadd.s32 $0x25800, s0;
	[dreg:$0x8] =	wrdreg s23  }
0xc: {  	s25 =	sadd.s32 $0x32000, s0;
	[dreg:$0x9] =	wrdreg s24  }
0xd: {  	s26 =	sadd.s32 $0x3E800, s0;
	[dreg:$0xa] =	wrdreg s25  }
0xe: {  	s1 =	ssub.s32 $0x2, s1;
	s3 =	sadd.s32 $0x4B000, s0;
	[dreg:$0xb] =	wrdreg s26  }
0xf: {  	s6 =	sshrl.u32 s1, $0x1;
	s4 =	sadd.s32 $0x57800, s0;
	[dreg:$0xc] =	wrdreg s3  }
0x10: {  	s1 =	ssub.s32 s1, s6;
	s6 =	sadd.s32 $0x33400, s0;
	[dreg:$0xd] =	wrdreg s4  }
0x11: {  	s7 =	sadd.s32 $0x3FC00, s0;
	[dreg:$0xe] =	wrdreg s6  }
0x12: {  	s8 =	sadd.s32 $0x4C400, s0;
	[dreg:$0xf] =	wrdreg s7  }
0x13: {  	s9 =	sadd.s32 $0x58C00, s0;
	[dreg:$0x10] =	wrdreg s8  }
0x14: {  	s10 =	sadd.s32 $0x34800, s0;
	[dreg:$0x11] =	wrdreg s9  }
0x15: {  	s11 =	sadd.s32 $0x41000, s0;
	[dreg:$0x12] =	wrdreg s10  }
0x16: {  	s12 =	sadd.s32 $0x4D800, s0;
	[dreg:$0x13] =	wrdreg s11  }
0x17: {  	s13 =	sadd.s32 $0x5A000, s0;
	[dreg:$0x14] =	wrdreg s12  }
0x18: {  	s14 =	sadd.s32 $0x35C00, s0;
	[dreg:$0x15] =	wrdreg s13  }
0x19: {  	s15 =	sadd.s32 $0x42400, s0;
	[dreg:$0x16] =	wrdreg s14  }
0x1a: {  	s16 =	sadd.s32 $0x4EC00, s0;
	[dreg:$0x17] =	wrdreg s15  }
0x1b: {  	s28 =	simm.s32 $0x1;
	s17 =	sadd.s32 $0x5B400, s0;
	[dreg:$0x18] =	wrdreg s16  }
0x1c: {  	s29 =	simm.s32 $0x2;
	s18 =	sadd.s32 $0x37000, s0;
	[dreg:$0x19] =	wrdreg s17  }
0x1d: {  	s30 =	simm.s32 $0x3;
	s19 =	sadd.s32 $0x43800, s0;
	[dreg:$0x1a] =	wrdreg s18  }
0x1e: {  	s31 =	simm.s32 $0x0;
	s20 =	sadd.s32 $0x50000, s0;
	[dreg:$0x1b] =	wrdreg s19  }
0x1f: {  	s2 =	sadd.s32 $0x39800, s0;
	[dreg:$0x1c] =	wrdreg s20;
	s21 =	sadd.s32 $0x5C800, s0  }
0x20: {  	s23 =	sadd.s32 $0x38400, s0;
	s24 =	sadd.s32 $0x44C00, s0;
	s25 =	sadd.s32 $0x51400, s0  }
0x21: {  	s26 =	sadd.s32 $0x5DC00, s0;
	s6 =	sadd.s32 $0x46000, s0;
	s7 =	sadd.s32 $0x52800, s0  }
0x22: {  	s8 =	sadd.s32 $0x5F000, s0;
	s9 =	sadd.s32 $0x3AC00, s0;
	s10 =	sadd.s32 $0x47400, s0  }
0x23: {  	s11 =	sadd.s32 $0x53C00, s0;
	s12 =	sadd.s32 $0x60400, s0;
	s13 =	sadd.s32 $0x3C000, s0  }
0x24: {  	s14 =	sadd.s32 $0x48800, s0;
	s15 =	sadd.s32 $0x55000, s0;
	[dreg:$0x1d] =	wrdreg s21  }
0x25: {  	s16 =	sadd.s32 $0x61800, s0;
	s17 =	sadd.s32 $0x3D400, s0;
	[dreg:$0x1e] =	wrdreg s23  }
0x26: {  	s18 =	sadd.s32 $0x49C00, s0;
	s19 =	sadd.s32 $0x56400, s0;
	[dreg:$0x1f] =	wrdreg s24  }
0x27: {  	s20 =	sadd.s32 $0x62C00, s0;
	s0 =	smul.u32 $0x6400, s22;
	[smem:$0x7FC] =	sst s25  }
0x28: {  	[smem:$0x7FD] =	sst s26;
	s21 =	smax.u32 s1, $0x1;
	s23 =	smul.u32 $0x190, s22  }
0x29: {  	s24 =	simm.s32 $0x4;
	s25 =	simm.s32 $0xDC00;
	s26 =	simm.s32 $0x3C00  }
.LBB2_1:
0x2a: {  	s1 =	rddreg [dreg:$0x0]  }
0x2b: {  	[tilespmem:s5], [sflag:$0x4] =	stream.linear.gather [hbm4b:s1+s5], $0x1900, $0x38;
	[tilespmem:$0x1E000] =	vst v63  }
0x2c: {  	_ =	swait.ge [sflag:s24], $0x1900  }
0x2d: {  	[sflag:s24] =	ssyncset.done $0x0  }
0x2e: {  	[sflag:s24] =	ssyncadd.s32 $0xFFFFE700  }
0x2f: {  	s3 =	simm.s32 $0x1C00;
	s22 =	rddreg [dreg:$0x1]  }
0x30: {  	[tilespmem:s3], [sflag:$0x4] =	stream.linear.gather [hbm4b:s22+s5], $0x2000, $0x38;
	[tilespmem:$0x1E000] =	vst v63  }
0x31: {  	_ =	swait.ge [sflag:s24], $0x2000  }
0x32: {  	s3 =	sadd.s32 $0x0, s23;
	[sflag:s24] =	ssyncset.done $0x0  }
0x33: {  	s4 =	sand.u32 $0x3F80, s3;
	[sflag:s24] =	ssyncadd.s32 $0xFFFFE000  }
0x34: {  	v0 =	vld [tilespmem:s4+$0x0];
	_ =	sdelay $0x3  }
0x35: {  	s1 =	simm.s32 $0xDC40  }
0x36: {  	[tilespmem:s1+$0xFFFFFFC0] =	vst v0  }
0x37: {  	v0 =	vld [tilespmem:s4+$0x10];
	_ =	sdelay $0x4  }
0x38: {  	[tilespmem:s1+$0xFFFFFFD0] =	vst v0  }
0x39: {  	v0 =	vld [tilespmem:s4+$0x20];
	_ =	sdelay $0x4  }
0x3a: {  	[tilespmem:s1+$0xFFFFFFE0] =	vst v0  }
0x3b: {  	v0 =	vld [tilespmem:s4+$0x30];
	_ =	sdelay $0x4  }
0x3c: {  	s22 =	sand.u32 $0x1F80, s0;
	[tilespmem:s1+$0xFFFFFFF0] =	vst v0  }
0x3d: {  	v0 =	vld [tilespmem:s22+$0x1C00];
	_ =	sdelay $0x4  }
0x3e: {  	[tilespmem:s1+$0x0] =	vst v0  }
0x3f: {  	v0 =	vld [tilespmem:s22+$0x1C10];
	_ =	sdelay $0x4  }
0x40: {  	[tilespmem:s1+$0x10] =	vst v0  }
0x41: {  	v0 =	vld [tilespmem:s22+$0x1C20];
	_ =	sdelay $0x4  }
0x42: {  	[tilespmem:s1+$0x20] =	vst v0  }
0x43: {  	v0 =	vld [tilespmem:s22+$0x1C30];
	_ =	sdelay $0x3  }
0x44: {  	s3 =	simm.s32 $0x4;
	s4 =	sadd.s32 $0x2, s23;
	s22 =	smov.u32 s0  }
.LBB2_2:
0x45: {  	p0 =	sne.s32 s3, $0x18E;
	s4 =	sand.u32 $0x3F80, s4;
	[tilespmem:s1+$0x30] =	vst v0  }
0x46: {  	v0 =	vld [tilespmem:s4+$0x0];
	_ =	sdelay $0x3  }
0x47: {  	s1 =	sadd.s32 $0x80, s1  }
0x48: {  	[tilespmem:s1+$0xFFFFFFC0] =	vst v0  }
0x49: {  	v0 =	vld [tilespmem:s4+$0x10];
	_ =	sdelay $0x4  }
0x4a: {  	[tilespmem:s1+$0xFFFFFFD0] =	vst v0  }
0x4b: {  	v0 =	vld [tilespmem:s4+$0x20];
	_ =	sdelay $0x4  }
0x4c: {  	[tilespmem:s1+$0xFFFFFFE0] =	vst v0  }
0x4d: {  	v0 =	vld [tilespmem:s4+$0x30];
	_ =	sdelay $0x3  }
0x4e: {  	s22 =	sadd.s32 $0x80, s22  }
0x4f: {  	s4 =	sand.u32 $0x1F80, s22;
	[tilespmem:s1+$0xFFFFFFF0] =	vst v0  }
0x50: {  	v0 =	vld [tilespmem:s4+$0x1C00];
	_ =	sdelay $0x4  }
0x51: {  	[tilespmem:s1+$0x0] =	vst v0  }
0x52: {  	v0 =	vld [tilespmem:s4+$0x1C10];
	_ =	sdelay $0x4  }
0x53: {  	[tilespmem:s1+$0x10] =	vst v0  }
0x54: {  	v0 =	vld [tilespmem:s4+$0x1C20];
	_ =	sdelay $0x4  }
0x55: {  	[tilespmem:s1+$0x20] =	vst v0  }
.Ltmp0:
0x56: {  	v0 =	vld [tilespmem:s4+$0x1C30];
	(pc) =	sbr.rel @p0 .LBB2_2-.Ltmp0, $2  }
0x57: {  	_ =	sdelay $0x2  }
0x58: {  	s4 =	sadd.s32 s3, s23;
	s3 =	sadd.s32 $0x2, s3  }
0x59: {  	s3 =	sand.u32 $0x3F80, s4;
	[tilespmem:s1+$0x30] =	vst v0  }
0x5a: {  	v0 =	vld [tilespmem:s3+$0x0];
	_ =	sdelay $0x3  }
0x5b: {  	s1 =	sadd.s32 $0x80, s1  }
0x5c: {  	[tilespmem:s1+$0xFFFFFFC0] =	vst v0  }
0x5d: {  	v0 =	vld [tilespmem:s3+$0x10];
	_ =	sdelay $0x4  }
0x5e: {  	[tilespmem:s1+$0xFFFFFFD0] =	vst v0  }
0x5f: {  	v0 =	vld [tilespmem:s3+$0x20];
	_ =	sdelay $0x4  }
0x60: {  	[tilespmem:s1+$0xFFFFFFE0] =	vst v0  }
0x61: {  	v0 =	vld [tilespmem:s3+$0x30];
	_ =	sdelay $0x3  }
0x62: {  	s4 =	sadd.s32 $0x80, s22  }
0x63: {  	s3 =	sand.u32 $0x1F80, s4;
	[tilespmem:s1+$0xFFFFFFF0] =	vst v0  }
0x64: {  	v0 =	vld [tilespmem:s3+$0x1C00];
	_ =	sdelay $0x4  }
0x65: {  	[tilespmem:s1+$0x0] =	vst v0  }
0x66: {  	v0 =	vld [tilespmem:s3+$0x1C10];
	_ =	sdelay $0x4  }
0x67: {  	[tilespmem:s1+$0x10] =	vst v0  }
0x68: {  	v0 =	vld [tilespmem:s3+$0x1C20];
	_ =	sdelay $0x4  }
0x69: {  	[tilespmem:s1+$0x20] =	vst v0  }
0x6a: {  	v0 =	vld [tilespmem:s3+$0x1C30];
	_ =	sdelay $0x4  }
0x6b: {  	s22 =	rddreg [dreg:$0x5];
	[tilespmem:s1+$0x30] =	vst v0  }
0x6c: {  	[spmem:s22] =	stream.linear.scatter [tilespmem:s25], [sflag:$0x4], $0x6400, $0x38;
	[tilespmem:$0x1E000] =	vst v63  }
0x6d: {  	_ =	swait.ge [sflag:s24], $0x6400  }
0x6e: {  	[sflag:s24] =	ssyncset.done $0x0  }
0x6f: {  	[sflag:s24] =	ssyncadd.s32 $0xFFFF9C00  }
0x70: {  	s3 =	stileid.u32;
	[bflag:$0x0] =	sbarrier.arrive $0xFFFF  }
0x71: {  	s1 =	sshll.u32 s3, $0x6;
	s4 =	rddreg [dreg:$0x3]  }
0x72: {  	s1 =	sor.u32 $0x1C03, s1;
	s22 =	rddreg [dreg:$0x6];
	s3 =	sshrl.u32 s4, $0x3  }
0x73: {  	[hbm:s22], [sflag:s1] =	dma.local [spmem:s3], $0xC800  }
0x74: {  	s4 =	rddreg [dreg:$0x7]  }
0x75: {  	[hbm:s4], [sflag:s1] =	dma.local [spmem:s3], $0xC800  }
0x76: {  	s4 =	rddreg [dreg:$0x8]  }
0x77: {  	[hbm:s4], [sflag:s1] =	dma.local [spmem:s3], $0xC800  }
0x78: {  	s4 =	rddreg [dreg:$0x9]  }
0x79: {  	[hbm:s4], [sflag:s1] =	dma.local [spmem:s3], $0xC800  }
0x7a: {  	s3 =	simm.s32 $0x0  }
0x7b: {  	s4 =	sand.u32 $0x1F80, s3  }
0x7c: {  	v63 =	vld [tilespmem:s4+$0x1C00];
	_ =	sdelay $0x3  }
0x7d: {  	s1 =	simm.s32 $0x3C70  }
0x7e: {  	[tilespmem:s1+$0xFFFFFFD0] =	vst v63  }
0x7f: {  	v0 =	vld [tilespmem:s4+$0x1C10];
	_ =	sdelay $0x4  }
0x80: {  	[tilespmem:s1+$0xFFFFFFE0] =	vst v0  }
0x81: {  	v0 =	vld [tilespmem:s4+$0x1C20];
	_ =	sdelay $0x4  }
0x82: {  	[tilespmem:s1+$0xFFFFFFF0] =	vst v0  }
0x83: {  	v0 =	vld [tilespmem:s4+$0x1C30];
	_ =	sdelay $0x3  }
0x84: {  	s22 =	simm.s32 $0x80  }
0x85: {  	s3 =	sand.u32 $0x1F80, s22;
	s22 =	simm.s32 $0x100;
	[tilespmem:s1+$0x0] =	vst v0  }
.LBB2_4:
0x86: {  	p0 =	sne.s32 s22, $0x9F80;
	v0 =	vld [tilespmem:s3+$0x1C00];
	_ =	sdelay $0x3  }
0x87: {  	s1 =	sadd.s32 $0x80, s1  }
0x88: {  	[tilespmem:s1+$0xFFFFFFD0] =	vst v0  }
0x89: {  	v0 =	vld [tilespmem:s3+$0x1C10];
	_ =	sdelay $0x4  }
0x8a: {  	[tilespmem:s1+$0xFFFFFFE0] =	vst v0  }
0x8b: {  	v0 =	vld [tilespmem:s3+$0x1C20];
	_ =	sdelay $0x4  }
0x8c: {  	[tilespmem:s1+$0xFFFFFFF0] =	vst v0  }
0x8d: {  	v0 =	vld [tilespmem:s3+$0x1C30]  }
.Ltmp1:
0x8e: {  	(pc) =	sbr.rel @p0 .LBB2_4-.Ltmp1, $2  }
0x8f: {  	_ =	sdelay $0x2  }
0x90: {  	s3 =	sand.u32 $0x1F80, s22;
	s22 =	sadd.s32 $0x80, s22;
	[tilespmem:s1+$0x0] =	vst v0  }
0x91: {  	v0 =	vld [tilespmem:s3+$0x1C00];
	_ =	sdelay $0x3  }
0x92: {  	s1 =	sadd.s32 $0x80, s1  }
0x93: {  	[tilespmem:s1+$0xFFFFFFD0] =	vst v0  }
0x94: {  	v0 =	vld [tilespmem:s3+$0x1C10];
	_ =	sdelay $0x4  }
0x95: {  	[tilespmem:s1+$0xFFFFFFE0] =	vst v0  }
0x96: {  	v0 =	vld [tilespmem:s3+$0x1C20];
	_ =	sdelay $0x4  }
0x97: {  	[tilespmem:s1+$0xFFFFFFF0] =	vst v0  }
0x98: {  	v0 =	vld [tilespmem:s3+$0x1C30];
	_ =	sdelay $0x4  }
0x99: {  	[tilespmem:s1+$0x0] =	vst v0  }
0x9a: {  	v3 =	vld [tilespmem:$0x30]  }
0x9b: {  	v2 =	vld [tilespmem:$0x20]  }
0x9c: {  	v0 =	vld [tilespmem:$0x0]  }
0x9d: {  	v1 =	vld [tilespmem:$0x10]  }
0x9e: {  	s3 =	simm.s32 $0x200;
	s1 =	simm.s32 $0x0  }
.LBB2_6:
0x9f: {  	p0 =	sne.s32 s3, $0x7E00;
	[tilespmem:s1+$0x3C30] =	vst v3;
	s4 =	smov.u32 s3;
	s3 =	sadd.s32 $0x200, s3  }
.Ltmp2:
0xa0: {  	[tilespmem:s1+$0x3C20] =	vst v2;
	(pc) =	sbr.rel @p0 .LBB2_6-.Ltmp2, $3  }
0xa1: {  	[tilespmem:s1+$0x3C00] =	vst v0  }
0xa2: {  	[tilespmem:s1+$0x3C10] =	vst v1;
	_ =	sdelay $0x1  }
0xa3: {  	s1 =	sshra.s32 s4, $0x2  }
0xa4: {  	[tilespmem:s1+$0x3C30] =	vst v3  }
0xa5: {  	[tilespmem:s1+$0x3C20] =	vst v2  }
0xa6: {  	[tilespmem:s1+$0x3C00] =	vst v0  }
0xa7: {  	[tilespmem:s1+$0x3C10] =	vst v1  }
0xa8: {  	v3 =	vld [tilespmem:$0xB0]  }
0xa9: {  	v2 =	vld [tilespmem:$0xA0]  }
0xaa: {  	v0 =	vld [tilespmem:$0x80]  }
0xab: {  	v1 =	vld [tilespmem:$0x90]  }
0xac: {  	s3 =	simm.s32 $0x200;
	s1 =	simm.s32 $0x0  }
.LBB2_8:
0xad: {  	p0 =	sne.s32 s3, $0x7E00;
	[tilespmem:s1+$0x5C30] =	vst v3;
	s4 =	smov.u32 s3;
	s3 =	sadd.s32 $0x200, s3  }
.Ltmp3:
0xae: {  	[tilespmem:s1+$0x5C20] =	vst v2;
	(pc) =	sbr.rel @p0 .LBB2_8-.Ltmp3, $3  }
0xaf: {  	[tilespmem:s1+$0x5C00] =	vst v0  }
0xb0: {  	[tilespmem:s1+$0x5C10] =	vst v1;
	_ =	sdelay $0x1  }
0xb1: {  	s1 =	sshra.s32 s4, $0x2  }
0xb2: {  	[tilespmem:s1+$0x5C30] =	vst v3  }
0xb3: {  	[tilespmem:s1+$0x5C20] =	vst v2  }
0xb4: {  	[tilespmem:s1+$0x5C00] =	vst v0  }
0xb5: {  	[tilespmem:s1+$0x5C10] =	vst v1  }
0xb6: {  	v3 =	vld [tilespmem:$0x130]  }
0xb7: {  	v2 =	vld [tilespmem:$0x120]  }
0xb8: {  	v0 =	vld [tilespmem:$0x100]  }
0xb9: {  	v1 =	vld [tilespmem:$0x110]  }
0xba: {  	s3 =	simm.s32 $0x200;
	s1 =	simm.s32 $0x0  }
.LBB2_10:
0xbb: {  	p0 =	sne.s32 s3, $0x7E00;
	[tilespmem:s1+$0x7C30] =	vst v3;
	s4 =	smov.u32 s3;
	s3 =	sadd.s32 $0x200, s3  }
.Ltmp4:
0xbc: {  	[tilespmem:s1+$0x7C20] =	vst v2;
	(pc) =	sbr.rel @p0 .LBB2_10-.Ltmp4, $3  }
0xbd: {  	[tilespmem:s1+$0x7C00] =	vst v0  }
0xbe: {  	[tilespmem:s1+$0x7C10] =	vst v1;
	_ =	sdelay $0x1  }
0xbf: {  	s1 =	sshra.s32 s4, $0x2  }
0xc0: {  	[tilespmem:s1+$0x7C30] =	vst v3  }
0xc1: {  	[tilespmem:s1+$0x7C20] =	vst v2  }
0xc2: {  	[tilespmem:s1+$0x7C00] =	vst v0  }
0xc3: {  	[tilespmem:s1+$0x7C10] =	vst v1  }
0xc4: {  	v3 =	vld [tilespmem:$0x1B0]  }
0xc5: {  	v2 =	vld [tilespmem:$0x1A0]  }
0xc6: {  	v0 =	vld [tilespmem:$0x180]  }
0xc7: {  	v1 =	vld [tilespmem:$0x190]  }
0xc8: {  	s3 =	simm.s32 $0x200;
	s1 =	simm.s32 $0x0  }
.LBB2_12:
0xc9: {  	p0 =	sne.s32 s3, $0x7E00;
	[tilespmem:s1+$0x9C30] =	vst v3;
	s4 =	smov.u32 s3;
	s3 =	sadd.s32 $0x200, s3  }
.Ltmp5:
0xca: {  	[tilespmem:s1+$0x9C20] =	vst v2;
	(pc) =	sbr.rel @p0 .LBB2_12-.Ltmp5, $3  }
0xcb: {  	[tilespmem:s1+$0x9C00] =	vst v0  }
0xcc: {  	[tilespmem:s1+$0x9C10] =	vst v1;
	_ =	sdelay $0x1  }
0xcd: {  	s1 =	sshra.s32 s4, $0x2  }
0xce: {  	[tilespmem:s1+$0x9C30] =	vst v3  }
0xcf: {  	[tilespmem:s1+$0x9C20] =	vst v2  }
0xd0: {  	[tilespmem:s1+$0x9C00] =	vst v0  }
0xd1: {  	[tilespmem:s1+$0x9C10] =	vst v1  }
0xd2: {  	v3 =	vld [tilespmem:$0x230]  }
0xd3: {  	v2 =	vld [tilespmem:$0x220]  }
0xd4: {  	v0 =	vld [tilespmem:$0x200]  }
0xd5: {  	v1 =	vld [tilespmem:$0x210]  }
0xd6: {  	s3 =	simm.s32 $0x200;
	s1 =	simm.s32 $0x0  }
.LBB2_14:
0xd7: {  	p0 =	sne.s32 s3, $0x7E00;
	[tilespmem:s1+$0xBC30] =	vst v3;
	s4 =	smov.u32 s3;
	s3 =	sadd.s32 $0x200, s3  }
.Ltmp6:
0xd8: {  	[tilespmem:s1+$0xBC20] =	vst v2;
	(pc) =	sbr.rel @p0 .LBB2_14-.Ltmp6, $3  }
0xd9: {  	[tilespmem:s1+$0xBC00] =	vst v0  }
0xda: {  	[tilespmem:s1+$0xBC10] =	vst v1;
	_ =	sdelay $0x1  }
0xdb: {  	s1 =	sshra.s32 s4, $0x2  }
0xdc: {  	[tilespmem:s1+$0xBC30] =	vst v3  }
0xdd: {  	[tilespmem:s1+$0xBC20] =	vst v2  }
0xde: {  	[tilespmem:s1+$0xBC00] =	vst v0  }
0xdf: {  	[tilespmem:s1+$0xBC10] =	vst v1;
	s1 =	simm.s32 $0x0;
	s3 =	rddreg [dreg:$0xa]  }
0xe0: {  	[hbm4b:s3+s1] =	stream.linear.scatter [tilespmem:s26], [sflag:$0x1], $0xA000, $0x38;
	[tilespmem:$0x1E000] =	vst v63  }
0xe1: {  	s22 =	rddreg [dreg:$0xb]  }
0xe2: {  	[hbm4b:s22+s1] =	stream.linear.scatter [tilespmem:s26], [sflag:$0x1], $0xA000, $0x38;
	[tilespmem:$0x1E000] =	vst v63  }
0xe3: {  	s4 =	rddreg [dreg:$0xc]  }
0xe4: {  	[hbm4b:s4+s1] =	stream.linear.scatter [tilespmem:s26], [sflag:$0x1], $0xA000, $0x38;
	[tilespmem:$0x1E000] =	vst v63  }
0xe5: {  	s22 =	rddreg [dreg:$0xd];
	s4 =	sand.u32 $0x1F80, s1  }
0xe6: {  	[hbm4b:s22+s1] =	stream.linear.scatter [tilespmem:s26], [sflag:$0x1], $0xA000, $0x38;
	[tilespmem:$0x1E000] =	vst v63  }
0xe7: {  	v0 =	vld [tilespmem:s4+$0x1C00];
	_ =	sdelay $0x3  }
0xe8: {  	s1 =	simm.s32 $0xDC70  }
0xe9: {  	[tilespmem:s1+$0xFFFFFFD0] =	vst v0  }
0xea: {  	v0 =	vld [tilespmem:s4+$0x1C10];
	_ =	sdelay $0x4  }
0xeb: {  	[tilespmem:s1+$0xFFFFFFE0] =	vst v0  }
0xec: {  	v0 =	vld [tilespmem:s4+$0x1C20];
	_ =	sdelay $0x4  }
0xed: {  	[tilespmem:s1+$0xFFFFFFF0] =	vst v0  }
0xee: {  	v0 =	vld [tilespmem:s4+$0x1C30];
	_ =	sdelay $0x3  }
0xef: {  	s22 =	simm.s32 $0x80  }
0xf0: {  	s3 =	sand.u32 $0x1F80, s22;
	s22 =	simm.s32 $0x100;
	[tilespmem:s1+$0x0] =	vst v0  }
.LBB2_16:
0xf1: {  	p0 =	sne.s32 s22, $0x9F80;
	v0 =	vld [tilespmem:s3+$0x1C00];
	_ =	sdelay $0x3  }
0xf2: {  	s1 =	sadd.s32 $0x80, s1  }
0xf3: {  	[tilespmem:s1+$0xFFFFFFD0] =	vst v0  }
0xf4: {  	v0 =	vld [tilespmem:s3+$0x1C10];
	_ =	sdelay $0x4  }
0xf5: {  	[tilespmem:s1+$0xFFFFFFE0] =	vst v0  }
0xf6: {  	v0 =	vld [tilespmem:s3+$0x1C20];
	_ =	sdelay $0x4  }
0xf7: {  	[tilespmem:s1+$0xFFFFFFF0] =	vst v0  }
0xf8: {  	v0 =	vld [tilespmem:s3+$0x1C30]  }
.Ltmp7:
0xf9: {  	(pc) =	sbr.rel @p0 .LBB2_16-.Ltmp7, $2  }
0xfa: {  	_ =	sdelay $0x2  }
0xfb: {  	s3 =	sand.u32 $0x1F80, s22;
	s22 =	sadd.s32 $0x80, s22;
	[tilespmem:s1+$0x0] =	vst v0  }
0xfc: {  	v0 =	vld [tilespmem:s3+$0x1C00];
	_ =	sdelay $0x3  }
0xfd: {  	s1 =	sadd.s32 $0x80, s1  }
0xfe: {  	[tilespmem:s1+$0xFFFFFFD0] =	vst v0  }
0xff: {  	v0 =	vld [tilespmem:s3+$0x1C10];
	_ =	sdelay $0x4  }
0x100: {  	[tilespmem:s1+$0xFFFFFFE0] =	vst v0  }
0x101: {  	v0 =	vld [tilespmem:s3+$0x1C20];
	_ =	sdelay $0x4  }
0x102: {  	[tilespmem:s1+$0xFFFFFFF0] =	vst v0  }
0x103: {  	v0 =	vld [tilespmem:s3+$0x1C30];
	_ =	sdelay $0x4  }
0x104: {  	[tilespmem:s1+$0x0] =	vst v0  }
0x105: {  	v3 =	vld [tilespmem:$0x2B0]  }
0x106: {  	v2 =	vld [tilespmem:$0x2A0]  }
0x107: {  	v0 =	vld [tilespmem:$0x280]  }
0x108: {  	v1 =	vld [tilespmem:$0x290]  }
0x109: {  	s3 =	simm.s32 $0x200;
	s1 =	simm.s32 $0x0  }
.LBB2_18:
0x10a: {  	p0 =	sne.s32 s3, $0x7E00;
	[tilespmem:s1+$0xDC30] =	vst v3;
	s4 =	smov.u32 s3;
	s3 =	sadd.s32 $0x200, s3  }
.Ltmp8:
0x10b: {  	[tilespmem:s1+$0xDC20] =	vst v2;
	(pc) =	sbr.rel @p0 .LBB2_18-.Ltmp8, $3  }
0x10c: {  	[tilespmem:s1+$0xDC00] =	vst v0  }
0x10d: {  	[tilespmem:s1+$0xDC10] =	vst v1;
	_ =	sdelay $0x1  }
0x10e: {  	s1 =	sshra.s32 s4, $0x2  }
0x10f: {  	[tilespmem:s1+$0xDC30] =	vst v3  }
0x110: {  	[tilespmem:s1+$0xDC20] =	vst v2  }
0x111: {  	[tilespmem:s1+$0xDC00] =	vst v0  }
0x112: {  	[tilespmem:s1+$0xDC10] =	vst v1  }
0x113: {  	v3 =	vld [tilespmem:$0x330]  }
0x114: {  	v2 =	vld [tilespmem:$0x320]  }
0x115: {  	v0 =	vld [tilespmem:$0x300]  }
0x116: {  	v1 =	vld [tilespmem:$0x310]  }
0x117: {  	s3 =	simm.s32 $0x200;
	s1 =	simm.s32 $0x0  }
.LBB2_20:
0x118: {  	p0 =	sne.s32 s3, $0x7E00;
	[tilespmem:s1+$0xFC30] =	vst v3;
	s4 =	smov.u32 s3;
	s3 =	sadd.s32 $0x200, s3  }
.Ltmp9:
0x119: {  	[tilespmem:s1+$0xFC20] =	vst v2;
	(pc) =	sbr.rel @p0 .LBB2_20-.Ltmp9, $3  }
0x11a: {  	[tilespmem:s1+$0xFC00] =	vst v0  }
0x11b: {  	[tilespmem:s1+$0xFC10] =	vst v1;
	_ =	sdelay $0x1  }
0x11c: {  	s1 =	sshra.s32 s4, $0x2  }
0x11d: {  	[tilespmem:s1+$0xFC30] =	vst v3  }
0x11e: {  	[tilespmem:s1+$0xFC20] =	vst v2  }
0x11f: {  	[tilespmem:s1+$0xFC00] =	vst v0  }
0x120: {  	[tilespmem:s1+$0xFC10] =	vst v1  }
0x121: {  	v3 =	vld [tilespmem:$0x3B0]  }
0x122: {  	v2 =	vld [tilespmem:$0x3A0]  }
0x123: {  	v0 =	vld [tilespmem:$0x380]  }
0x124: {  	v1 =	vld [tilespmem:$0x390]  }
0x125: {  	s3 =	simm.s32 $0x200;
	s1 =	simm.s32 $0x0  }
.LBB2_22:
0x126: {  	p0 =	sne.s32 s3, $0x7E00;
	[tilespmem:s1+$0x11C30] =	vst v3;
	s4 =	smov.u32 s3;
	s3 =	sadd.s32 $0x200, s3  }
.Ltmp10:
0x127: {  	[tilespmem:s1+$0x11C20] =	vst v2;
	(pc) =	sbr.rel @p0 .LBB2_22-.Ltmp10, $3  }
0x128: {  	[tilespmem:s1+$0x11C00] =	vst v0  }
0x129: {  	[tilespmem:s1+$0x11C10] =	vst v1;
	_ =	sdelay $0x1  }
0x12a: {  	s1 =	sshra.s32 s4, $0x2  }
0x12b: {  	[tilespmem:s1+$0x11C30] =	vst v3  }
0x12c: {  	[tilespmem:s1+$0x11C20] =	vst v2  }
0x12d: {  	[tilespmem:s1+$0x11C00] =	vst v0  }
0x12e: {  	[tilespmem:s1+$0x11C10] =	vst v1  }
0x12f: {  	v3 =	vld [tilespmem:$0x430]  }
0x130: {  	v2 =	vld [tilespmem:$0x420]  }
0x131: {  	v0 =	vld [tilespmem:$0x400]  }
0x132: {  	v1 =	vld [tilespmem:$0x410]  }
0x133: {  	s3 =	simm.s32 $0x200;
	s1 =	simm.s32 $0x0  }
.LBB2_24:
0x134: {  	p0 =	sne.s32 s3, $0x7E00;
	[tilespmem:s1+$0x13C30] =	vst v3;
	s4 =	smov.u32 s3;
	s3 =	sadd.s32 $0x200, s3  }
.Ltmp11:
0x135: {  	[tilespmem:s1+$0x13C20] =	vst v2;
	(pc) =	sbr.rel @p0 .LBB2_24-.Ltmp11, $3  }
0x136: {  	[tilespmem:s1+$0x13C00] =	vst v0  }
0x137: {  	[tilespmem:s1+$0x13C10] =	vst v1;
	_ =	sdelay $0x1  }
0x138: {  	s1 =	sshra.s32 s4, $0x2  }
0x139: {  	[tilespmem:s1+$0x13C30] =	vst v3  }
0x13a: {  	[tilespmem:s1+$0x13C20] =	vst v2  }
0x13b: {  	[tilespmem:s1+$0x13C00] =	vst v0  }
0x13c: {  	[tilespmem:s1+$0x13C10] =	vst v1  }
0x13d: {  	v3 =	vld [tilespmem:$0x4B0]  }
0x13e: {  	v2 =	vld [tilespmem:$0x4A0]  }
0x13f: {  	v0 =	vld [tilespmem:$0x480]  }
0x140: {  	v1 =	vld [tilespmem:$0x490]  }
0x141: {  	s3 =	simm.s32 $0x200;
	s1 =	simm.s32 $0x0  }
.LBB2_26:
0x142: {  	p0 =	sne.s32 s3, $0x7E00;
	[tilespmem:s1+$0x15C30] =	vst v3;
	s4 =	smov.u32 s3;
	s3 =	sadd.s32 $0x200, s3  }
.Ltmp12:
0x143: {  	[tilespmem:s1+$0x15C20] =	vst v2;
	(pc) =	sbr.rel @p0 .LBB2_26-.Ltmp12, $3  }
0x144: {  	[tilespmem:s1+$0x15C00] =	vst v0  }
0x145: {  	[tilespmem:s1+$0x15C10] =	vst v1;
	_ =	sdelay $0x1  }
0x146: {  	s1 =	sshra.s32 s4, $0x2  }
0x147: {  	[tilespmem:s1+$0x15C30] =	vst v3  }
0x148: {  	[tilespmem:s1+$0x15C20] =	vst v2  }
0x149: {  	[tilespmem:s1+$0x15C00] =	vst v0  }
0x14a: {  	[tilespmem:s1+$0x15C10] =	vst v1;
	s1 =	simm.s32 $0x0;
	s3 =	rddreg [dreg:$0xe]  }
0x14b: {  	[hbm4b:s3+s1] =	stream.linear.scatter [tilespmem:s25], [sflag:$0x2], $0xA000, $0x38;
	[tilespmem:$0x1E000] =	vst v63  }
0x14c: {  	s22 =	rddreg [dreg:$0xf]  }
0x14d: {  	[hbm4b:s22+s1] =	stream.linear.scatter [tilespmem:s25], [sflag:$0x2], $0xA000, $0x38;
	[tilespmem:$0x1E000] =	vst v63  }
0x14e: {  	s4 =	rddreg [dreg:$0x10]  }
0x14f: {  	[hbm4b:s4+s1] =	stream.linear.scatter [tilespmem:s25], [sflag:$0x2], $0xA000, $0x38;
	[tilespmem:$0x1E000] =	vst v63  }
0x150: {  	s22 =	rddreg [dreg:$0x11]  }
0x151: {  	[hbm4b:s22+s1] =	stream.linear.scatter [tilespmem:s25], [sflag:$0x2], $0xA000, $0x38;
	[tilespmem:$0x1E000] =	vst v63  }
0x152: {  	_ =	swait.ge [sflag:s28], $0xA000  }
0x153: {  	[sflag:s28] =	ssyncset.done $0x0  }
0x154: {  	[sflag:s28] =	ssyncadd.s32 $0xFFFF6000  }
0x155: {  	_ =	swait.ge [sflag:s28], $0xA000  }
0x156: {  	[sflag:s28] =	ssyncset.done $0x0  }
0x157: {  	[sflag:s28] =	ssyncadd.s32 $0xFFFF6000  }
0x158: {  	_ =	swait.ge [sflag:s28], $0xA000  }
0x159: {  	[sflag:s28] =	ssyncset.done $0x0  }
0x15a: {  	[sflag:s28] =	ssyncadd.s32 $0xFFFF6000  }
0x15b: {  	_ =	swait.ge [sflag:s28], $0xA000  }
0x15c: {  	[sflag:s28] =	ssyncset.done $0x0  }
0x15d: {  	[sflag:s28] =	ssyncadd.s32 $0xFFFF6000  }
0x15e: {  	v3 =	vld [tilespmem:$0x530]  }
0x15f: {  	v2 =	vld [tilespmem:$0x520]  }
0x160: {  	v0 =	vld [tilespmem:$0x500]  }
0x161: {  	v1 =	vld [tilespmem:$0x510]  }
0x162: {  	s3 =	simm.s32 $0x200;
	s1 =	simm.s32 $0x0  }
.LBB2_28:
0x163: {  	p0 =	sne.s32 s3, $0x7E00;
	[tilespmem:s1+$0x3C30] =	vst v3;
	s4 =	smov.u32 s3;
	s3 =	sadd.s32 $0x200, s3  }
.Ltmp13:
0x164: {  	[tilespmem:s1+$0x3C20] =	vst v2;
	(pc) =	sbr.rel @p0 .LBB2_28-.Ltmp13, $3  }
0x165: {  	[tilespmem:s1+$0x3C00] =	vst v0  }
0x166: {  	[tilespmem:s1+$0x3C10] =	vst v1;
	_ =	sdelay $0x1  }
0x167: {  	s1 =	sshra.s32 s4, $0x2  }
0x168: {  	[tilespmem:s1+$0x3C30] =	vst v3  }
0x169: {  	[tilespmem:s1+$0x3C20] =	vst v2  }
0x16a: {  	[tilespmem:s1+$0x3C00] =	vst v0  }
0x16b: {  	[tilespmem:s1+$0x3C10] =	vst v1  }
0x16c: {  	v3 =	vld [tilespmem:$0x5B0]  }
0x16d: {  	v2 =	vld [tilespmem:$0x5A0]  }
0x16e: {  	v0 =	vld [tilespmem:$0x580]  }
0x16f: {  	v1 =	vld [tilespmem:$0x590]  }
0x170: {  	s3 =	simm.s32 $0x200;
	s1 =	simm.s32 $0x0  }
.LBB2_30:
0x171: {  	p0 =	sne.s32 s3, $0x7E00;
	[tilespmem:s1+$0x5C30] =	vst v3;
	s4 =	smov.u32 s3;
	s3 =	sadd.s32 $0x200, s3  }
.Ltmp14:
0x172: {  	[tilespmem:s1+$0x5C20] =	vst v2;
	(pc) =	sbr.rel @p0 .LBB2_30-.Ltmp14, $3  }
0x173: {  	[tilespmem:s1+$0x5C00] =	vst v0  }
0x174: {  	[tilespmem:s1+$0x5C10] =	vst v1;
	_ =	sdelay $0x1  }
0x175: {  	s1 =	sshra.s32 s4, $0x2  }
0x176: {  	[tilespmem:s1+$0x5C30] =	vst v3  }
0x177: {  	[tilespmem:s1+$0x5C20] =	vst v2  }
0x178: {  	[tilespmem:s1+$0x5C00] =	vst v0  }
0x179: {  	[tilespmem:s1+$0x5C10] =	vst v1  }
0x17a: {  	v3 =	vld [tilespmem:$0x630]  }
0x17b: {  	v2 =	vld [tilespmem:$0x620]  }
0x17c: {  	v0 =	vld [tilespmem:$0x600]  }
0x17d: {  	v1 =	vld [tilespmem:$0x610]  }
0x17e: {  	s3 =	simm.s32 $0x200;
	s1 =	simm.s32 $0x0  }
.LBB2_32:
0x17f: {  	p0 =	sne.s32 s3, $0x7E00;
	[tilespmem:s1+$0x7C30] =	vst v3;
	s4 =	smov.u32 s3;
	s3 =	sadd.s32 $0x200, s3  }
.Ltmp15:
0x180: {  	[tilespmem:s1+$0x7C20] =	vst v2;
	(pc) =	sbr.rel @p0 .LBB2_32-.Ltmp15, $3  }
0x181: {  	[tilespmem:s1+$0x7C00] =	vst v0  }
0x182: {  	[tilespmem:s1+$0x7C10] =	vst v1;
	_ =	sdelay $0x1  }
0x183: {  	s1 =	sshra.s32 s4, $0x2  }
0x184: {  	[tilespmem:s1+$0x7C30] =	vst v3  }
0x185: {  	[tilespmem:s1+$0x7C20] =	vst v2  }
0x186: {  	[tilespmem:s1+$0x7C00] =	vst v0  }
0x187: {  	[tilespmem:s1+$0x7C10] =	vst v1  }
0x188: {  	v3 =	vld [tilespmem:$0x6B0]  }
0x189: {  	v2 =	vld [tilespmem:$0x6A0]  }
0x18a: {  	v0 =	vld [tilespmem:$0x680]  }
0x18b: {  	v1 =	vld [tilespmem:$0x690]  }
0x18c: {  	s3 =	simm.s32 $0x200;
	s1 =	simm.s32 $0x0  }
.LBB2_34:
0x18d: {  	p0 =	sne.s32 s3, $0x7E00;
	[tilespmem:s1+$0x9C30] =	vst v3;
	s4 =	smov.u32 s3;
	s3 =	sadd.s32 $0x200, s3  }
.Ltmp16:
0x18e: {  	[tilespmem:s1+$0x9C20] =	vst v2;
	(pc) =	sbr.rel @p0 .LBB2_34-.Ltmp16, $3  }
0x18f: {  	[tilespmem:s1+$0x9C00] =	vst v0  }
0x190: {  	[tilespmem:s1+$0x9C10] =	vst v1;
	_ =	sdelay $0x1  }
0x191: {  	s1 =	sshra.s32 s4, $0x2  }
0x192: {  	[tilespmem:s1+$0x9C30] =	vst v3  }
0x193: {  	[tilespmem:s1+$0x9C20] =	vst v2  }
0x194: {  	[tilespmem:s1+$0x9C00] =	vst v0  }
0x195: {  	[tilespmem:s1+$0x9C10] =	vst v1  }
0x196: {  	v3 =	vld [tilespmem:$0x730]  }
0x197: {  	v2 =	vld [tilespmem:$0x720]  }
0x198: {  	v0 =	vld [tilespmem:$0x700]  }
0x199: {  	v1 =	vld [tilespmem:$0x710]  }
0x19a: {  	s3 =	simm.s32 $0x200;
	s1 =	simm.s32 $0x0  }
.LBB2_36:
0x19b: {  	p0 =	sne.s32 s3, $0x7E00;
	[tilespmem:s1+$0xBC30] =	vst v3;
	s4 =	smov.u32 s3;
	s3 =	sadd.s32 $0x200, s3  }
.Ltmp17:
0x19c: {  	[tilespmem:s1+$0xBC20] =	vst v2;
	(pc) =	sbr.rel @p0 .LBB2_36-.Ltmp17, $3  }
0x19d: {  	[tilespmem:s1+$0xBC00] =	vst v0  }
0x19e: {  	[tilespmem:s1+$0xBC10] =	vst v1;
	_ =	sdelay $0x1  }
0x19f: {  	s1 =	sshra.s32 s4, $0x2  }
0x1a0: {  	[tilespmem:s1+$0xBC30] =	vst v3  }
0x1a1: {  	[tilespmem:s1+$0xBC20] =	vst v2  }
0x1a2: {  	[tilespmem:s1+$0xBC00] =	vst v0  }
0x1a3: {  	[tilespmem:s1+$0xBC10] =	vst v1;
	s1 =	simm.s32 $0x0;
	s3 =	rddreg [dreg:$0x12]  }
0x1a4: {  	[hbm4b:s3+s1] =	stream.linear.scatter [tilespmem:s26], [sflag:$0x1], $0xA000, $0x38;
	[tilespmem:$0x1E000] =	vst v63  }
0x1a5: {  	s22 =	rddreg [dreg:$0x13]  }
0x1a6: {  	[hbm4b:s22+s1] =	stream.linear.scatter [tilespmem:s26], [sflag:$0x1], $0xA000, $0x38;
	[tilespmem:$0x1E000] =	vst v63  }
0x1a7: {  	s4 =	rddreg [dreg:$0x14]  }
0x1a8: {  	[hbm4b:s4+s1] =	stream.linear.scatter [tilespmem:s26], [sflag:$0x1], $0xA000, $0x38;
	[tilespmem:$0x1E000] =	vst v63  }
0x1a9: {  	s22 =	rddreg [dreg:$0x15]  }
0x1aa: {  	[hbm4b:s22+s1] =	stream.linear.scatter [tilespmem:s26], [sflag:$0x1], $0xA000, $0x38;
	[tilespmem:$0x1E000] =	vst v63  }
0x1ab: {  	_ =	swait.ge [sflag:s29], $0xA000  }
0x1ac: {  	[sflag:s29] =	ssyncset.done $0x0  }
0x1ad: {  	[sflag:s29] =	ssyncadd.s32 $0xFFFF6000  }
0x1ae: {  	_ =	swait.ge [sflag:s29], $0xA000  }
0x1af: {  	[sflag:s29] =	ssyncset.done $0x0  }
0x1b0: {  	[sflag:s29] =	ssyncadd.s32 $0xFFFF6000  }
0x1b1: {  	_ =	swait.ge [sflag:s29], $0xA000  }
0x1b2: {  	[sflag:s29] =	ssyncset.done $0x0  }
0x1b3: {  	[sflag:s29] =	ssyncadd.s32 $0xFFFF6000  }
0x1b4: {  	_ =	swait.ge [sflag:s29], $0xA000  }
0x1b5: {  	[sflag:s29] =	ssyncset.done $0x0  }
0x1b6: {  	[sflag:s29] =	ssyncadd.s32 $0xFFFF6000  }
0x1b7: {  	v3 =	vld [tilespmem:$0x7B0]  }
0x1b8: {  	v2 =	vld [tilespmem:$0x7A0]  }
0x1b9: {  	v0 =	vld [tilespmem:$0x780]  }
0x1ba: {  	v1 =	vld [tilespmem:$0x790]  }
0x1bb: {  	s3 =	simm.s32 $0x200;
	s1 =	simm.s32 $0x0  }
.LBB2_38:
0x1bc: {  	p0 =	sne.s32 s3, $0x7E00;
	[tilespmem:s1+$0xDC30] =	vst v3;
	s4 =	smov.u32 s3;
	s3 =	sadd.s32 $0x200, s3  }
.Ltmp18:
0x1bd: {  	[tilespmem:s1+$0xDC20] =	vst v2;
	(pc) =	sbr.rel @p0 .LBB2_38-.Ltmp18, $3  }
0x1be: {  	[tilespmem:s1+$0xDC00] =	vst v0  }
0x1bf: {  	[tilespmem:s1+$0xDC10] =	vst v1;
	_ =	sdelay $0x1  }
0x1c0: {  	s1 =	sshra.s32 s4, $0x2  }
0x1c1: {  	[tilespmem:s1+$0xDC30] =	vst v3  }
0x1c2: {  	[tilespmem:s1+$0xDC20] =	vst v2  }
0x1c3: {  	[tilespmem:s1+$0xDC00] =	vst v0  }
0x1c4: {  	[tilespmem:s1+$0xDC10] =	vst v1  }
0x1c5: {  	v3 =	vld [tilespmem:$0x830]  }
0x1c6: {  	v2 =	vld [tilespmem:$0x820]  }
0x1c7: {  	v0 =	vld [tilespmem:$0x800]  }
0x1c8: {  	v1 =	vld [tilespmem:$0x810]  }
0x1c9: {  	s3 =	simm.s32 $0x200;
	s1 =	simm.s32 $0x0  }
.LBB2_40:
0x1ca: {  	p0 =	sne.s32 s3, $0x7E00;
	[tilespmem:s1+$0xFC30] =	vst v3;
	s4 =	smov.u32 s3;
	s3 =	sadd.s32 $0x200, s3  }
.Ltmp19:
0x1cb: {  	[tilespmem:s1+$0xFC20] =	vst v2;
	(pc) =	sbr.rel @p0 .LBB2_40-.Ltmp19, $3  }
0x1cc: {  	[tilespmem:s1+$0xFC00] =	vst v0  }
0x1cd: {  	[tilespmem:s1+$0xFC10] =	vst v1;
	_ =	sdelay $0x1  }
0x1ce: {  	s1 =	sshra.s32 s4, $0x2  }
0x1cf: {  	[tilespmem:s1+$0xFC30] =	vst v3  }
0x1d0: {  	[tilespmem:s1+$0xFC20] =	vst v2  }
0x1d1: {  	[tilespmem:s1+$0xFC00] =	vst v0  }
0x1d2: {  	[tilespmem:s1+$0xFC10] =	vst v1  }
0x1d3: {  	v3 =	vld [tilespmem:$0x8B0]  }
0x1d4: {  	v2 =	vld [tilespmem:$0x8A0]  }
0x1d5: {  	v0 =	vld [tilespmem:$0x880]  }
0x1d6: {  	v1 =	vld [tilespmem:$0x890]  }
0x1d7: {  	s3 =	simm.s32 $0x200;
	s1 =	simm.s32 $0x0  }
.LBB2_42:
0x1d8: {  	p0 =	sne.s32 s3, $0x7E00;
	[tilespmem:s1+$0x11C30] =	vst v3;
	s4 =	smov.u32 s3;
	s3 =	sadd.s32 $0x200, s3  }
.Ltmp20:
0x1d9: {  	[tilespmem:s1+$0x11C20] =	vst v2;
	(pc) =	sbr.rel @p0 .LBB2_42-.Ltmp20, $3  }
0x1da: {  	[tilespmem:s1+$0x11C00] =	vst v0  }
0x1db: {  	[tilespmem:s1+$0x11C10] =	vst v1;
	_ =	sdelay $0x1  }
0x1dc: {  	s1 =	sshra.s32 s4, $0x2  }
0x1dd: {  	[tilespmem:s1+$0x11C30] =	vst v3  }
0x1de: {  	[tilespmem:s1+$0x11C20] =	vst v2  }
0x1df: {  	[tilespmem:s1+$0x11C00] =	vst v0  }
0x1e0: {  	[tilespmem:s1+$0x11C10] =	vst v1  }
0x1e1: {  	v3 =	vld [tilespmem:$0x930]  }
0x1e2: {  	v2 =	vld [tilespmem:$0x920]  }
0x1e3: {  	v0 =	vld [tilespmem:$0x900]  }
0x1e4: {  	v1 =	vld [tilespmem:$0x910]  }
0x1e5: {  	s3 =	simm.s32 $0x200;
	s1 =	simm.s32 $0x0  }
.LBB2_44:
0x1e6: {  	p0 =	sne.s32 s3, $0x7E00;
	[tilespmem:s1+$0x13C30] =	vst v3;
	s4 =	smov.u32 s3;
	s3 =	sadd.s32 $0x200, s3  }
.Ltmp21:
0x1e7: {  	[tilespmem:s1+$0x13C20] =	vst v2;
	(pc) =	sbr.rel @p0 .LBB2_44-.Ltmp21, $3  }
0x1e8: {  	[tilespmem:s1+$0x13C00] =	vst v0  }
0x1e9: {  	[tilespmem:s1+$0x13C10] =	vst v1;
	_ =	sdelay $0x1  }
0x1ea: {  	s1 =	sshra.s32 s4, $0x2  }
0x1eb: {  	[tilespmem:s1+$0x13C30] =	vst v3  }
0x1ec: {  	[tilespmem:s1+$0x13C20] =	vst v2  }
0x1ed: {  	[tilespmem:s1+$0x13C00] =	vst v0  }
0x1ee: {  	[tilespmem:s1+$0x13C10] =	vst v1  }
0x1ef: {  	v3 =	vld [tilespmem:$0x9B0]  }
0x1f0: {  	v2 =	vld [tilespmem:$0x9A0]  }
0x1f1: {  	v0 =	vld [tilespmem:$0x980]  }
0x1f2: {  	v1 =	vld [tilespmem:$0x990]  }
0x1f3: {  	s3 =	simm.s32 $0x200;
	s1 =	simm.s32 $0x0  }
.LBB2_46:
0x1f4: {  	p0 =	sne.s32 s3, $0x7E00;
	[tilespmem:s1+$0x15C30] =	vst v3;
	s4 =	smov.u32 s3;
	s3 =	sadd.s32 $0x200, s3  }
.Ltmp22:
0x1f5: {  	[tilespmem:s1+$0x15C20] =	vst v2;
	(pc) =	sbr.rel @p0 .LBB2_46-.Ltmp22, $3  }
0x1f6: {  	[tilespmem:s1+$0x15C00] =	vst v0  }
0x1f7: {  	[tilespmem:s1+$0x15C10] =	vst v1;
	_ =	sdelay $0x1  }
0x1f8: {  	s1 =	sshra.s32 s4, $0x2  }
0x1f9: {  	[tilespmem:s1+$0x15C30] =	vst v3  }
0x1fa: {  	[tilespmem:s1+$0x15C20] =	vst v2  }
0x1fb: {  	[tilespmem:s1+$0x15C00] =	vst v0  }
0x1fc: {  	[tilespmem:s1+$0x15C10] =	vst v1;
	s1 =	simm.s32 $0x0;
	s3 =	rddreg [dreg:$0x16]  }
0x1fd: {  	[hbm4b:s3+s1] =	stream.linear.scatter [tilespmem:s25], [sflag:$0x2], $0xA000, $0x38;
	[tilespmem:$0x1E000] =	vst v63  }
0x1fe: {  	s22 =	rddreg [dreg:$0x17]  }
0x1ff: {  	[hbm4b:s22+s1] =	stream.linear.scatter [tilespmem:s25], [sflag:$0x2], $0xA000, $0x38;
	[tilespmem:$0x1E000] =	vst v63  }
0x200: {  	s4 =	rddreg [dreg:$0x18]  }
0x201: {  	[hbm4b:s4+s1] =	stream.linear.scatter [tilespmem:s25], [sflag:$0x2], $0xA000, $0x38;
	[tilespmem:$0x1E000] =	vst v63  }
0x202: {  	s22 =	rddreg [dreg:$0x19]  }
0x203: {  	[hbm4b:s22+s1] =	stream.linear.scatter [tilespmem:s25], [sflag:$0x2], $0xA000, $0x38;
	[tilespmem:$0x1E000] =	vst v63  }
0x204: {  	_ =	swait.ge [sflag:s28], $0xA000  }
0x205: {  	[sflag:s28] =	ssyncset.done $0x0  }
0x206: {  	[sflag:s28] =	ssyncadd.s32 $0xFFFF6000  }
0x207: {  	_ =	swait.ge [sflag:s28], $0xA000  }
0x208: {  	[sflag:s28] =	ssyncset.done $0x0  }
0x209: {  	[sflag:s28] =	ssyncadd.s32 $0xFFFF6000  }
0x20a: {  	_ =	swait.ge [sflag:s28], $0xA000  }
0x20b: {  	[sflag:s28] =	ssyncset.done $0x0  }
0x20c: {  	[sflag:s28] =	ssyncadd.s32 $0xFFFF6000  }
0x20d: {  	_ =	swait.ge [sflag:s28], $0xA000  }
0x20e: {  	[sflag:s28] =	ssyncset.done $0x0  }
0x20f: {  	[sflag:s28] =	ssyncadd.s32 $0xFFFF6000  }
0x210: {  	v3 =	vld [tilespmem:$0xA30]  }
0x211: {  	v2 =	vld [tilespmem:$0xA20]  }
0x212: {  	v0 =	vld [tilespmem:$0xA00]  }
0x213: {  	v1 =	vld [tilespmem:$0xA10]  }
0x214: {  	s3 =	simm.s32 $0x200;
	s1 =	simm.s32 $0x0  }
.LBB2_48:
0x215: {  	p0 =	sne.s32 s3, $0x7E00;
	[tilespmem:s1+$0x3C30] =	vst v3;
	s4 =	smov.u32 s3;
	s3 =	sadd.s32 $0x200, s3  }
.Ltmp23:
0x216: {  	[tilespmem:s1+$0x3C20] =	vst v2;
	(pc) =	sbr.rel @p0 .LBB2_48-.Ltmp23, $3  }
0x217: {  	[tilespmem:s1+$0x3C00] =	vst v0  }
0x218: {  	[tilespmem:s1+$0x3C10] =	vst v1;
	_ =	sdelay $0x1  }
0x219: {  	s1 =	sshra.s32 s4, $0x2  }
0x21a: {  	[tilespmem:s1+$0x3C30] =	vst v3  }
0x21b: {  	[tilespmem:s1+$0x3C20] =	vst v2  }
0x21c: {  	[tilespmem:s1+$0x3C00] =	vst v0  }
0x21d: {  	[tilespmem:s1+$0x3C10] =	vst v1  }
0x21e: {  	v3 =	vld [tilespmem:$0xAB0]  }
0x21f: {  	v2 =	vld [tilespmem:$0xAA0]  }
0x220: {  	v0 =	vld [tilespmem:$0xA80]  }
0x221: {  	v1 =	vld [tilespmem:$0xA90]  }
0x222: {  	s3 =	simm.s32 $0x200;
	s1 =	simm.s32 $0x0  }
.LBB2_50:
0x223: {  	p0 =	sne.s32 s3, $0x7E00;
	[tilespmem:s1+$0x5C30] =	vst v3;
	s4 =	smov.u32 s3;
	s3 =	sadd.s32 $0x200, s3  }
.Ltmp24:
0x224: {  	[tilespmem:s1+$0x5C20] =	vst v2;
	(pc) =	sbr.rel @p0 .LBB2_50-.Ltmp24, $3  }
0x225: {  	[tilespmem:s1+$0x5C00] =	vst v0  }
0x226: {  	[tilespmem:s1+$0x5C10] =	vst v1;
	_ =	sdelay $0x1  }
0x227: {  	s1 =	sshra.s32 s4, $0x2  }
0x228: {  	[tilespmem:s1+$0x5C30] =	vst v3  }
0x229: {  	[tilespmem:s1+$0x5C20] =	vst v2  }
0x22a: {  	[tilespmem:s1+$0x5C00] =	vst v0  }
0x22b: {  	[tilespmem:s1+$0x5C10] =	vst v1  }
0x22c: {  	v3 =	vld [tilespmem:$0xB30]  }
0x22d: {  	v2 =	vld [tilespmem:$0xB20]  }
0x22e: {  	v0 =	vld [tilespmem:$0xB00]  }
0x22f: {  	v1 =	vld [tilespmem:$0xB10]  }
0x230: {  	s3 =	simm.s32 $0x200;
	s1 =	simm.s32 $0x0  }
.LBB2_52:
0x231: {  	p0 =	sne.s32 s3, $0x7E00;
	[tilespmem:s1+$0x7C30] =	vst v3;
	s4 =	smov.u32 s3;
	s3 =	sadd.s32 $0x200, s3  }
.Ltmp25:
0x232: {  	[tilespmem:s1+$0x7C20] =	vst v2;
	(pc) =	sbr.rel @p0 .LBB2_52-.Ltmp25, $3  }
0x233: {  	[tilespmem:s1+$0x7C00] =	vst v0  }
0x234: {  	[tilespmem:s1+$0x7C10] =	vst v1;
	_ =	sdelay $0x1  }
0x235: {  	s1 =	sshra.s32 s4, $0x2  }
0x236: {  	[tilespmem:s1+$0x7C30] =	vst v3  }
0x237: {  	[tilespmem:s1+$0x7C20] =	vst v2  }
0x238: {  	[tilespmem:s1+$0x7C00] =	vst v0  }
0x239: {  	[tilespmem:s1+$0x7C10] =	vst v1  }
0x23a: {  	v3 =	vld [tilespmem:$0xBB0]  }
0x23b: {  	v2 =	vld [tilespmem:$0xBA0]  }
0x23c: {  	v0 =	vld [tilespmem:$0xB80]  }
0x23d: {  	v1 =	vld [tilespmem:$0xB90]  }
0x23e: {  	s3 =	simm.s32 $0x200;
	s1 =	simm.s32 $0x0  }
.LBB2_54:
0x23f: {  	p0 =	sne.s32 s3, $0x7E00;
	[tilespmem:s1+$0x9C30] =	vst v3;
	s4 =	smov.u32 s3;
	s3 =	sadd.s32 $0x200, s3  }
.Ltmp26:
0x240: {  	[tilespmem:s1+$0x9C20] =	vst v2;
	(pc) =	sbr.rel @p0 .LBB2_54-.Ltmp26, $3  }
0x241: {  	[tilespmem:s1+$0x9C00] =	vst v0  }
0x242: {  	[tilespmem:s1+$0x9C10] =	vst v1;
	_ =	sdelay $0x1  }
0x243: {  	s1 =	sshra.s32 s4, $0x2  }
0x244: {  	[tilespmem:s1+$0x9C30] =	vst v3  }
0x245: {  	[tilespmem:s1+$0x9C20] =	vst v2  }
0x246: {  	[tilespmem:s1+$0x9C00] =	vst v0  }
0x247: {  	[tilespmem:s1+$0x9C10] =	vst v1  }
0x248: {  	v3 =	vld [tilespmem:$0xC30]  }
0x249: {  	v2 =	vld [tilespmem:$0xC20]  }
0x24a: {  	v0 =	vld [tilespmem:$0xC00]  }
0x24b: {  	v1 =	vld [tilespmem:$0xC10]  }
0x24c: {  	s3 =	simm.s32 $0x200;
	s1 =	simm.s32 $0x0  }
.LBB2_56:
0x24d: {  	p0 =	sne.s32 s3, $0x7E00;
	[tilespmem:s1+$0xBC30] =	vst v3;
	s4 =	smov.u32 s3;
	s3 =	sadd.s32 $0x200, s3  }
.Ltmp27:
0x24e: {  	[tilespmem:s1+$0xBC20] =	vst v2;
	(pc) =	sbr.rel @p0 .LBB2_56-.Ltmp27, $3  }
0x24f: {  	[tilespmem:s1+$0xBC00] =	vst v0  }
0x250: {  	[tilespmem:s1+$0xBC10] =	vst v1;
	_ =	sdelay $0x1  }
0x251: {  	s1 =	sshra.s32 s4, $0x2  }
0x252: {  	[tilespmem:s1+$0xBC30] =	vst v3  }
0x253: {  	[tilespmem:s1+$0xBC20] =	vst v2  }
0x254: {  	[tilespmem:s1+$0xBC00] =	vst v0  }
0x255: {  	[tilespmem:s1+$0xBC10] =	vst v1;
	s1 =	simm.s32 $0x0;
	s3 =	rddreg [dreg:$0x1a]  }
0x256: {  	[hbm4b:s3+s1] =	stream.linear.scatter [tilespmem:s26], [sflag:$0x1], $0xA000, $0x38;
	[tilespmem:$0x1E000] =	vst v63  }
0x257: {  	s22 =	rddreg [dreg:$0x1b]  }
0x258: {  	[hbm4b:s22+s1] =	stream.linear.scatter [tilespmem:s26], [sflag:$0x1], $0xA000, $0x38;
	[tilespmem:$0x1E000] =	vst v63  }
0x259: {  	s4 =	rddreg [dreg:$0x1c]  }
0x25a: {  	[hbm4b:s4+s1] =	stream.linear.scatter [tilespmem:s26], [sflag:$0x1], $0xA000, $0x38;
	[tilespmem:$0x1E000] =	vst v63  }
0x25b: {  	s22 =	rddreg [dreg:$0x1d]  }
0x25c: {  	[hbm4b:s22+s1] =	stream.linear.scatter [tilespmem:s26], [sflag:$0x1], $0xA000, $0x38;
	[tilespmem:$0x1E000] =	vst v63  }
0x25d: {  	_ =	swait.ge [sflag:s29], $0xA000  }
0x25e: {  	[sflag:s29] =	ssyncset.done $0x0  }
0x25f: {  	[sflag:s29] =	ssyncadd.s32 $0xFFFF6000  }
0x260: {  	_ =	swait.ge [sflag:s29], $0xA000  }
0x261: {  	[sflag:s29] =	ssyncset.done $0x0  }
0x262: {  	[sflag:s29] =	ssyncadd.s32 $0xFFFF6000  }
0x263: {  	_ =	swait.ge [sflag:s29], $0xA000  }
0x264: {  	[sflag:s29] =	ssyncset.done $0x0  }
0x265: {  	[sflag:s29] =	ssyncadd.s32 $0xFFFF6000  }
0x266: {  	_ =	swait.ge [sflag:s29], $0xA000  }
0x267: {  	[sflag:s29] =	ssyncset.done $0x0  }
0x268: {  	[sflag:s29] =	ssyncadd.s32 $0xFFFF6000  }
0x269: {  	v3 =	vld [tilespmem:$0xCB0]  }
0x26a: {  	v2 =	vld [tilespmem:$0xCA0]  }
0x26b: {  	v0 =	vld [tilespmem:$0xC80]  }
0x26c: {  	v1 =	vld [tilespmem:$0xC90]  }
0x26d: {  	s3 =	simm.s32 $0x200;
	s1 =	simm.s32 $0x0  }
.LBB2_58:
0x26e: {  	p0 =	sne.s32 s3, $0x7E00;
	[tilespmem:s1+$0xDC30] =	vst v3;
	s4 =	smov.u32 s3;
	s3 =	sadd.s32 $0x200, s3  }
.Ltmp28:
0x26f: {  	[tilespmem:s1+$0xDC20] =	vst v2;
	(pc) =	sbr.rel @p0 .LBB2_58-.Ltmp28, $3  }
0x270: {  	[tilespmem:s1+$0xDC00] =	vst v0  }
0x271: {  	[tilespmem:s1+$0xDC10] =	vst v1;
	_ =	sdelay $0x1  }
0x272: {  	s1 =	sshra.s32 s4, $0x2  }
0x273: {  	[tilespmem:s1+$0xDC30] =	vst v3  }
0x274: {  	[tilespmem:s1+$0xDC20] =	vst v2  }
0x275: {  	[tilespmem:s1+$0xDC00] =	vst v0  }
0x276: {  	[tilespmem:s1+$0xDC10] =	vst v1  }
0x277: {  	v3 =	vld [tilespmem:$0xD30]  }
0x278: {  	v2 =	vld [tilespmem:$0xD20]  }
0x279: {  	v0 =	vld [tilespmem:$0xD00]  }
0x27a: {  	v1 =	vld [tilespmem:$0xD10]  }
0x27b: {  	s3 =	simm.s32 $0x200;
	s1 =	simm.s32 $0x0  }
.LBB2_60:
0x27c: {  	p0 =	sne.s32 s3, $0x7E00;
	[tilespmem:s1+$0xFC30] =	vst v3;
	s4 =	smov.u32 s3;
	s3 =	sadd.s32 $0x200, s3  }
.Ltmp29:
0x27d: {  	[tilespmem:s1+$0xFC20] =	vst v2;
	(pc) =	sbr.rel @p0 .LBB2_60-.Ltmp29, $3  }
0x27e: {  	[tilespmem:s1+$0xFC00] =	vst v0  }
0x27f: {  	[tilespmem:s1+$0xFC10] =	vst v1;
	_ =	sdelay $0x1  }
0x280: {  	s1 =	sshra.s32 s4, $0x2  }
0x281: {  	[tilespmem:s1+$0xFC30] =	vst v3  }
0x282: {  	[tilespmem:s1+$0xFC20] =	vst v2  }
0x283: {  	[tilespmem:s1+$0xFC00] =	vst v0  }
0x284: {  	[tilespmem:s1+$0xFC10] =	vst v1  }
0x285: {  	v3 =	vld [tilespmem:$0xDB0]  }
0x286: {  	v2 =	vld [tilespmem:$0xDA0]  }
0x287: {  	v0 =	vld [tilespmem:$0xD80]  }
0x288: {  	v1 =	vld [tilespmem:$0xD90]  }
0x289: {  	s3 =	simm.s32 $0x200;
	s1 =	simm.s32 $0x0  }
.LBB2_62:
0x28a: {  	p0 =	sne.s32 s3, $0x7E00;
	[tilespmem:s1+$0x11C30] =	vst v3;
	s4 =	smov.u32 s3;
	s3 =	sadd.s32 $0x200, s3  }
.Ltmp30:
0x28b: {  	[tilespmem:s1+$0x11C20] =	vst v2;
	(pc) =	sbr.rel @p0 .LBB2_62-.Ltmp30, $3  }
0x28c: {  	[tilespmem:s1+$0x11C00] =	vst v0  }
0x28d: {  	[tilespmem:s1+$0x11C10] =	vst v1;
	_ =	sdelay $0x1  }
0x28e: {  	s1 =	sshra.s32 s4, $0x2  }
0x28f: {  	[tilespmem:s1+$0x11C30] =	vst v3  }
0x290: {  	[tilespmem:s1+$0x11C20] =	vst v2  }
0x291: {  	[tilespmem:s1+$0x11C00] =	vst v0  }
0x292: {  	[tilespmem:s1+$0x11C10] =	vst v1  }
0x293: {  	v3 =	vld [tilespmem:$0xE30]  }
0x294: {  	v2 =	vld [tilespmem:$0xE20]  }
0x295: {  	v0 =	vld [tilespmem:$0xE00]  }
0x296: {  	v1 =	vld [tilespmem:$0xE10]  }
0x297: {  	s3 =	simm.s32 $0x200;
	s1 =	simm.s32 $0x0  }
.LBB2_64:
0x298: {  	p0 =	sne.s32 s3, $0x7E00;
	[tilespmem:s1+$0x13C30] =	vst v3;
	s4 =	smov.u32 s3;
	s3 =	sadd.s32 $0x200, s3  }
.Ltmp31:
0x299: {  	[tilespmem:s1+$0x13C20] =	vst v2;
	(pc) =	sbr.rel @p0 .LBB2_64-.Ltmp31, $3  }
0x29a: {  	[tilespmem:s1+$0x13C00] =	vst v0  }
0x29b: {  	[tilespmem:s1+$0x13C10] =	vst v1;
	_ =	sdelay $0x1  }
0x29c: {  	s1 =	sshra.s32 s4, $0x2  }
0x29d: {  	[tilespmem:s1+$0x13C30] =	vst v3  }
0x29e: {  	[tilespmem:s1+$0x13C20] =	vst v2  }
0x29f: {  	[tilespmem:s1+$0x13C00] =	vst v0  }
0x2a0: {  	[tilespmem:s1+$0x13C10] =	vst v1  }
0x2a1: {  	v3 =	vld [tilespmem:$0xEB0]  }
0x2a2: {  	v2 =	vld [tilespmem:$0xEA0]  }
0x2a3: {  	v0 =	vld [tilespmem:$0xE80]  }
0x2a4: {  	v1 =	vld [tilespmem:$0xE90]  }
0x2a5: {  	s3 =	simm.s32 $0x200;
	s1 =	simm.s32 $0x0  }
.LBB2_66:
0x2a6: {  	p0 =	sne.s32 s3, $0x7E00;
	[tilespmem:s1+$0x15C30] =	vst v3;
	s4 =	smov.u32 s3;
	s3 =	sadd.s32 $0x200, s3  }
.Ltmp32:
0x2a7: {  	[tilespmem:s1+$0x15C20] =	vst v2;
	(pc) =	sbr.rel @p0 .LBB2_66-.Ltmp32, $3  }
0x2a8: {  	[tilespmem:s1+$0x15C00] =	vst v0  }
0x2a9: {  	[tilespmem:s1+$0x15C10] =	vst v1;
	_ =	sdelay $0x1  }
0x2aa: {  	s1 =	sshra.s32 s4, $0x2  }
0x2ab: {  	[tilespmem:s1+$0x15C30] =	vst v3  }
0x2ac: {  	[tilespmem:s1+$0x15C20] =	vst v2  }
0x2ad: {  	[tilespmem:s1+$0x15C00] =	vst v0;
	s3 =	rddreg [dreg:$0x1e]  }
0x2ae: {  	[tilespmem:s1+$0x15C10] =	vst v1;
	s1 =	simm.s32 $0x0;
	s22 =	rddreg [dreg:$0x1f]  }
0x2af: {  	[hbm4b:s3+s1] =	stream.linear.scatter [tilespmem:s25], [sflag:$0x2], $0xA000, $0x38;
	[tilespmem:$0x1E000] =	vst v63  }
0x2b0: {  	s4 =	sld [smem:$0x7FC]  }
0x2b1: {  	[hbm4b:s22+s1] =	stream.linear.scatter [tilespmem:s25], [sflag:$0x2], $0xA000, $0x38;
	[tilespmem:$0x1E000] =	vst v63  }
0x2b2: {  	s22 =	sld [smem:$0x7FD]  }
0x2b3: {  	[hbm4b:s4+s1] =	stream.linear.scatter [tilespmem:s25], [sflag:$0x2], $0xA000, $0x38;
	[tilespmem:$0x1E000] =	vst v63  }
0x2b4: {  	_ = 	snop  }
0x2b5: {  	[hbm4b:s22+s1] =	stream.linear.scatter [tilespmem:s25], [sflag:$0x2], $0xA000, $0x38;
	[tilespmem:$0x1E000] =	vst v63  }
0x2b6: {  	_ =	swait.ge [sflag:s28], $0xA000  }
0x2b7: {  	[sflag:s28] =	ssyncset.done $0x0  }
0x2b8: {  	[sflag:s28] =	ssyncadd.s32 $0xFFFF6000  }
0x2b9: {  	_ =	swait.ge [sflag:s28], $0xA000  }
0x2ba: {  	[sflag:s28] =	ssyncset.done $0x0  }
0x2bb: {  	[sflag:s28] =	ssyncadd.s32 $0xFFFF6000  }
0x2bc: {  	_ =	swait.ge [sflag:s28], $0xA000  }
0x2bd: {  	[sflag:s28] =	ssyncset.done $0x0  }
0x2be: {  	[sflag:s28] =	ssyncadd.s32 $0xFFFF6000  }
0x2bf: {  	_ =	swait.ge [sflag:s28], $0xA000  }
0x2c0: {  	[sflag:s28] =	ssyncset.done $0x0  }
0x2c1: {  	[sflag:s28] =	ssyncadd.s32 $0xFFFF6000  }
0x2c2: {  	v3 =	vld [tilespmem:$0xF30]  }
0x2c3: {  	v2 =	vld [tilespmem:$0xF20]  }
0x2c4: {  	v0 =	vld [tilespmem:$0xF00]  }
0x2c5: {  	v1 =	vld [tilespmem:$0xF10]  }
0x2c6: {  	s3 =	simm.s32 $0x200;
	s1 =	simm.s32 $0x0  }
.LBB2_68:
0x2c7: {  	p0 =	sne.s32 s3, $0x7E00;
	[tilespmem:s1+$0x3C30] =	vst v3;
	s4 =	smov.u32 s3;
	s3 =	sadd.s32 $0x200, s3  }
.Ltmp33:
0x2c8: {  	[tilespmem:s1+$0x3C20] =	vst v2;
	(pc) =	sbr.rel @p0 .LBB2_68-.Ltmp33, $3  }
0x2c9: {  	[tilespmem:s1+$0x3C00] =	vst v0  }
0x2ca: {  	[tilespmem:s1+$0x3C10] =	vst v1;
	_ =	sdelay $0x1  }
0x2cb: {  	s1 =	sshra.s32 s4, $0x2  }
0x2cc: {  	[tilespmem:s1+$0x3C30] =	vst v3  }
0x2cd: {  	[tilespmem:s1+$0x3C20] =	vst v2  }
0x2ce: {  	[tilespmem:s1+$0x3C00] =	vst v0  }
0x2cf: {  	[tilespmem:s1+$0x3C10] =	vst v1  }
0x2d0: {  	v3 =	vld [tilespmem:$0xFB0]  }
0x2d1: {  	v2 =	vld [tilespmem:$0xFA0]  }
0x2d2: {  	v0 =	vld [tilespmem:$0xF80]  }
0x2d3: {  	v1 =	vld [tilespmem:$0xF90]  }
0x2d4: {  	s3 =	simm.s32 $0x200;
	s1 =	simm.s32 $0x0  }
.LBB2_70:
0x2d5: {  	p0 =	sne.s32 s3, $0x7E00;
	[tilespmem:s1+$0x5C30] =	vst v3;
	s4 =	smov.u32 s3;
	s3 =	sadd.s32 $0x200, s3  }
.Ltmp34:
0x2d6: {  	[tilespmem:s1+$0x5C20] =	vst v2;
	(pc) =	sbr.rel @p0 .LBB2_70-.Ltmp34, $3  }
0x2d7: {  	[tilespmem:s1+$0x5C00] =	vst v0  }
0x2d8: {  	[tilespmem:s1+$0x5C10] =	vst v1;
	_ =	sdelay $0x1  }
0x2d9: {  	s1 =	sshra.s32 s4, $0x2  }
0x2da: {  	[tilespmem:s1+$0x5C30] =	vst v3  }
0x2db: {  	[tilespmem:s1+$0x5C20] =	vst v2  }
0x2dc: {  	[tilespmem:s1+$0x5C00] =	vst v0  }
0x2dd: {  	[tilespmem:s1+$0x5C10] =	vst v1  }
0x2de: {  	v3 =	vld [tilespmem:$0x1030]  }
0x2df: {  	v2 =	vld [tilespmem:$0x1020]  }
0x2e0: {  	v0 =	vld [tilespmem:$0x1000]  }
0x2e1: {  	v1 =	vld [tilespmem:$0x1010]  }
0x2e2: {  	s3 =	simm.s32 $0x200;
	s1 =	simm.s32 $0x0  }
.LBB2_72:
0x2e3: {  	p0 =	sne.s32 s3, $0x7E00;
	[tilespmem:s1+$0x7C30] =	vst v3;
	s4 =	smov.u32 s3;
	s3 =	sadd.s32 $0x200, s3  }
.Ltmp35:
0x2e4: {  	[tilespmem:s1+$0x7C20] =	vst v2;
	(pc) =	sbr.rel @p0 .LBB2_72-.Ltmp35, $3  }
0x2e5: {  	[tilespmem:s1+$0x7C00] =	vst v0  }
0x2e6: {  	[tilespmem:s1+$0x7C10] =	vst v1;
	_ =	sdelay $0x1  }
0x2e7: {  	s1 =	sshra.s32 s4, $0x2  }
0x2e8: {  	[tilespmem:s1+$0x7C30] =	vst v3  }
0x2e9: {  	[tilespmem:s1+$0x7C20] =	vst v2  }
0x2ea: {  	[tilespmem:s1+$0x7C00] =	vst v0  }
0x2eb: {  	[tilespmem:s1+$0x7C10] =	vst v1  }
0x2ec: {  	v3 =	vld [tilespmem:$0x10B0]  }
0x2ed: {  	v2 =	vld [tilespmem:$0x10A0]  }
0x2ee: {  	v0 =	vld [tilespmem:$0x1080]  }
0x2ef: {  	v1 =	vld [tilespmem:$0x1090]  }
0x2f0: {  	s3 =	simm.s32 $0x200;
	s1 =	simm.s32 $0x0  }
.LBB2_74:
0x2f1: {  	p0 =	sne.s32 s3, $0x7E00;
	[tilespmem:s1+$0x9C30] =	vst v3;
	s4 =	smov.u32 s3;
	s3 =	sadd.s32 $0x200, s3  }
.Ltmp36:
0x2f2: {  	[tilespmem:s1+$0x9C20] =	vst v2;
	(pc) =	sbr.rel @p0 .LBB2_74-.Ltmp36, $3  }
0x2f3: {  	[tilespmem:s1+$0x9C00] =	vst v0  }
0x2f4: {  	[tilespmem:s1+$0x9C10] =	vst v1;
	_ =	sdelay $0x1  }
0x2f5: {  	s1 =	sshra.s32 s4, $0x2  }
0x2f6: {  	[tilespmem:s1+$0x9C30] =	vst v3  }
0x2f7: {  	[tilespmem:s1+$0x9C20] =	vst v2  }
0x2f8: {  	[tilespmem:s1+$0x9C00] =	vst v0  }
0x2f9: {  	[tilespmem:s1+$0x9C10] =	vst v1  }
0x2fa: {  	v3 =	vld [tilespmem:$0x1130]  }
0x2fb: {  	v2 =	vld [tilespmem:$0x1120]  }
0x2fc: {  	v0 =	vld [tilespmem:$0x1100]  }
0x2fd: {  	v1 =	vld [tilespmem:$0x1110]  }
0x2fe: {  	s3 =	simm.s32 $0x200;
	s1 =	simm.s32 $0x0  }
.LBB2_76:
0x2ff: {  	p0 =	sne.s32 s3, $0x7E00;
	[tilespmem:s1+$0xBC30] =	vst v3;
	s4 =	smov.u32 s3;
	s3 =	sadd.s32 $0x200, s3  }
.Ltmp37:
0x300: {  	[tilespmem:s1+$0xBC20] =	vst v2;
	(pc) =	sbr.rel @p0 .LBB2_76-.Ltmp37, $3  }
0x301: {  	[tilespmem:s1+$0xBC00] =	vst v0  }
0x302: {  	[tilespmem:s1+$0xBC10] =	vst v1;
	_ =	sdelay $0x1  }
0x303: {  	s1 =	sshra.s32 s4, $0x2  }
0x304: {  	[tilespmem:s1+$0xBC30] =	vst v3  }
0x305: {  	[tilespmem:s1+$0xBC20] =	vst v2  }
0x306: {  	[tilespmem:s1+$0xBC00] =	vst v0  }
0x307: {  	[tilespmem:s1+$0xBC10] =	vst v1;
	s22 =	simm.s32 $0x0  }
0x308: {  	[hbm4b:s2+s22] =	stream.linear.scatter [tilespmem:s26], [sflag:$0x1], $0xA000, $0x38;
	[tilespmem:$0x1E000] =	vst v63  }
0x309: {  	_ = 	snop  }
0x30a: {  	[hbm4b:s6+s22] =	stream.linear.scatter [tilespmem:s26], [sflag:$0x1], $0xA000, $0x38;
	[tilespmem:$0x1E000] =	vst v63  }
0x30b: {  	_ = 	snop  }
0x30c: {  	[hbm4b:s7+s22] =	stream.linear.scatter [tilespmem:s26], [sflag:$0x1], $0xA000, $0x38;
	[tilespmem:$0x1E000] =	vst v63  }
0x30d: {  	_ = 	snop  }
0x30e: {  	[hbm4b:s8+s22] =	stream.linear.scatter [tilespmem:s26], [sflag:$0x1], $0xA000, $0x38;
	[tilespmem:$0x1E000] =	vst v63  }
0x30f: {  	_ =	swait.ge [sflag:s29], $0xA000  }
0x310: {  	[sflag:s29] =	ssyncset.done $0x0  }
0x311: {  	[sflag:s29] =	ssyncadd.s32 $0xFFFF6000  }
0x312: {  	_ =	swait.ge [sflag:s29], $0xA000  }
0x313: {  	[sflag:s29] =	ssyncset.done $0x0  }
0x314: {  	[sflag:s29] =	ssyncadd.s32 $0xFFFF6000  }
0x315: {  	_ =	swait.ge [sflag:s29], $0xA000  }
0x316: {  	[sflag:s29] =	ssyncset.done $0x0  }
0x317: {  	[sflag:s29] =	ssyncadd.s32 $0xFFFF6000  }
0x318: {  	_ =	swait.ge [sflag:s29], $0xA000  }
0x319: {  	[sflag:s29] =	ssyncset.done $0x0  }
0x31a: {  	[sflag:s29] =	ssyncadd.s32 $0xFFFF6000  }
0x31b: {  	v3 =	vld [tilespmem:$0x11B0]  }
0x31c: {  	v2 =	vld [tilespmem:$0x11A0]  }
0x31d: {  	v0 =	vld [tilespmem:$0x1180]  }
0x31e: {  	v1 =	vld [tilespmem:$0x1190]  }
0x31f: {  	s3 =	simm.s32 $0x200;
	s1 =	simm.s32 $0x0  }
.LBB2_78:
0x320: {  	p0 =	sne.s32 s3, $0x7E00;
	[tilespmem:s1+$0xDC30] =	vst v3;
	s4 =	smov.u32 s3;
	s3 =	sadd.s32 $0x200, s3  }
.Ltmp38:
0x321: {  	[tilespmem:s1+$0xDC20] =	vst v2;
	(pc) =	sbr.rel @p0 .LBB2_78-.Ltmp38, $3  }
0x322: {  	[tilespmem:s1+$0xDC00] =	vst v0  }
0x323: {  	[tilespmem:s1+$0xDC10] =	vst v1;
	_ =	sdelay $0x1  }
0x324: {  	s1 =	sshra.s32 s4, $0x2  }
0x325: {  	[tilespmem:s1+$0xDC30] =	vst v3  }
0x326: {  	[tilespmem:s1+$0xDC20] =	vst v2  }
0x327: {  	[tilespmem:s1+$0xDC00] =	vst v0  }
0x328: {  	[tilespmem:s1+$0xDC10] =	vst v1  }
0x329: {  	v3 =	vld [tilespmem:$0x1230]  }
0x32a: {  	v2 =	vld [tilespmem:$0x1220]  }
0x32b: {  	v0 =	vld [tilespmem:$0x1200]  }
0x32c: {  	v1 =	vld [tilespmem:$0x1210]  }
0x32d: {  	s3 =	simm.s32 $0x200;
	s1 =	simm.s32 $0x0  }
.LBB2_80:
0x32e: {  	p0 =	sne.s32 s3, $0x7E00;
	[tilespmem:s1+$0xFC30] =	vst v3;
	s4 =	smov.u32 s3;
	s3 =	sadd.s32 $0x200, s3  }
.Ltmp39:
0x32f: {  	[tilespmem:s1+$0xFC20] =	vst v2;
	(pc) =	sbr.rel @p0 .LBB2_80-.Ltmp39, $3  }
0x330: {  	[tilespmem:s1+$0xFC00] =	vst v0  }
0x331: {  	[tilespmem:s1+$0xFC10] =	vst v1;
	_ =	sdelay $0x1  }
0x332: {  	s1 =	sshra.s32 s4, $0x2  }
0x333: {  	[tilespmem:s1+$0xFC30] =	vst v3  }
0x334: {  	[tilespmem:s1+$0xFC20] =	vst v2  }
0x335: {  	[tilespmem:s1+$0xFC00] =	vst v0  }
0x336: {  	[tilespmem:s1+$0xFC10] =	vst v1  }
0x337: {  	v3 =	vld [tilespmem:$0x12B0]  }
0x338: {  	v2 =	vld [tilespmem:$0x12A0]  }
0x339: {  	v0 =	vld [tilespmem:$0x1280]  }
0x33a: {  	v1 =	vld [tilespmem:$0x1290]  }
0x33b: {  	s3 =	simm.s32 $0x200;
	s1 =	simm.s32 $0x0  }
.LBB2_82:
0x33c: {  	p0 =	sne.s32 s3, $0x7E00;
	[tilespmem:s1+$0x11C30] =	vst v3;
	s4 =	smov.u32 s3;
	s3 =	sadd.s32 $0x200, s3  }
.Ltmp40:
0x33d: {  	[tilespmem:s1+$0x11C20] =	vst v2;
	(pc) =	sbr.rel @p0 .LBB2_82-.Ltmp40, $3  }
0x33e: {  	[tilespmem:s1+$0x11C00] =	vst v0  }
0x33f: {  	[tilespmem:s1+$0x11C10] =	vst v1;
	_ =	sdelay $0x1  }
0x340: {  	s1 =	sshra.s32 s4, $0x2  }
0x341: {  	[tilespmem:s1+$0x11C30] =	vst v3  }
0x342: {  	[tilespmem:s1+$0x11C20] =	vst v2  }
0x343: {  	[tilespmem:s1+$0x11C00] =	vst v0  }
0x344: {  	[tilespmem:s1+$0x11C10] =	vst v1  }
0x345: {  	v3 =	vld [tilespmem:$0x1330]  }
0x346: {  	v2 =	vld [tilespmem:$0x1320]  }
0x347: {  	v0 =	vld [tilespmem:$0x1300]  }
0x348: {  	v1 =	vld [tilespmem:$0x1310]  }
0x349: {  	s3 =	simm.s32 $0x200;
	s1 =	simm.s32 $0x0  }
.LBB2_84:
0x34a: {  	p0 =	sne.s32 s3, $0x7E00;
	[tilespmem:s1+$0x13C30] =	vst v3;
	s4 =	smov.u32 s3;
	s3 =	sadd.s32 $0x200, s3  }
.Ltmp41:
0x34b: {  	[tilespmem:s1+$0x13C20] =	vst v2;
	(pc) =	sbr.rel @p0 .LBB2_84-.Ltmp41, $3  }
0x34c: {  	[tilespmem:s1+$0x13C00] =	vst v0  }
0x34d: {  	[tilespmem:s1+$0x13C10] =	vst v1;
	_ =	sdelay $0x1  }
0x34e: {  	s1 =	sshra.s32 s4, $0x2  }
0x34f: {  	[tilespmem:s1+$0x13C30] =	vst v3  }
0x350: {  	[tilespmem:s1+$0x13C20] =	vst v2  }
0x351: {  	[tilespmem:s1+$0x13C00] =	vst v0  }
0x352: {  	[tilespmem:s1+$0x13C10] =	vst v1  }
0x353: {  	v3 =	vld [tilespmem:$0x13B0]  }
0x354: {  	v2 =	vld [tilespmem:$0x13A0]  }
0x355: {  	v0 =	vld [tilespmem:$0x1380]  }
0x356: {  	v1 =	vld [tilespmem:$0x1390]  }
0x357: {  	s3 =	simm.s32 $0x200;
	s1 =	simm.s32 $0x0  }
.LBB2_86:
0x358: {  	p0 =	sne.s32 s3, $0x7E00;
	[tilespmem:s1+$0x15C30] =	vst v3;
	s4 =	smov.u32 s3;
	s3 =	sadd.s32 $0x200, s3  }
.Ltmp42:
0x359: {  	[tilespmem:s1+$0x15C20] =	vst v2;
	(pc) =	sbr.rel @p0 .LBB2_86-.Ltmp42, $3  }
0x35a: {  	[tilespmem:s1+$0x15C00] =	vst v0  }
0x35b: {  	[tilespmem:s1+$0x15C10] =	vst v1;
	_ =	sdelay $0x1  }
0x35c: {  	s1 =	sshra.s32 s4, $0x2  }
0x35d: {  	[tilespmem:s1+$0x15C30] =	vst v3  }
0x35e: {  	[tilespmem:s1+$0x15C20] =	vst v2  }
0x35f: {  	[tilespmem:s1+$0x15C00] =	vst v0  }
0x360: {  	[tilespmem:s1+$0x15C10] =	vst v1;
	s22 =	simm.s32 $0x0  }
0x361: {  	[hbm4b:s9+s22] =	stream.linear.scatter [tilespmem:s25], [sflag:$0x2], $0xA000, $0x38;
	[tilespmem:$0x1E000] =	vst v63  }
0x362: {  	_ = 	snop  }
0x363: {  	[hbm4b:s10+s22] =	stream.linear.scatter [tilespmem:s25], [sflag:$0x2], $0xA000, $0x38;
	[tilespmem:$0x1E000] =	vst v63  }
0x364: {  	_ = 	snop  }
0x365: {  	[hbm4b:s11+s22] =	stream.linear.scatter [tilespmem:s25], [sflag:$0x2], $0xA000, $0x38;
	[tilespmem:$0x1E000] =	vst v63  }
0x366: {  	_ = 	snop  }
0x367: {  	[hbm4b:s12+s22] =	stream.linear.scatter [tilespmem:s25], [sflag:$0x2], $0xA000, $0x38;
	[tilespmem:$0x1E000] =	vst v63  }
0x368: {  	_ =	swait.ge [sflag:s28], $0xA000  }
0x369: {  	[sflag:s28] =	ssyncset.done $0x0  }
0x36a: {  	[sflag:s28] =	ssyncadd.s32 $0xFFFF6000  }
0x36b: {  	_ =	swait.ge [sflag:s28], $0xA000  }
0x36c: {  	[sflag:s28] =	ssyncset.done $0x0  }
0x36d: {  	[sflag:s28] =	ssyncadd.s32 $0xFFFF6000  }
0x36e: {  	_ =	swait.ge [sflag:s28], $0xA000  }
0x36f: {  	[sflag:s28] =	ssyncset.done $0x0  }
0x370: {  	[sflag:s28] =	ssyncadd.s32 $0xFFFF6000  }
0x371: {  	_ =	swait.ge [sflag:s28], $0xA000  }
0x372: {  	[sflag:s28] =	ssyncset.done $0x0  }
0x373: {  	[sflag:s28] =	ssyncadd.s32 $0xFFFF6000  }
0x374: {  	v3 =	vld [tilespmem:$0x1430]  }
0x375: {  	v2 =	vld [tilespmem:$0x1420]  }
0x376: {  	v0 =	vld [tilespmem:$0x1400]  }
0x377: {  	v1 =	vld [tilespmem:$0x1410]  }
0x378: {  	s3 =	simm.s32 $0x200;
	s1 =	simm.s32 $0x0  }
.LBB2_88:
0x379: {  	p0 =	sne.s32 s3, $0x7E00;
	[tilespmem:s1+$0x3C30] =	vst v3;
	s4 =	smov.u32 s3;
	s3 =	sadd.s32 $0x200, s3  }
.Ltmp43:
0x37a: {  	[tilespmem:s1+$0x3C20] =	vst v2;
	(pc) =	sbr.rel @p0 .LBB2_88-.Ltmp43, $3  }
0x37b: {  	[tilespmem:s1+$0x3C00] =	vst v0  }
0x37c: {  	[tilespmem:s1+$0x3C10] =	vst v1;
	_ =	sdelay $0x1  }
0x37d: {  	s1 =	sshra.s32 s4, $0x2  }
0x37e: {  	[tilespmem:s1+$0x3C30] =	vst v3  }
0x37f: {  	[tilespmem:s1+$0x3C20] =	vst v2  }
0x380: {  	[tilespmem:s1+$0x3C00] =	vst v0  }
0x381: {  	[tilespmem:s1+$0x3C10] =	vst v1  }
0x382: {  	v3 =	vld [tilespmem:$0x14B0]  }
0x383: {  	v2 =	vld [tilespmem:$0x14A0]  }
0x384: {  	v0 =	vld [tilespmem:$0x1480]  }
0x385: {  	v1 =	vld [tilespmem:$0x1490]  }
0x386: {  	s3 =	simm.s32 $0x200;
	s1 =	simm.s32 $0x0  }
.LBB2_90:
0x387: {  	p0 =	sne.s32 s3, $0x7E00;
	[tilespmem:s1+$0x5C30] =	vst v3;
	s4 =	smov.u32 s3;
	s3 =	sadd.s32 $0x200, s3  }
.Ltmp44:
0x388: {  	[tilespmem:s1+$0x5C20] =	vst v2;
	(pc) =	sbr.rel @p0 .LBB2_90-.Ltmp44, $3  }
0x389: {  	[tilespmem:s1+$0x5C00] =	vst v0  }
0x38a: {  	[tilespmem:s1+$0x5C10] =	vst v1;
	_ =	sdelay $0x1  }
0x38b: {  	s1 =	sshra.s32 s4, $0x2  }
0x38c: {  	[tilespmem:s1+$0x5C30] =	vst v3  }
0x38d: {  	[tilespmem:s1+$0x5C20] =	vst v2  }
0x38e: {  	[tilespmem:s1+$0x5C00] =	vst v0  }
0x38f: {  	[tilespmem:s1+$0x5C10] =	vst v1  }
0x390: {  	v3 =	vld [tilespmem:$0x1530]  }
0x391: {  	v2 =	vld [tilespmem:$0x1520]  }
0x392: {  	v0 =	vld [tilespmem:$0x1500]  }
0x393: {  	v1 =	vld [tilespmem:$0x1510]  }
0x394: {  	s3 =	simm.s32 $0x200;
	s1 =	simm.s32 $0x0  }
.LBB2_92:
0x395: {  	p0 =	sne.s32 s3, $0x7E00;
	[tilespmem:s1+$0x7C30] =	vst v3;
	s4 =	smov.u32 s3;
	s3 =	sadd.s32 $0x200, s3  }
.Ltmp45:
0x396: {  	[tilespmem:s1+$0x7C20] =	vst v2;
	(pc) =	sbr.rel @p0 .LBB2_92-.Ltmp45, $3  }
0x397: {  	[tilespmem:s1+$0x7C00] =	vst v0  }
0x398: {  	[tilespmem:s1+$0x7C10] =	vst v1;
	_ =	sdelay $0x1  }
0x399: {  	s1 =	sshra.s32 s4, $0x2  }
0x39a: {  	[tilespmem:s1+$0x7C30] =	vst v3  }
0x39b: {  	[tilespmem:s1+$0x7C20] =	vst v2  }
0x39c: {  	[tilespmem:s1+$0x7C00] =	vst v0  }
0x39d: {  	[tilespmem:s1+$0x7C10] =	vst v1  }
0x39e: {  	v3 =	vld [tilespmem:$0x15B0]  }
0x39f: {  	v2 =	vld [tilespmem:$0x15A0]  }
0x3a0: {  	v0 =	vld [tilespmem:$0x1580]  }
0x3a1: {  	v1 =	vld [tilespmem:$0x1590]  }
0x3a2: {  	s3 =	simm.s32 $0x200;
	s1 =	simm.s32 $0x0  }
.LBB2_94:
0x3a3: {  	p0 =	sne.s32 s3, $0x7E00;
	[tilespmem:s1+$0x9C30] =	vst v3;
	s4 =	smov.u32 s3;
	s3 =	sadd.s32 $0x200, s3  }
.Ltmp46:
0x3a4: {  	[tilespmem:s1+$0x9C20] =	vst v2;
	(pc) =	sbr.rel @p0 .LBB2_94-.Ltmp46, $3  }
0x3a5: {  	[tilespmem:s1+$0x9C00] =	vst v0  }
0x3a6: {  	[tilespmem:s1+$0x9C10] =	vst v1;
	_ =	sdelay $0x1  }
0x3a7: {  	s1 =	sshra.s32 s4, $0x2  }
0x3a8: {  	[tilespmem:s1+$0x9C30] =	vst v3  }
0x3a9: {  	[tilespmem:s1+$0x9C20] =	vst v2  }
0x3aa: {  	[tilespmem:s1+$0x9C00] =	vst v0  }
0x3ab: {  	[tilespmem:s1+$0x9C10] =	vst v1  }
0x3ac: {  	v3 =	vld [tilespmem:$0x1630]  }
0x3ad: {  	v2 =	vld [tilespmem:$0x1620]  }
0x3ae: {  	v0 =	vld [tilespmem:$0x1600]  }
0x3af: {  	v1 =	vld [tilespmem:$0x1610]  }
0x3b0: {  	s3 =	simm.s32 $0x200;
	s1 =	simm.s32 $0x0  }
.LBB2_96:
0x3b1: {  	p0 =	sne.s32 s3, $0x7E00;
	[tilespmem:s1+$0xBC30] =	vst v3;
	s4 =	smov.u32 s3;
	s3 =	sadd.s32 $0x200, s3  }
.Ltmp47:
0x3b2: {  	[tilespmem:s1+$0xBC20] =	vst v2;
	(pc) =	sbr.rel @p0 .LBB2_96-.Ltmp47, $3  }
0x3b3: {  	[tilespmem:s1+$0xBC00] =	vst v0  }
0x3b4: {  	[tilespmem:s1+$0xBC10] =	vst v1;
	_ =	sdelay $0x1  }
0x3b5: {  	s1 =	sshra.s32 s4, $0x2  }
0x3b6: {  	[tilespmem:s1+$0xBC30] =	vst v3  }
0x3b7: {  	[tilespmem:s1+$0xBC20] =	vst v2  }
0x3b8: {  	[tilespmem:s1+$0xBC00] =	vst v0  }
0x3b9: {  	[tilespmem:s1+$0xBC10] =	vst v1;
	s22 =	simm.s32 $0x0  }
0x3ba: {  	[hbm4b:s13+s22] =	stream.linear.scatter [tilespmem:s26], [sflag:$0x1], $0xA000, $0x38;
	[tilespmem:$0x1E000] =	vst v63  }
0x3bb: {  	_ = 	snop  }
0x3bc: {  	[hbm4b:s14+s22] =	stream.linear.scatter [tilespmem:s26], [sflag:$0x1], $0xA000, $0x38;
	[tilespmem:$0x1E000] =	vst v63  }
0x3bd: {  	_ = 	snop  }
0x3be: {  	[hbm4b:s15+s22] =	stream.linear.scatter [tilespmem:s26], [sflag:$0x1], $0xA000, $0x38;
	[tilespmem:$0x1E000] =	vst v63  }
0x3bf: {  	_ = 	snop  }
0x3c0: {  	[hbm4b:s16+s22] =	stream.linear.scatter [tilespmem:s26], [sflag:$0x1], $0xA000, $0x38;
	[tilespmem:$0x1E000] =	vst v63  }
0x3c1: {  	_ =	swait.ge [sflag:s29], $0xA000  }
0x3c2: {  	[sflag:s29] =	ssyncset.done $0x0  }
0x3c3: {  	[sflag:s29] =	ssyncadd.s32 $0xFFFF6000  }
0x3c4: {  	_ =	swait.ge [sflag:s29], $0xA000  }
0x3c5: {  	[sflag:s29] =	ssyncset.done $0x0  }
0x3c6: {  	[sflag:s29] =	ssyncadd.s32 $0xFFFF6000  }
0x3c7: {  	_ =	swait.ge [sflag:s29], $0xA000  }
0x3c8: {  	[sflag:s29] =	ssyncset.done $0x0  }
0x3c9: {  	[sflag:s29] =	ssyncadd.s32 $0xFFFF6000  }
0x3ca: {  	_ =	swait.ge [sflag:s29], $0xA000  }
0x3cb: {  	[sflag:s29] =	ssyncset.done $0x0  }
0x3cc: {  	[sflag:s29] =	ssyncadd.s32 $0xFFFF6000  }
0x3cd: {  	v3 =	vld [tilespmem:$0x16B0]  }
0x3ce: {  	v2 =	vld [tilespmem:$0x16A0]  }
0x3cf: {  	v0 =	vld [tilespmem:$0x1680]  }
0x3d0: {  	v1 =	vld [tilespmem:$0x1690]  }
0x3d1: {  	s3 =	simm.s32 $0x200;
	s1 =	simm.s32 $0x0  }
.LBB2_98:
0x3d2: {  	p0 =	sne.s32 s3, $0x7E00;
	[tilespmem:s1+$0xDC30] =	vst v3;
	s4 =	smov.u32 s3;
	s3 =	sadd.s32 $0x200, s3  }
.Ltmp48:
0x3d3: {  	[tilespmem:s1+$0xDC20] =	vst v2;
	(pc) =	sbr.rel @p0 .LBB2_98-.Ltmp48, $3  }
0x3d4: {  	[tilespmem:s1+$0xDC00] =	vst v0  }
0x3d5: {  	[tilespmem:s1+$0xDC10] =	vst v1;
	_ =	sdelay $0x1  }
0x3d6: {  	s1 =	sshra.s32 s4, $0x2  }
0x3d7: {  	[tilespmem:s1+$0xDC30] =	vst v3  }
0x3d8: {  	[tilespmem:s1+$0xDC20] =	vst v2  }
0x3d9: {  	[tilespmem:s1+$0xDC00] =	vst v0  }
0x3da: {  	[tilespmem:s1+$0xDC10] =	vst v1  }
0x3db: {  	v3 =	vld [tilespmem:$0x1730]  }
0x3dc: {  	v2 =	vld [tilespmem:$0x1720]  }
0x3dd: {  	v0 =	vld [tilespmem:$0x1700]  }
0x3de: {  	v1 =	vld [tilespmem:$0x1710]  }
0x3df: {  	s3 =	simm.s32 $0x200;
	s1 =	simm.s32 $0x0  }
.LBB2_100:
0x3e0: {  	p0 =	sne.s32 s3, $0x7E00;
	[tilespmem:s1+$0xFC30] =	vst v3;
	s4 =	smov.u32 s3;
	s3 =	sadd.s32 $0x200, s3  }
.Ltmp49:
0x3e1: {  	[tilespmem:s1+$0xFC20] =	vst v2;
	(pc) =	sbr.rel @p0 .LBB2_100-.Ltmp49, $3  }
0x3e2: {  	[tilespmem:s1+$0xFC00] =	vst v0  }
0x3e3: {  	[tilespmem:s1+$0xFC10] =	vst v1;
	_ =	sdelay $0x1  }
0x3e4: {  	s1 =	sshra.s32 s4, $0x2  }
0x3e5: {  	[tilespmem:s1+$0xFC30] =	vst v3  }
0x3e6: {  	[tilespmem:s1+$0xFC20] =	vst v2  }
0x3e7: {  	[tilespmem:s1+$0xFC00] =	vst v0  }
0x3e8: {  	[tilespmem:s1+$0xFC10] =	vst v1  }
0x3e9: {  	v3 =	vld [tilespmem:$0x17B0]  }
0x3ea: {  	v2 =	vld [tilespmem:$0x17A0]  }
0x3eb: {  	v0 =	vld [tilespmem:$0x1780]  }
0x3ec: {  	v1 =	vld [tilespmem:$0x1790]  }
0x3ed: {  	s3 =	simm.s32 $0x200;
	s1 =	simm.s32 $0x0  }
.LBB2_102:
0x3ee: {  	p0 =	sne.s32 s3, $0x7E00;
	[tilespmem:s1+$0x11C30] =	vst v3;
	s4 =	smov.u32 s3;
	s3 =	sadd.s32 $0x200, s3  }
.Ltmp50:
0x3ef: {  	[tilespmem:s1+$0x11C20] =	vst v2;
	(pc) =	sbr.rel @p0 .LBB2_102-.Ltmp50, $3  }
0x3f0: {  	[tilespmem:s1+$0x11C00] =	vst v0  }
0x3f1: {  	[tilespmem:s1+$0x11C10] =	vst v1;
	_ =	sdelay $0x1  }
0x3f2: {  	s1 =	sshra.s32 s4, $0x2  }
0x3f3: {  	[tilespmem:s1+$0x11C30] =	vst v3  }
0x3f4: {  	[tilespmem:s1+$0x11C20] =	vst v2  }
0x3f5: {  	[tilespmem:s1+$0x11C00] =	vst v0  }
0x3f6: {  	[tilespmem:s1+$0x11C10] =	vst v1  }
0x3f7: {  	v3 =	vld [tilespmem:$0x1830]  }
0x3f8: {  	v2 =	vld [tilespmem:$0x1820]  }
0x3f9: {  	v0 =	vld [tilespmem:$0x1800]  }
0x3fa: {  	v1 =	vld [tilespmem:$0x1810]  }
0x3fb: {  	s3 =	simm.s32 $0x200;
	s1 =	simm.s32 $0x0  }
.LBB2_104:
0x3fc: {  	p0 =	sne.s32 s3, $0x7E00;
	[tilespmem:s1+$0x13C30] =	vst v3;
	s4 =	smov.u32 s3;
	s3 =	sadd.s32 $0x200, s3  }
.Ltmp51:
0x3fd: {  	[tilespmem:s1+$0x13C20] =	vst v2;
	(pc) =	sbr.rel @p0 .LBB2_104-.Ltmp51, $3  }
0x3fe: {  	[tilespmem:s1+$0x13C00] =	vst v0  }
0x3ff: {  	[tilespmem:s1+$0x13C10] =	vst v1;
	_ =	sdelay $0x1  }
0x400: {  	s1 =	sshra.s32 s4, $0x2  }
0x401: {  	[tilespmem:s1+$0x13C30] =	vst v3  }
0x402: {  	[tilespmem:s1+$0x13C20] =	vst v2  }
0x403: {  	[tilespmem:s1+$0x13C00] =	vst v0  }
0x404: {  	[tilespmem:s1+$0x13C10] =	vst v1  }
0x405: {  	v3 =	vld [tilespmem:$0x18B0]  }
0x406: {  	v2 =	vld [tilespmem:$0x18A0]  }
0x407: {  	v0 =	vld [tilespmem:$0x1880]  }
0x408: {  	v1 =	vld [tilespmem:$0x1890]  }
0x409: {  	s3 =	simm.s32 $0x200;
	s1 =	simm.s32 $0x0  }
.LBB2_106:
0x40a: {  	p0 =	sne.s32 s3, $0x7E00;
	[tilespmem:s1+$0x15C30] =	vst v3;
	s4 =	smov.u32 s3;
	s3 =	sadd.s32 $0x200, s3  }
.Ltmp52:
0x40b: {  	[tilespmem:s1+$0x15C20] =	vst v2;
	(pc) =	sbr.rel @p0 .LBB2_106-.Ltmp52, $3  }
0x40c: {  	[tilespmem:s1+$0x15C00] =	vst v0  }
0x40d: {  	[tilespmem:s1+$0x15C10] =	vst v1;
	_ =	sdelay $0x1  }
0x40e: {  	s1 =	sshra.s32 s4, $0x2  }
0x40f: {  	[tilespmem:s1+$0x15C30] =	vst v3  }
0x410: {  	[tilespmem:s1+$0x15C20] =	vst v2  }
0x411: {  	[tilespmem:s1+$0x15C00] =	vst v0  }
0x412: {  	[tilespmem:s1+$0x15C10] =	vst v1  }
0x413: {  	[hbm4b:s17+s5] =	stream.linear.scatter [tilespmem:s25], [sflag:$0x2], $0xA000, $0x38;
	[tilespmem:$0x1E000] =	vst v63  }
0x414: {  	_ = 	snop  }
0x415: {  	[hbm4b:s18+s5] =	stream.linear.scatter [tilespmem:s25], [sflag:$0x2], $0xA000, $0x38;
	[tilespmem:$0x1E000] =	vst v63  }
0x416: {  	_ = 	snop  }
0x417: {  	[hbm4b:s19+s5] =	stream.linear.scatter [tilespmem:s25], [sflag:$0x2], $0xA000, $0x38;
	[tilespmem:$0x1E000] =	vst v63  }
0x418: {  	_ = 	snop  }
0x419: {  	[hbm4b:s20+s5] =	stream.linear.scatter [tilespmem:s25], [sflag:$0x2], $0xA000, $0x38;
	[tilespmem:$0x1E000] =	vst v63  }
0x41a: {  	_ =	swait.ge [sflag:s28], $0xA000  }
0x41b: {  	[sflag:s28] =	ssyncset.done $0x0  }
0x41c: {  	[sflag:s28] =	ssyncadd.s32 $0xFFFF6000  }
0x41d: {  	_ =	swait.ge [sflag:s28], $0xA000  }
0x41e: {  	[sflag:s28] =	ssyncset.done $0x0  }
0x41f: {  	[sflag:s28] =	ssyncadd.s32 $0xFFFF6000  }
0x420: {  	_ =	swait.ge [sflag:s28], $0xA000  }
0x421: {  	[sflag:s28] =	ssyncset.done $0x0  }
0x422: {  	[sflag:s28] =	ssyncadd.s32 $0xFFFF6000  }
0x423: {  	_ =	swait.ge [sflag:s28], $0xA000  }
0x424: {  	[sflag:s28] =	ssyncset.done $0x0  }
0x425: {  	[sflag:s28] =	ssyncadd.s32 $0xFFFF6000  }
0x426: {  	_ =	swait.ge [sflag:s29], $0xA000  }
0x427: {  	[sflag:s29] =	ssyncset.done $0x0  }
0x428: {  	[sflag:s29] =	ssyncadd.s32 $0xFFFF6000  }
0x429: {  	_ =	swait.ge [sflag:s29], $0xA000  }
0x42a: {  	[sflag:s29] =	ssyncset.done $0x0  }
0x42b: {  	[sflag:s29] =	ssyncadd.s32 $0xFFFF6000  }
0x42c: {  	_ =	swait.ge [sflag:s29], $0xA000  }
0x42d: {  	[sflag:s29] =	ssyncset.done $0x0  }
0x42e: {  	[sflag:s29] =	ssyncadd.s32 $0xFFFF6000  }
0x42f: {  	_ =	swait.ge [sflag:s29], $0xA000  }
0x430: {  	[sflag:s29] =	ssyncset.done $0x0  }
0x431: {  	[sflag:s29] =	ssyncadd.s32 $0xFFFF6000  }
0x432: {  	_ =	swait.ge [sflag:s30], $0xC800  }
0x433: {  	[sflag:s30] =	ssyncset.done $0x0  }
0x434: {  	[sflag:s30] =	ssyncadd.s32 $0xFFFF3800  }
0x435: {  	_ =	swait.ge [sflag:s30], $0xC800  }
0x436: {  	[sflag:s30] =	ssyncset.done $0x0  }
0x437: {  	s31 =	sadd.s32 $0x1, s31;
	[sflag:s30] =	ssyncadd.s32 $0xFFFF3800  }
0x438: {  	p0 =	sne.s32 s31, s21;
	_ =	swait.ge [sflag:s30], $0xC800  }
.Ltmp53:
0x439: {  	[sflag:s30] =	ssyncset.done $0x0;
	(pc) =	sbr.rel @p0 .LBB2_1-.Ltmp53, $4  }
0x43a: {  	[sflag:s30] =	ssyncadd.s32 $0xFFFF3800  }
0x43b: {  	_ =	swait.ge [sflag:s30], $0xC800  }
0x43c: {  	[sflag:s30] =	ssyncset.done $0x0  }
0x43d: {  	[sflag:s30] =	ssyncadd.s32 $0xFFFF3800  }
0x43e: {  	_ =	sfence.sel $0x180000  }
0x43f: {  	[bflag:$0x0] =	sbarrier.arrive $0xFFFF  }
0x440: {  	_ =	strace $0x90000047  }
0x441: {  	s0 =	stileid.u32;
	[bflag:$0x2] =	sbarrier.arrive $0xFFFF  }
0x442: {  	p0 =	sne.s32 s0, $0x0;
	s0 =	rddreg [dreg:$0x4]  }
0x443: {  	s0 =	sadd.s32 @!p0 $0x100000, s0  }
0x444: {  	[sflag:s0] =	ssyncadd.tile.s32 @!p0 $0x1;
	_ =	shalt  }
.Lfunc_end2:
_tile_overlayer_lowered:
.L_overlay_start_2:
0x445: {  	(tag) =	ssettag $0x2  }
0x446: {  	s0 =	rddreg [dreg:$0x0];
	s2 =	stileid.u32  }
0x447: {  	s1 =	rddreg [dreg:$0x1];
	p0 =	sne.s32 s2, $0x0  }
0x448: {  	s3 =	rddreg [dreg:$0x2];
	[bflag:$0x3] =	sbarrier.arrive $0xFFFF;
	s2 =	simm.s32 @!p0 $0x1C04  }
0x449: {  	[timem:s3], [sflag:s2] =	dma.local @!p0 [hbm:s0], s1  }
0x44a: {  	s0 =	simm.s32 @!p0 $0x4  }
0x44b: {  	_ =	swait.ge @!p0 [sflag:s0], s1  }
0x44c: {  	s1 =	ssub.s32 @!p0 $0x0, s1;
	[sflag:s0] =	ssyncset.done @!p0 $0x0  }
0x44d: {  	[sflag:s0] =	ssyncadd.s32 @!p0 s1  }
0x44e: {  	[bflag:$0x3] =	sbarrier.arrive $0xFFFF  }
0x44f: {  	_ =	shalt  }

</sc_bundles>
